<compile_context>
chip_gen: v7x
topology: tpu7x:2x2x1
jax: 0.10.2.dev20260603
libtpu: 0.0.44.dev20260713+nightly
codegen_flags: <defaults>
</compile_context>

<pallas_src>
import dataclasses

import jax
import jax.numpy as jnp
from jax import lax
from jax.experimental import pallas as pl
from jax.experimental.pallas import tpu as pltpu
from jax.experimental.pallas import tpu_sc as plsc

N = 10000
NP = 10240
E = 320000
D = 128

NC = 2
NS = 16
L = 16
NW = NC * NS
EB = 80
NB = 128
EPT = NB * EB
EPAD = NW * EPT
RPT = NP // NS
GQ = 4
IQ = 8

_mesh = plsc.VectorSubcoreMesh(core_axis_name="c", subcore_axis_name="s")


def _make_sc_agg():
    scratch = (
        [pltpu.VMEM((EB,), jnp.int32) for _ in range(IQ)]
        + [pltpu.VMEM((EB,), jnp.int32) for _ in range(IQ)]
        + [pltpu.VMEM((EB, D), jnp.float32) for _ in range(GQ)]
        + [pltpu.VMEM_SHARED((NP, D), jnp.float32)]
        + [pltpu.SemaphoreType.DMA for _ in range(GQ + IQ)]
    )

    def body(h_hbm, row_hbm, col_hbm, out_hbm, *rest):
        rcur = rest[:IQ]
        ccur = rest[IQ:2 * IQ]
        bufs = rest[2 * IQ:2 * IQ + GQ]
        acc = rest[2 * IQ + GQ]
        gsem = rest[2 * IQ + GQ + 1:2 * IQ + GQ + 1 + GQ]
        isem = rest[2 * IQ + GQ + 1 + GQ:]

        cid = lax.axis_index("c")
        sid = lax.axis_index("s")
        wid = sid * NC + cid

        zval = jnp.zeros((L,), jnp.float32)

        @pl.loop(0, EB)
        def _(r):
            @pl.loop(0, D, step=L)
            def _(c0):
                bufs[0][r, pl.ds(c0, L)] = zval

        @pl.loop(0, RPT // EB)
        def _(z):
            base = pl.multiple_of(sid * RPT + z * EB, EB)
            pltpu.sync_copy(bufs[0], acc.at[pl.ds(base, EB)])

        plsc.subcore_barrier()

        def idx_start(b, sl):
            base = pl.multiple_of(wid * EPT + b * EB, EB)
            pltpu.async_copy(row_hbm.at[pl.ds(base, EB)], rcur[sl], isem[sl])
            pltpu.async_copy(col_hbm.at[pl.ds(base, EB)], ccur[sl], isem[sl])

        def idx_wait(sl):
            pltpu.make_async_copy(
                row_hbm.at[pl.ds(0, EB)], rcur[sl], isem[sl]).wait()
            pltpu.make_async_copy(
                col_hbm.at[pl.ds(0, EB)], ccur[sl], isem[sl]).wait()

        def gather_start(bs, isl):
            pltpu.async_copy(h_hbm.at[rcur[isl]], bufs[bs], gsem[bs])

        def gather_wait(bs, isl):
            pltpu.make_async_copy(h_hbm.at[rcur[isl]], bufs[bs], gsem[bs]).wait()

        def scatter(bs, isl):
            pltpu.sync_copy(bufs[bs], acc.at[ccur[isl]], add=True)

        for sl in range(IQ):
            idx_start(sl, sl)
        for j in range(GQ):
            idx_wait(j)
            gather_start(j, j)

        @pl.loop(0, NB // IQ)
        def _(m):
            for j in range(IQ):
                b = IQ * m + j
                bs = j % GQ
                gather_wait(bs, j)
                scatter(bs, j)

                @pl.when(b + GQ < NB)
                def _():
                    idx_wait((j + GQ) % IQ)
                    gather_start(bs, (j + GQ) % IQ)

                @pl.when(b + IQ < NB)
                def _():
                    idx_start(b + IQ, j)

        plsc.subcore_barrier()

        base = pl.multiple_of(sid * RPT, RPT)
        pltpu.sync_copy(acc.at[pl.ds(base, RPT)], out_hbm.at[cid, pl.ds(base, RPT)])

    out_type = jax.ShapeDtypeStruct((NC, NP, D), jnp.float32)
    return pl.kernel(body, out_type=out_type, mesh=_mesh, scratch_types=scratch)


_sc_agg = _make_sc_agg()


def _sc_hist_body(col_hbm, out_hbm, cidx, hist):
    cid = lax.axis_index("c")
    sid = lax.axis_index("s")
    wid = sid * NC + cid

    zval = jnp.zeros((L,), jnp.float32)

    @pl.loop(0, NP, step=L)
    def _(i):
        hist[pl.ds(i, L)] = zval

    base = pl.multiple_of(wid * EPT, EPT)
    pltpu.sync_copy(col_hbm.at[pl.ds(base, EPT)], cidx)
    ones = jnp.ones((L,), jnp.float32)

    @pl.loop(0, EPT, step=L)
    def _(e):
        idx = cidx[pl.ds(e, L)]
        plsc.addupdate_scatter(hist, [idx], ones)

    obase = pl.multiple_of(wid * NP, NP)
    pltpu.sync_copy(hist, out_hbm.at[pl.ds(obase, NP)])


_sc_cp = pltpu.CompilerParams()
if "needs_layout_passes" in pltpu.CompilerParams.__dataclass_fields__:
    _sc_cp = dataclasses.replace(_sc_cp, needs_layout_passes=False)

_sc_hist = pl.kernel(
    _sc_hist_body,
    out_type=jax.ShapeDtypeStruct((NW * NP,), jnp.float32),
    mesh=_mesh,
    scratch_types=[
        pltpu.VMEM((EPT,), jnp.int32),
        pltpu.VMEM((NP,), jnp.float32),
    ],
    compiler_params=_sc_cp,
)


_RB = 1024
_G = NP // _RB


def _tc_scale_body(hist, x, w, h1p, dis):
    ones32 = jnp.ones((NW, 1), jnp.float32)
    cnt = lax.dot_general(hist[...], ones32,
                          dimension_numbers=(((0,), (0,)), ((), ())),
                          preferred_element_type=jnp.float32)
    d = lax.rsqrt(cnt + 1.0)
    h = jnp.dot(x[...], w[...], preferred_element_type=jnp.float32)
    h1p[...] = h * d
    dis[...] = d


_tc_scale = pl.pallas_call(
    _tc_scale_body,
    grid=(_G,),
    in_specs=[
        pl.BlockSpec((NW, _RB), lambda i: (0, i)),
        pl.BlockSpec((_RB, D), lambda i: (i, 0)),
        pl.BlockSpec((D, D), lambda i: (0, 0)),
    ],
    out_specs=[
        pl.BlockSpec((_RB, D), lambda i: (i, 0)),
        pl.BlockSpec((_RB, 1), lambda i: (i, 0)),
    ],
    out_shape=[
        jax.ShapeDtypeStruct((N, D), jnp.float32),
        jax.ShapeDtypeStruct((N, 1), jnp.float32),
    ],
)


def _tc_mid_body(aggp, h1p, dis, b1, w2, h2p):
    s = aggp[0] + aggp[1] + h1p[...]
    out1 = s * dis[...] + b1[...]
    h2 = jnp.dot(out1, w2[...], preferred_element_type=jnp.float32)
    h2p[...] = h2 * dis[...]


_tc_mid = pl.pallas_call(
    _tc_mid_body,
    grid=(_G,),
    in_specs=[
        pl.BlockSpec((NC, _RB, D), lambda i: (0, i, 0)),
        pl.BlockSpec((_RB, D), lambda i: (i, 0)),
        pl.BlockSpec((_RB, 1), lambda i: (i, 0)),
        pl.BlockSpec((1, D), lambda i: (0, 0)),
        pl.BlockSpec((D, D), lambda i: (0, 0)),
    ],
    out_specs=pl.BlockSpec((_RB, D), lambda i: (i, 0)),
    out_shape=jax.ShapeDtypeStruct((N, D), jnp.float32),
)


def _tc_final_body(aggp, h2p, dis, b2, out):
    s = aggp[0] + aggp[1] + h2p[...]
    z = s * dis[...] + b2[...]
    m = jnp.max(z, axis=-1, keepdims=True)
    lse = jnp.log(jnp.sum(jnp.exp(z - m), axis=-1, keepdims=True)) + m
    out[...] = z - lse


_tc_final = pl.pallas_call(
    _tc_final_body,
    grid=(_G,),
    in_specs=[
        pl.BlockSpec((NC, _RB, D), lambda i: (0, i, 0)),
        pl.BlockSpec((_RB, D), lambda i: (i, 0)),
        pl.BlockSpec((_RB, 1), lambda i: (i, 0)),
        pl.BlockSpec((1, D), lambda i: (0, 0)),
    ],
    out_specs=pl.BlockSpec((_RB, D), lambda i: (i, 0)),
    out_shape=jax.ShapeDtypeStruct((N, D), jnp.float32),
)


def kernel(x, edge_index, W1, b1, W2, b2):
    ei = edge_index.astype(jnp.int32)
    row = ei[0]
    col = ei[1]
    npad = EPAD - E
    spread = jnp.arange(npad, dtype=jnp.int32)
    rowp = jnp.concatenate([row, spread % N])
    colp = jnp.concatenate([col, N + spread % (NP - N)])
    hist = _sc_hist(colp).reshape(NW, NP)
    h1p, dis = _tc_scale(hist, x, W1)
    agg1 = _sc_agg(h1p, rowp, colp)
    h2p = _tc_mid(agg1, h1p, dis, b1.reshape(1, D), W2)
    agg2 = _sc_agg(h2p, rowp, colp)
    return _tc_final(agg2, h2p, dis, b2.reshape(1, D))

# --- scband reference (transcript-rebuilt; emitter-appended) ---
"""Pipeline reference for scband-sgc-87084756893759 (READ-ONLY COPY).

The authoritative reference and input builder live on the scoring server;
editing this copy changes nothing except your own understanding.
"""

import jax, jax.numpy as jnp
import numpy as np

N_NODES = 10000
N_EDGES = 320000
DIM_IN = 128
DIM_HIDDEN = 128
DIM_OUT = 128


def _glorot(key, shape):
    limit = float(np.sqrt(6.0 / (shape[0] + shape[1])))
    return jax.random.uniform(key, shape, dtype=jnp.float32, minval=-limit, maxval=limit)


def setup_inputs(seed: int = 0) -> dict:
    key = jax.random.key(seed)
    k_x, k_e, k_w1, k_w2 = jax.random.split(key, 4)
    x = jax.random.normal(k_x, (N_NODES, DIM_IN), dtype=jnp.float32)
    edge_index = jax.random.randint(k_e, (2, N_EDGES), 0, N_NODES, dtype=jnp.int64)
    W1 = _glorot(k_w1, (DIM_IN, DIM_HIDDEN))
    b1 = jnp.zeros((DIM_HIDDEN,), dtype=jnp.float32)
    W2 = _glorot(k_w2, (DIM_HIDDEN, DIM_OUT))
    b2 = jnp.zeros((DIM_OUT,), dtype=jnp.float32)
    return {"x": x, "edge_index": edge_index, "W1": W1, "b1": b1, "W2": W2, "b2": b2}


def gcn_conv(x, edge_index, W, b):
    # GCNConv (PyG semantics): linear transform, add self-loops,
    # symmetric normalization deg^-1/2 A_hat deg^-1/2, scatter-add aggregation, bias.
    num_nodes = x.shape[0]
    h = x @ W
    loop = jnp.arange(num_nodes, dtype=edge_index.dtype)
    row = jnp.concatenate([edge_index[0], loop], axis=0)
    col = jnp.concatenate([edge_index[1], loop], axis=0)
    ones = jnp.ones(row.shape[0], dtype=h.dtype)
    deg = jnp.zeros((num_nodes,), dtype=h.dtype).at[col].add(ones)
    deg_inv_sqrt = jnp.where(deg > 0, jax.lax.rsqrt(jnp.maximum(deg, 1e-12)), 0.0)
    norm = deg_inv_sqrt[row] * deg_inv_sqrt[col]
    msgs = h[row] * norm[:, None]
    out = jnp.zeros_like(h).at[col].add(msgs)
    return out + b


def reference(x, edge_index, W1, b1, W2, b2):
    # SGC.forward: dropout(p=0) -> conv1 -> dropout -> conv2 -> log_softmax
    h = gcn_conv(x, edge_index, W1, b1)
    h = gcn_conv(h, edge_index, W2, b2)
    return jax.nn.log_softmax(h, axis=-1)

if __name__ == "__main__":
    import jax
    _d = setup_inputs()
    print(jax.jit(kernel)(*tuple(_d.values())))

</pallas_src>

<mosaic_0001>
#map = affine_map<(d0, d1) -> (0)>
module attributes {stable_mosaic.version = 14 : i64} {
  func.func @_sc_hist_body(%arg0: i32, %arg1: i32, %arg2: memref<327680xi32, #tpu.memory_space<hbm>>, %arg3: memref<327680xf32, #tpu.memory_space<hbm>>, %arg4: memref<10240xi32, #tpu.memory_space<vmem>>, %arg5: memref<10240xf32, #tpu.memory_space<vmem>>) attributes {dimension_semantics = [#tpu.dimension_semantics<core_parallel>, #tpu.dimension_semantics<subcore_parallel>], iteration_bounds = array<i64: 2, 16>, scalar_prefetch = 0 : i64, scratch_operands = 2 : i64, tpu.core_type = #tpu.core_type<sc_vector_subcore>, window_params = [{transform_indices = #map}, {transform_indices = #map}]} {
    %mul3A = arith.constant 2 : i32
    %mul3A_0 = arith.muli %arg1, %mul3A : i32
    %add3A = arith.addi %mul3A_0, %arg0 : i32
    %broadcast_in_dim3A = arith.constant 0.000000e+00 : f32
    %broadcast_in_dim3A_1 = vector.broadcast %broadcast_in_dim3A : f32 to vector<16xf32>
    %scan3A = arith.constant 0 : i32
    %scan3A_2 = arith.constant 640 : i32
    %scan3A_3 = arith.addi %scan3A, %scan3A_2 : i32
    %scan3A_4 = arith.constant 1 : i32
    scf.for %scan3A_18 = %scan3A to %scan3A_3 step %scan3A_4  : i32 {
      %mul3A_19 = arith.constant 16 : i32
      %mul3A_20 = arith.muli %scan3A_18, %mul3A_19 : i32
      %add3A_21 = arith.constant 0 : i32
      %add3A_22 = arith.addi %add3A_21, %mul3A_20 : i32
      %swap3A = arith.index_cast %add3A_22 : i32 to index
      %swap3A_23 = tpu.vector_load %arg5[%swap3A] {strides = array<i32>} : memref<10240xf32, #tpu.memory_space<vmem>>, vector<16xf32>,
      tpu.vector_store %arg5[%swap3A], %broadcast_in_dim3A_1 {strides = array<i32>} : memref<10240xf32, #tpu.memory_space<vmem>>, vector<16xf32>,
    }
    %scan3A_5 = arith.constant 640 : i32
    %mul3A_6 = arith.constant 10240 : i32
    %mul3A_7 = arith.muli %add3A, %mul3A_6 : i32
    %multiple_of3A = tpu.assume_multiple %mul3A_7, 10240 : i32
    "tpu.region"() ({
      %run_scoped3A = tpu.sem_alloc : memref<!tpu.dma_semaphore, #tpu.memory_space<semaphore_mem>>
      %dma_start3A = tpu.memref_slice %arg2[%multiple_of3A] : memref<327680xi32, #tpu.memory_space<hbm>> -> memref<10240xi32, #tpu.memory_space<hbm>>
      %dma_start3A_18 = tpu.memref_slice %arg2[%multiple_of3A] : memref<327680xi32, #tpu.memory_space<hbm>> -> memref<10240xi32, #tpu.memory_space<hbm>>
      tpu.enqueue_dma source(%dma_start3A_18 : memref<10240xi32, #tpu.memory_space<hbm>>) target(%arg4 : memref<10240xi32, #tpu.memory_space<vmem>>) target_semaphore(%run_scoped3A : memref<!tpu.dma_semaphore, #tpu.memory_space<semaphore_mem>>)
      %dma_wait3A = tpu.memref_slice %arg2[%multiple_of3A] : memref<327680xi32, #tpu.memory_space<hbm>> -> memref<10240xi32, #tpu.memory_space<hbm>>
      %dma_wait3A_19 = tpu.memref_slice %arg2[%multiple_of3A] : memref<327680xi32, #tpu.memory_space<hbm>> -> memref<10240xi32, #tpu.memory_space<hbm>>
      tpu.wait_dma2 semaphore(%run_scoped3A : memref<!tpu.dma_semaphore, #tpu.memory_space<semaphore_mem>>) src(%dma_wait3A_19 : memref<10240xi32, #tpu.memory_space<hbm>>) dst(%arg4 : memref<10240xi32, #tpu.memory_space<vmem>>)
      tpu.yield
    }) : () -> ()
    %broadcast_in_dim3A_8 = arith.constant 1.000000e+00 : f32
    %broadcast_in_dim3A_9 = vector.broadcast %broadcast_in_dim3A_8 : f32 to vector<16xf32>
    %scan3A_10 = arith.constant 0 : i32
    %scan3A_11 = arith.constant 640 : i32
    %scan3A_12 = arith.addi %scan3A_10, %scan3A_11 : i32
    %scan3A_13 = arith.constant 1 : i32
    scf.for %scan3A_18 = %scan3A_10 to %scan3A_12 step %scan3A_13  : i32 {
      %mul3A_19 = arith.constant 16 : i32
      %mul3A_20 = arith.muli %scan3A_18, %mul3A_19 : i32
      %add3A_21 = arith.constant 0 : i32
      %add3A_22 = arith.addi %add3A_21, %mul3A_20 : i32
      %get3A = arith.index_cast %add3A_22 : i32 to index
      %get3A_23 = tpu.vector_load %arg4[%get3A] {strides = array<i32>} : memref<10240xi32, #tpu.memory_space<vmem>>, vector<16xi32>,
      tpu.vector_store_idx %arg5[%get3A_23], %broadcast_in_dim3A_9 {add = true} : memref<10240xf32, #tpu.memory_space<vmem>>[vector<16xi32>], vector<16xf32>,
    }
    %scan3A_14 = arith.constant 640 : i32
    %mul3A_15 = arith.constant 10240 : i32
    %mul3A_16 = arith.muli %add3A, %mul3A_15 : i32
    %multiple_of3A_17 = tpu.assume_multiple %mul3A_16, 10240 : i32
    "tpu.region"() ({
      %run_scoped3A = tpu.sem_alloc : memref<!tpu.dma_semaphore, #tpu.memory_space<semaphore_mem>>
      %dma_start3A = tpu.memref_slice %arg3[%multiple_of3A_17] : memref<327680xf32, #tpu.memory_space<hbm>> -> memref<10240xf32, #tpu.memory_space<hbm>>
      %dma_start3A_18 = tpu.memref_slice %arg3[%multiple_of3A_17] : memref<327680xf32, #tpu.memory_space<hbm>> -> memref<10240xf32, #tpu.memory_space<hbm>>
      tpu.enqueue_dma source(%arg5 : memref<10240xf32, #tpu.memory_space<vmem>>) target(%dma_start3A_18 : memref<10240xf32, #tpu.memory_space<hbm>>) target_semaphore(%run_scoped3A : memref<!tpu.dma_semaphore, #tpu.memory_space<semaphore_mem>>)
      %dma_wait3A = tpu.memref_slice %arg3[%multiple_of3A_17] : memref<327680xf32, #tpu.memory_space<hbm>> -> memref<10240xf32, #tpu.memory_space<hbm>>
      %dma_wait3A_19 = tpu.memref_slice %arg3[%multiple_of3A_17] : memref<327680xf32, #tpu.memory_space<hbm>> -> memref<10240xf32, #tpu.memory_space<hbm>>
      tpu.wait_dma2 semaphore(%run_scoped3A : memref<!tpu.dma_semaphore, #tpu.memory_space<semaphore_mem>>) src(%arg5 : memref<10240xf32, #tpu.memory_space<vmem>>) dst(%dma_wait3A_19 : memref<10240xf32, #tpu.memory_space<hbm>>)
      tpu.yield
    }) : () -> ()
    return
  }
}

#map = affine_map<(d0, d1) -> (0, 0)>
#map1 = affine_map<(d0, d1) -> (0)>
#map2 = affine_map<(d0, d1) -> (0, 0, 0)>
module attributes {stable_mosaic.version = 14 : i64} {
  func.func @body(%arg0: i32, %arg1: i32, %arg2: memref<10000x128xf32, #tpu.memory_space<hbm>>, %arg3: memref<327680xi32, #tpu.memory_space<hbm>>, %arg4: memref<327680xi32, #tpu.memory_space<hbm>>, %arg5: memref<2x10240x128xf32, #tpu.memory_space<hbm>>, %arg6: memref<80xi32, #tpu.memory_space<vmem>>, %arg7: memref<80xi32, #tpu.memory_space<vmem>>, %arg8: memref<80xi32, #tpu.memory_space<vmem>>, %arg9: memref<80xi32, #tpu.memory_space<vmem>>, %arg10: memref<80xi32, #tpu.memory_space<vmem>>, %arg11: memref<80xi32, #tpu.memory_space<vmem>>, %arg12: memref<80xi32, #tpu.memory_space<vmem>>, %arg13: memref<80xi32, #tpu.memory_space<vmem>>, %arg14: memref<80xi32, #tpu.memory_space<vmem>>, %arg15: memref<80xi32, #tpu.memory_space<vmem>>, %arg16: memref<80xi32, #tpu.memory_space<vmem>>, %arg17: memref<80xi32, #tpu.memory_space<vmem>>, %arg18: memref<80xi32, #tpu.memory_space<vmem>>, %arg19: memref<80xi32, #tpu.memory_space<vmem>>, %arg20: memref<80xi32, #tpu.memory_space<vmem>>, %arg21: memref<80xi32, #tpu.memory_space<vmem>>, %arg22: memref<80x128xf32, #tpu.memory_space<vmem>>, %arg23: memref<80x128xf32, #tpu.memory_space<vmem>>, %arg24: memref<80x128xf32, #tpu.memory_space<vmem>>, %arg25: memref<80x128xf32, #tpu.memory_space<vmem>>, %arg26: memref<10240x128xf32, #tpu.memory_space<vmem_shared>>, %arg27: memref<!tpu.dma_semaphore, #tpu.memory_space<semaphore_mem>>, %arg28: memref<!tpu.dma_semaphore, #tpu.memory_space<semaphore_mem>>, %arg29: memref<!tpu.dma_semaphore, #tpu.memory_space<semaphore_mem>>, %arg30: memref<!tpu.dma_semaphore, #tpu.memory_space<semaphore_mem>>, %arg31: memref<!tpu.dma_semaphore, #tpu.memory_space<semaphore_mem>>, %arg32: memref<!tpu.dma_semaphore, #tpu.memory_space<semaphore_mem>>, %arg33: memref<!tpu.dma_semaphore, #tpu.memory_space<semaphore_mem>>, %arg34: memref<!tpu.dma_semaphore, #tpu.memory_space<semaphore_mem>>, %arg35: memref<!tpu.dma_semaphore, #tpu.memory_space<semaphore_mem>>, %arg36: memref<!tpu.dma_semaphore, #tpu.memory_space<semaphore_mem>>, %arg37: memref<!tpu.dma_semaphore, #tpu.memory_space<semaphore_mem>>, %arg38: memref<!tpu.dma_semaphore, #tpu.memory_space<semaphore_mem>>) attributes {dimension_semantics = [#tpu.dimension_semantics<core_parallel>, #tpu.dimension_semantics<subcore_parallel>], iteration_bounds = array<i64: 2, 16>, scalar_prefetch = 0 : i64, scratch_operands = 33 : i64, tpu.core_type = #tpu.core_type<sc_vector_subcore>, window_params = [{transform_indices = #map}, {transform_indices = #map1}, {transform_indices = #map1}, {transform_indices = #map2}]} {
    %mul3A = arith.constant 2 : i32
    %mul3A_0 = arith.muli %arg1, %mul3A : i32
    %add3A = arith.addi %mul3A_0, %arg0 : i32
    %broadcast_in_dim3A = arith.constant 0.000000e+00 : f32
    %broadcast_in_dim3A_1 = vector.broadcast %broadcast_in_dim3A : f32 to vector<16xf32>
    %scan3A = arith.constant 0 : i32
    %scan3A_2 = arith.constant 80 : i32
    %scan3A_3 = arith.addi %scan3A, %scan3A_2 : i32
    %scan3A_4 = arith.constant 1 : i32
    scf.for %scan3A_133 = %scan3A to %scan3A_3 step %scan3A_4  : i32 {
      %mul3A_134 = arith.constant 1 : i32
      %mul3A_135 = arith.muli %scan3A_133, %mul3A_134 : i32
      %add3A_136 = arith.constant 0 : i32
      %add3A_137 = arith.addi %add3A_136, %mul3A_135 : i32
      %scan3A_138 = arith.constant 0 : i32
      %scan3A_139 = arith.constant 8 : i32
      %scan3A_140 = arith.addi %scan3A_138, %scan3A_139 : i32
      %scan3A_141 = arith.constant 1 : i32
      scf.for %scan3A_143 = %scan3A_138 to %scan3A_140 step %scan3A_141  : i32 {
        %mul3A_144 = arith.constant 16 : i32
        %mul3A_145 = arith.muli %scan3A_143, %mul3A_144 : i32
        %add3A_146 = arith.constant 0 : i32
        %add3A_147 = arith.addi %add3A_146, %mul3A_145 : i32
        %swap3A = arith.index_cast %add3A_137 : i32 to index
        %swap3A_148 = arith.index_cast %add3A_147 : i32 to index
        %swap3A_149 = tpu.vector_load %arg22[%swap3A, %swap3A_148] {strides = array<i32>} : memref<80x128xf32, #tpu.memory_space<vmem>>, vector<1x16xf32>,
        %swap3A_150 = vector.shape_cast %swap3A_149 : vector<1x16xf32> to vector<16xf32>
        %swap3A_151 = vector.shape_cast %broadcast_in_dim3A_1 : vector<16xf32> to vector<1x16xf32>
        tpu.vector_store %arg22[%swap3A, %swap3A_148], %swap3A_151 {strides = array<i32>} : memref<80x128xf32, #tpu.memory_space<vmem>>, vector<1x16xf32>,
      }
      %scan3A_142 = arith.constant 8 : i32
    }
    %scan3A_5 = arith.constant 80 : i32
    %scan3A_6 = arith.constant 0 : i32
    %scan3A_7 = arith.constant 8 : i32
    %scan3A_8 = arith.addi %scan3A_6, %scan3A_7 : i32
    %scan3A_9 = arith.constant 1 : i32
    scf.for %scan3A_133 = %scan3A_6 to %scan3A_8 step %scan3A_9  : i32 {
      %mul3A_134 = arith.constant 1 : i32
      %mul3A_135 = arith.muli %scan3A_133, %mul3A_134 : i32
      %add3A_136 = arith.constant 0 : i32
      %add3A_137 = arith.addi %add3A_136, %mul3A_135 : i32
      %mul3A_138 = arith.constant 640 : i32
      %mul3A_139 = arith.muli %arg1, %mul3A_138 : i32
      %mul3A_140 = arith.constant 80 : i32
      %mul3A_141 = arith.muli %add3A_137, %mul3A_140 : i32
      %add3A_142 = arith.addi %mul3A_139, %mul3A_141 : i32
      %multiple_of3A_143 = tpu.assume_multiple %add3A_142, 80 : i32
      "tpu.region"() ({
        %run_scoped3A = tpu.sem_alloc : memref<!tpu.dma_semaphore, #tpu.memory_space<semaphore_mem>>
        %dma_start3A_144 = arith.constant 0 : i32
        %dma_start3A_145 = tpu.memref_slice %arg26[%multiple_of3A_143, %dma_start3A_144] : memref<10240x128xf32, #tpu.memory_space<vmem_shared>> -> memref<80x128xf32, #tpu.memory_space<vmem_shared>>
        %dma_start3A_146 = arith.constant 0 : i32
        %dma_start3A_147 = tpu.memref_slice %arg26[%multiple_of3A_143, %dma_start3A_146] : memref<10240x128xf32, #tpu.memory_space<vmem_shared>> -> memref<80x128xf32, #tpu.memory_space<vmem_shared>>
        tpu.enqueue_dma source(%arg22 : memref<80x128xf32, #tpu.memory_space<vmem>>) target(%dma_start3A_147 : memref<80x128xf32, #tpu.memory_space<vmem_shared>>) target_semaphore(%run_scoped3A : memref<!tpu.dma_semaphore, #tpu.memory_space<semaphore_mem>>)
        %dma_wait3A_148 = arith.constant 0 : i32
        %dma_wait3A_149 = tpu.memref_slice %arg26[%multiple_of3A_143, %dma_wait3A_148] : memref<10240x128xf32, #tpu.memory_space<vmem_shared>> -> memref<80x128xf32, #tpu.memory_space<vmem_shared>>
        %dma_wait3A_150 = arith.constant 0 : i32
        %dma_wait3A_151 = tpu.memref_slice %arg26[%multiple_of3A_143, %dma_wait3A_150] : memref<10240x128xf32, #tpu.memory_space<vmem_shared>> -> memref<80x128xf32, #tpu.memory_space<vmem_shared>>
        tpu.wait_dma2 semaphore(%run_scoped3A : memref<!tpu.dma_semaphore, #tpu.memory_space<semaphore_mem>>) src(%arg22 : memref<80x128xf32, #tpu.memory_space<vmem>>) dst(%dma_wait3A_151 : memref<80x128xf32, #tpu.memory_space<vmem_shared>>)
        tpu.yield
      }) : () -> ()
    }
    %scan3A_10 = arith.constant 8 : i32
    %barrier3A = arith.constant 0 : index
    tpu.barrier barrier_id(%barrier3A)
    %mul3A_11 = arith.constant 10240 : i32
    %mul3A_12 = arith.muli %add3A, %mul3A_11 : i32
    %add3A_13 = arith.constant 0 : i32
    %add3A_14 = arith.addi %mul3A_12, %add3A_13 : i32
    %multiple_of3A = tpu.assume_multiple %add3A_14, 80 : i32
    %dma_start3A = tpu.memref_slice %arg3[%multiple_of3A] : memref<327680xi32, #tpu.memory_space<hbm>> -> memref<80xi32, #tpu.memory_space<hbm>>
    %dma_start3A_15 = tpu.memref_slice %arg3[%multiple_of3A] : memref<327680xi32, #tpu.memory_space<hbm>> -> memref<80xi32, #tpu.memory_space<hbm>>
    tpu.enqueue_dma source(%dma_start3A_15 : memref<80xi32, #tpu.memory_space<hbm>>) target(%arg6 : memref<80xi32, #tpu.memory_space<vmem>>) target_semaphore(%arg31 : memref<!tpu.dma_semaphore, #tpu.memory_space<semaphore_mem>>)
    %dma_start3A_16 = tpu.memref_slice %arg4[%multiple_of3A] : memref<327680xi32, #tpu.memory_space<hbm>> -> memref<80xi32, #tpu.memory_space<hbm>>
    %dma_start3A_17 = tpu.memref_slice %arg4[%multiple_of3A] : memref<327680xi32, #tpu.memory_space<hbm>> -> memref<80xi32, #tpu.memory_space<hbm>>
    tpu.enqueue_dma source(%dma_start3A_17 : memref<80xi32, #tpu.memory_space<hbm>>) target(%arg14 : memref<80xi32, #tpu.memory_space<vmem>>) target_semaphore(%arg31 : memref<!tpu.dma_semaphore, #tpu.memory_space<semaphore_mem>>)
    %mul3A_18 = arith.constant 10240 : i32
    %mul3A_19 = arith.muli %add3A, %mul3A_18 : i32
    %add3A_20 = arith.constant 80 : i32
    %add3A_21 = arith.addi %mul3A_19, %add3A_20 : i32
    %multiple_of3A_22 = tpu.assume_multiple %add3A_21, 80 : i32
    %dma_start3A_23 = tpu.memref_slice %arg3[%multiple_of3A_22] : memref<327680xi32, #tpu.memory_space<hbm>> -> memref<80xi32, #tpu.memory_space<hbm>>
    %dma_start3A_24 = tpu.memref_slice %arg3[%multiple_of3A_22] : memref<327680xi32, #tpu.memory_space<hbm>> -> memref<80xi32, #tpu.memory_space<hbm>>
    tpu.enqueue_dma source(%dma_start3A_24 : memref<80xi32, #tpu.memory_space<hbm>>) target(%arg7 : memref<80xi32, #tpu.memory_space<vmem>>) target_semaphore(%arg32 : memref<!tpu.dma_semaphore, #tpu.memory_space<semaphore_mem>>)
    %dma_start3A_25 = tpu.memref_slice %arg4[%multiple_of3A_22] : memref<327680xi32, #tpu.memory_space<hbm>> -> memref<80xi32, #tpu.memory_space<hbm>>
    %dma_start3A_26 = tpu.memref_slice %arg4[%multiple_of3A_22] : memref<327680xi32, #tpu.memory_space<hbm>> -> memref<80xi32, #tpu.memory_space<hbm>>
    tpu.enqueue_dma source(%dma_start3A_26 : memref<80xi32, #tpu.memory_space<hbm>>) target(%arg15 : memref<80xi32, #tpu.memory_space<vmem>>) target_semaphore(%arg32 : memref<!tpu.dma_semaphore, #tpu.memory_space<semaphore_mem>>)
    %mul3A_27 = arith.constant 10240 : i32
    %mul3A_28 = arith.muli %add3A, %mul3A_27 : i32
    %add3A_29 = arith.constant 160 : i32
    %add3A_30 = arith.addi %mul3A_28, %add3A_29 : i32
    %multiple_of3A_31 = tpu.assume_multiple %add3A_30, 80 : i32
    %dma_start3A_32 = tpu.memref_slice %arg3[%multiple_of3A_31] : memref<327680xi32, #tpu.memory_space<hbm>> -> memref<80xi32, #tpu.memory_space<hbm>>
    %dma_start3A_33 = tpu.memref_slice %arg3[%multiple_of3A_31] : memref<327680xi32, #tpu.memory_space<hbm>> -> memref<80xi32, #tpu.memory_space<hbm>>
    tpu.enqueue_dma source(%dma_start3A_33 : memref<80xi32, #tpu.memory_space<hbm>>) target(%arg8 : memref<80xi32, #tpu.memory_space<vmem>>) target_semaphore(%arg33 : memref<!tpu.dma_semaphore, #tpu.memory_space<semaphore_mem>>)
    %dma_start3A_34 = tpu.memref_slice %arg4[%multiple_of3A_31] : memref<327680xi32, #tpu.memory_space<hbm>> -> memref<80xi32, #tpu.memory_space<hbm>>
    %dma_start3A_35 = tpu.memref_slice %arg4[%multiple_of3A_31] : memref<327680xi32, #tpu.memory_space<hbm>> -> memref<80xi32, #tpu.memory_space<hbm>>
    tpu.enqueue_dma source(%dma_start3A_35 : memref<80xi32, #tpu.memory_space<hbm>>) target(%arg16 : memref<80xi32, #tpu.memory_space<vmem>>) target_semaphore(%arg33 : memref<!tpu.dma_semaphore, #tpu.memory_space<semaphore_mem>>)
    %mul3A_36 = arith.constant 10240 : i32
    %mul3A_37 = arith.muli %add3A, %mul3A_36 : i32
    %add3A_38 = arith.constant 240 : i32
    %add3A_39 = arith.addi %mul3A_37, %add3A_38 : i32
    %multiple_of3A_40 = tpu.assume_multiple %add3A_39, 80 : i32
    %dma_start3A_41 = tpu.memref_slice %arg3[%multiple_of3A_40] : memref<327680xi32, #tpu.memory_space<hbm>> -> memref<80xi32, #tpu.memory_space<hbm>>
    %dma_start3A_42 = tpu.memref_slice %arg3[%multiple_of3A_40] : memref<327680xi32, #tpu.memory_space<hbm>> -> memref<80xi32, #tpu.memory_space<hbm>>
    tpu.enqueue_dma source(%dma_start3A_42 : memref<80xi32, #tpu.memory_space<hbm>>) target(%arg9 : memref<80xi32, #tpu.memory_space<vmem>>) target_semaphore(%arg34 : memref<!tpu.dma_semaphore, #tpu.memory_space<semaphore_mem>>)
    %dma_start3A_43 = tpu.memref_slice %arg4[%multiple_of3A_40] : memref<327680xi32, #tpu.memory_space<hbm>> -> memref<80xi32, #tpu.memory_space<hbm>>
    %dma_start3A_44 = tpu.memref_slice %arg4[%multiple_of3A_40] : memref<327680xi32, #tpu.memory_space<hbm>> -> memref<80xi32, #tpu.memory_space<hbm>>
    tpu.enqueue_dma source(%dma_start3A_44 : memref<80xi32, #tpu.memory_space<hbm>>) target(%arg17 : memref<80xi32, #tpu.memory_space<vmem>>) target_semaphore(%arg34 : memref<!tpu.dma_semaphore, #tpu.memory_space<semaphore_mem>>)
    %mul3A_45 = arith.constant 10240 : i32
    %mul3A_46 = arith.muli %add3A, %mul3A_45 : i32
    %add3A_47 = arith.constant 320 : i32
    %add3A_48 = arith.addi %mul3A_46, %add3A_47 : i32
    %multiple_of3A_49 = tpu.assume_multiple %add3A_48, 80 : i32
    %dma_start3A_50 = tpu.memref_slice %arg3[%multiple_of3A_49] : memref<327680xi32, #tpu.memory_space<hbm>> -> memref<80xi32, #tpu.memory_space<hbm>>
    %dma_start3A_51 = tpu.memref_slice %arg3[%multiple_of3A_49] : memref<327680xi32, #tpu.memory_space<hbm>> -> memref<80xi32, #tpu.memory_space<hbm>>
    tpu.enqueue_dma source(%dma_start3A_51 : memref<80xi32, #tpu.memory_space<hbm>>) target(%arg10 : memref<80xi32, #tpu.memory_space<vmem>>) target_semaphore(%arg35 : memref<!tpu.dma_semaphore, #tpu.memory_space<semaphore_mem>>)
    %dma_start3A_52 = tpu.memref_slice %arg4[%multiple_of3A_49] : memref<327680xi32, #tpu.memory_space<hbm>> -> memref<80xi32, #tpu.memory_space<hbm>>
    %dma_start3A_53 = tpu.memref_slice %arg4[%multiple_of3A_49] : memref<327680xi32, #tpu.memory_space<hbm>> -> memref<80xi32, #tpu.memory_space<hbm>>
    tpu.enqueue_dma source(%dma_start3A_53 : memref<80xi32, #tpu.memory_space<hbm>>) target(%arg18 : memref<80xi32, #tpu.memory_space<vmem>>) target_semaphore(%arg35 : memref<!tpu.dma_semaphore, #tpu.memory_space<semaphore_mem>>)
    %mul3A_54 = arith.constant 10240 : i32
    %mul3A_55 = arith.muli %add3A, %mul3A_54 : i32
    %add3A_56 = arith.constant 400 : i32
    %add3A_57 = arith.addi %mul3A_55, %add3A_56 : i32
    %multiple_of3A_58 = tpu.assume_multiple %add3A_57, 80 : i32
    %dma_start3A_59 = tpu.memref_slice %arg3[%multiple_of3A_58] : memref<327680xi32, #tpu.memory_space<hbm>> -> memref<80xi32, #tpu.memory_space<hbm>>
    %dma_start3A_60 = tpu.memref_slice %arg3[%multiple_of3A_58] : memref<327680xi32, #tpu.memory_space<hbm>> -> memref<80xi32, #tpu.memory_space<hbm>>
    tpu.enqueue_dma source(%dma_start3A_60 : memref<80xi32, #tpu.memory_space<hbm>>) target(%arg11 : memref<80xi32, #tpu.memory_space<vmem>>) target_semaphore(%arg36 : memref<!tpu.dma_semaphore, #tpu.memory_space<semaphore_mem>>)
    %dma_start3A_61 = tpu.memref_slice %arg4[%multiple_of3A_58] : memref<327680xi32, #tpu.memory_space<hbm>> -> memref<80xi32, #tpu.memory_space<hbm>>
    %dma_start3A_62 = tpu.memref_slice %arg4[%multiple_of3A_58] : memref<327680xi32, #tpu.memory_space<hbm>> -> memref<80xi32, #tpu.memory_space<hbm>>
    tpu.enqueue_dma source(%dma_start3A_62 : memref<80xi32, #tpu.memory_space<hbm>>) target(%arg19 : memref<80xi32, #tpu.memory_space<vmem>>) target_semaphore(%arg36 : memref<!tpu.dma_semaphore, #tpu.memory_space<semaphore_mem>>)
    %mul3A_63 = arith.constant 10240 : i32
    %mul3A_64 = arith.muli %add3A, %mul3A_63 : i32
    %add3A_65 = arith.constant 480 : i32
    %add3A_66 = arith.addi %mul3A_64, %add3A_65 : i32
    %multiple_of3A_67 = tpu.assume_multiple %add3A_66, 80 : i32
    %dma_start3A_68 = tpu.memref_slice %arg3[%multiple_of3A_67] : memref<327680xi32, #tpu.memory_space<hbm>> -> memref<80xi32, #tpu.memory_space<hbm>>
    %dma_start3A_69 = tpu.memref_slice %arg3[%multiple_of3A_67] : memref<327680xi32, #tpu.memory_space<hbm>> -> memref<80xi32, #tpu.memory_space<hbm>>
    tpu.enqueue_dma source(%dma_start3A_69 : memref<80xi32, #tpu.memory_space<hbm>>) target(%arg12 : memref<80xi32, #tpu.memory_space<vmem>>) target_semaphore(%arg37 : memref<!tpu.dma_semaphore, #tpu.memory_space<semaphore_mem>>)
    %dma_start3A_70 = tpu.memref_slice %arg4[%multiple_of3A_67] : memref<327680xi32, #tpu.memory_space<hbm>> -> memref<80xi32, #tpu.memory_space<hbm>>
    %dma_start3A_71 = tpu.memref_slice %arg4[%multiple_of3A_67] : memref<327680xi32, #tpu.memory_space<hbm>> -> memref<80xi32, #tpu.memory_space<hbm>>
    tpu.enqueue_dma source(%dma_start3A_71 : memref<80xi32, #tpu.memory_space<hbm>>) target(%arg20 : memref<80xi32, #tpu.memory_space<vmem>>) target_semaphore(%arg37 : memref<!tpu.dma_semaphore, #tpu.memory_space<semaphore_mem>>)
    %mul3A_72 = arith.constant 10240 : i32
    %mul3A_73 = arith.muli %add3A, %mul3A_72 : i32
    %add3A_74 = arith.constant 560 : i32
    %add3A_75 = arith.addi %mul3A_73, %add3A_74 : i32
    %multiple_of3A_76 = tpu.assume_multiple %add3A_75, 80 : i32
    %dma_start3A_77 = tpu.memref_slice %arg3[%multiple_of3A_76] : memref<327680xi32, #tpu.memory_space<hbm>> -> memref<80xi32, #tpu.memory_space<hbm>>
    %dma_start3A_78 = tpu.memref_slice %arg3[%multiple_of3A_76] : memref<327680xi32, #tpu.memory_space<hbm>> -> memref<80xi32, #tpu.memory_space<hbm>>
    tpu.enqueue_dma source(%dma_start3A_78 : memref<80xi32, #tpu.memory_space<hbm>>) target(%arg13 : memref<80xi32, #tpu.memory_space<vmem>>) target_semaphore(%arg38 : memref<!tpu.dma_semaphore, #tpu.memory_space<semaphore_mem>>)
    %dma_start3A_79 = tpu.memref_slice %arg4[%multiple_of3A_76] : memref<327680xi32, #tpu.memory_space<hbm>> -> memref<80xi32, #tpu.memory_space<hbm>>
    %dma_start3A_80 = tpu.memref_slice %arg4[%multiple_of3A_76] : memref<327680xi32, #tpu.memory_space<hbm>> -> memref<80xi32, #tpu.memory_space<hbm>>
    tpu.enqueue_dma source(%dma_start3A_80 : memref<80xi32, #tpu.memory_space<hbm>>) target(%arg21 : memref<80xi32, #tpu.memory_space<vmem>>) target_semaphore(%arg38 : memref<!tpu.dma_semaphore, #tpu.memory_space<semaphore_mem>>)
    %dma_wait3A = arith.constant 0 : i32
    %dma_wait3A_81 = tpu.memref_slice %arg3[%dma_wait3A] : memref<327680xi32, #tpu.memory_space<hbm>> -> memref<80xi32, #tpu.memory_space<hbm>>
    %dma_wait3A_82 = arith.constant 0 : i32
    %dma_wait3A_83 = tpu.memref_slice %arg3[%dma_wait3A_82] : memref<327680xi32, #tpu.memory_space<hbm>> -> memref<80xi32, #tpu.memory_space<hbm>>
    tpu.wait_dma2 semaphore(%arg31 : memref<!tpu.dma_semaphore, #tpu.memory_space<semaphore_mem>>) src(%dma_wait3A_83 : memref<80xi32, #tpu.memory_space<hbm>>) dst(%arg6 : memref<80xi32, #tpu.memory_space<vmem>>)
    %dma_wait3A_84 = arith.constant 0 : i32
    %dma_wait3A_85 = tpu.memref_slice %arg4[%dma_wait3A_84] : memref<327680xi32, #tpu.memory_space<hbm>> -> memref<80xi32, #tpu.memory_space<hbm>>
    %dma_wait3A_86 = arith.constant 0 : i32
    %dma_wait3A_87 = tpu.memref_slice %arg4[%dma_wait3A_86] : memref<327680xi32, #tpu.memory_space<hbm>> -> memref<80xi32, #tpu.memory_space<hbm>>
    tpu.wait_dma2 semaphore(%arg31 : memref<!tpu.dma_semaphore, #tpu.memory_space<semaphore_mem>>) src(%dma_wait3A_87 : memref<80xi32, #tpu.memory_space<hbm>>) dst(%arg14 : memref<80xi32, #tpu.memory_space<vmem>>)
    %dma_start3A_88 = arith.constant 0 : i32
    %dma_start3A_89 = arith.constant 0 : i32
    %dma_start3A_90 = tpu.memref_slice %arg2[%dma_start3A_88, %dma_start3A_89] : memref<10000x128xf32, #tpu.memory_space<hbm>> -> memref<10000x128xf32, #tpu.memory_space<hbm>>
    tpu.enqueue_indirect_dma source(%dma_start3A_90 : memref<10000x128xf32, #tpu.memory_space<hbm>>) target(%arg22 : memref<80x128xf32, #tpu.memory_space<vmem>>) offsets(%arg6 : memref<80xi32, #tpu.memory_space<vmem>>) semaphore(%arg27 : memref<!tpu.dma_semaphore, #tpu.memory_space<semaphore_mem>>)
    %dma_wait3A_91 = arith.constant 0 : i32
    %dma_wait3A_92 = tpu.memref_slice %arg3[%dma_wait3A_91] : memref<327680xi32, #tpu.memory_space<hbm>> -> memref<80xi32, #tpu.memory_space<hbm>>
    %dma_wait3A_93 = arith.constant 0 : i32
    %dma_wait3A_94 = tpu.memref_slice %arg3[%dma_wait3A_93] : memref<327680xi32, #tpu.memory_space<hbm>> -> memref<80xi32, #tpu.memory_space<hbm>>
    tpu.wait_dma2 semaphore(%arg32 : memref<!tpu.dma_semaphore, #tpu.memory_space<semaphore_mem>>) src(%dma_wait3A_94 : memref<80xi32, #tpu.memory_space<hbm>>) dst(%arg7 : memref<80xi32, #tpu.memory_space<vmem>>)
    %dma_wait3A_95 = arith.constant 0 : i32
    %dma_wait3A_96 = tpu.memref_slice %arg4[%dma_wait3A_95] : memref<327680xi32, #tpu.memory_space<hbm>> -> memref<80xi32, #tpu.memory_space<hbm>>
    %dma_wait3A_97 = arith.constant 0 : i32
    %dma_wait3A_98 = tpu.memref_slice %arg4[%dma_wait3A_97] : memref<327680xi32, #tpu.memory_space<hbm>> -> memref<80xi32, #tpu.memory_space<hbm>>
    tpu.wait_dma2 semaphore(%arg32 : memref<!tpu.dma_semaphore, #tpu.memory_space<semaphore_mem>>) src(%dma_wait3A_98 : memref<80xi32, #tpu.memory_space<hbm>>) dst(%arg15 : memref<80xi32, #tpu.memory_space<vmem>>)
    %dma_start3A_99 = arith.constant 0 : i32
    %dma_start3A_100 = arith.constant 0 : i32
    %dma_start3A_101 = tpu.memref_slice %arg2[%dma_start3A_99, %dma_start3A_100] : memref<10000x128xf32, #tpu.memory_space<hbm>> -> memref<10000x128xf32, #tpu.memory_space<hbm>>
    tpu.enqueue_indirect_dma source(%dma_start3A_101 : memref<10000x128xf32, #tpu.memory_space<hbm>>) target(%arg23 : memref<80x128xf32, #tpu.memory_space<vmem>>) offsets(%arg7 : memref<80xi32, #tpu.memory_space<vmem>>) semaphore(%arg28 : memref<!tpu.dma_semaphore, #tpu.memory_space<semaphore_mem>>)
    %dma_wait3A_102 = arith.constant 0 : i32
    %dma_wait3A_103 = tpu.memref_slice %arg3[%dma_wait3A_102] : memref<327680xi32, #tpu.memory_space<hbm>> -> memref<80xi32, #tpu.memory_space<hbm>>
    %dma_wait3A_104 = arith.constant 0 : i32
    %dma_wait3A_105 = tpu.memref_slice %arg3[%dma_wait3A_104] : memref<327680xi32, #tpu.memory_space<hbm>> -> memref<80xi32, #tpu.memory_space<hbm>>
    tpu.wait_dma2 semaphore(%arg33 : memref<!tpu.dma_semaphore, #tpu.memory_space<semaphore_mem>>) src(%dma_wait3A_105 : memref<80xi32, #tpu.memory_space<hbm>>) dst(%arg8 : memref<80xi32, #tpu.memory_space<vmem>>)
    %dma_wait3A_106 = arith.constant 0 : i32
    %dma_wait3A_107 = tpu.memref_slice %arg4[%dma_wait3A_106] : memref<327680xi32, #tpu.memory_space<hbm>> -> memref<80xi32, #tpu.memory_space<hbm>>
    %dma_wait3A_108 = arith.constant 0 : i32
    %dma_wait3A_109 = tpu.memref_slice %arg4[%dma_wait3A_108] : memref<327680xi32, #tpu.memory_space<hbm>> -> memref<80xi32, #tpu.memory_space<hbm>>
    tpu.wait_dma2 semaphore(%arg33 : memref<!tpu.dma_semaphore, #tpu.memory_space<semaphore_mem>>) src(%dma_wait3A_109 : memref<80xi32, #tpu.memory_space<hbm>>) dst(%arg16 : memref<80xi32, #tpu.memory_space<vmem>>)
    %dma_start3A_110 = arith.constant 0 : i32
    %dma_start3A_111 = arith.constant 0 : i32
    %dma_start3A_112 = tpu.memref_slice %arg2[%dma_start3A_110, %dma_start3A_111] : memref<10000x128xf32, #tpu.memory_space<hbm>> -> memref<10000x128xf32, #tpu.memory_space<hbm>>
    tpu.enqueue_indirect_dma source(%dma_start3A_112 : memref<10000x128xf32, #tpu.memory_space<hbm>>) target(%arg24 : memref<80x128xf32, #tpu.memory_space<vmem>>) offsets(%arg8 : memref<80xi32, #tpu.memory_space<vmem>>) semaphore(%arg29 : memref<!tpu.dma_semaphore, #tpu.memory_space<semaphore_mem>>)
    %dma_wait3A_113 = arith.constant 0 : i32
    %dma_wait3A_114 = tpu.memref_slice %arg3[%dma_wait3A_113] : memref<327680xi32, #tpu.memory_space<hbm>> -> memref<80xi32, #tpu.memory_space<hbm>>
    %dma_wait3A_115 = arith.constant 0 : i32
    %dma_wait3A_116 = tpu.memref_slice %arg3[%dma_wait3A_115] : memref<327680xi32, #tpu.memory_space<hbm>> -> memref<80xi32, #tpu.memory_space<hbm>>
    tpu.wait_dma2 semaphore(%arg34 : memref<!tpu.dma_semaphore, #tpu.memory_space<semaphore_mem>>) src(%dma_wait3A_116 : memref<80xi32, #tpu.memory_space<hbm>>) dst(%arg9 : memref<80xi32, #tpu.memory_space<vmem>>)
    %dma_wait3A_117 = arith.constant 0 : i32
    %dma_wait3A_118 = tpu.memref_slice %arg4[%dma_wait3A_117] : memref<327680xi32, #tpu.memory_space<hbm>> -> memref<80xi32, #tpu.memory_space<hbm>>
    %dma_wait3A_119 = arith.constant 0 : i32
    %dma_wait3A_120 = tpu.memref_slice %arg4[%dma_wait3A_119] : memref<327680xi32, #tpu.memory_space<hbm>> -> memref<80xi32, #tpu.memory_space<hbm>>
    tpu.wait_dma2 semaphore(%arg34 : memref<!tpu.dma_semaphore, #tpu.memory_space<semaphore_mem>>) src(%dma_wait3A_120 : memref<80xi32, #tpu.memory_space<hbm>>) dst(%arg17 : memref<80xi32, #tpu.memory_space<vmem>>)
    %dma_start3A_121 = arith.constant 0 : i32
    %dma_start3A_122 = arith.constant 0 : i32
    %dma_start3A_123 = tpu.memref_slice %arg2[%dma_start3A_121, %dma_start3A_122] : memref<10000x128xf32, #tpu.memory_space<hbm>> -> memref<10000x128xf32, #tpu.memory_space<hbm>>
    tpu.enqueue_indirect_dma source(%dma_start3A_123 : memref<10000x128xf32, #tpu.memory_space<hbm>>) target(%arg25 : memref<80x128xf32, #tpu.memory_space<vmem>>) offsets(%arg9 : memref<80xi32, #tpu.memory_space<vmem>>) semaphore(%arg30 : memref<!tpu.dma_semaphore, #tpu.memory_space<semaphore_mem>>)
    %scan3A_124 = arith.constant 0 : i32
    %scan3A_125 = arith.constant 16 : i32
    %scan3A_126 = arith.addi %scan3A_124, %scan3A_125 : i32
    %scan3A_127 = arith.constant 1 : i32
    scf.for %scan3A_133 = %scan3A_124 to %scan3A_126 step %scan3A_127  : i32 {
      %mul3A_134 = arith.constant 1 : i32
      %mul3A_135 = arith.muli %scan3A_133, %mul3A_134 : i32
      %add3A_136 = arith.constant 0 : i32
      %add3A_137 = arith.addi %add3A_136, %mul3A_135 : i32
      %mul3A_138 = arith.constant 8 : i32
      %mul3A_139 = arith.muli %mul3A_138, %add3A_137 : i32
      %add3A_140 = arith.constant 0 : i32
      %add3A_141 = arith.addi %mul3A_139, %add3A_140 : i32
      %dma_wait3A_142 = arith.constant 0 : i32
      %dma_wait3A_143 = arith.constant 0 : i32
      %dma_wait3A_144 = tpu.memref_slice %arg2[%dma_wait3A_142, %dma_wait3A_143] : memref<10000x128xf32, #tpu.memory_space<hbm>> -> memref<10000x128xf32, #tpu.memory_space<hbm>>
      tpu.wait_indirect_dma semaphore(%arg27 : memref<!tpu.dma_semaphore, #tpu.memory_space<semaphore_mem>>) src(%dma_wait3A_144 : memref<10000x128xf32, #tpu.memory_space<hbm>>) dst(%arg22 : memref<80x128xf32, #tpu.memory_space<vmem>>)
      "tpu.region"() ({
        %run_scoped3A = tpu.sem_alloc : memref<!tpu.dma_semaphore, #tpu.memory_space<semaphore_mem>>
        %dma_start3A_303 = arith.constant 0 : i32
        %dma_start3A_304 = arith.constant 0 : i32
        %dma_start3A_305 = tpu.memref_slice %arg26[%dma_start3A_303, %dma_start3A_304] : memref<10240x128xf32, #tpu.memory_space<vmem_shared>> -> memref<10240x128xf32, #tpu.memory_space<vmem_shared>>
        tpu.enqueue_indirect_dma source(%arg22 : memref<80x128xf32, #tpu.memory_space<vmem>>) target(%dma_start3A_305 : memref<10240x128xf32, #tpu.memory_space<vmem_shared>>) offsets(%arg14 : memref<80xi32, #tpu.memory_space<vmem>>) semaphore(%run_scoped3A : memref<!tpu.dma_semaphore, #tpu.memory_space<semaphore_mem>>) {add = true}
        %dma_wait3A_306 = arith.constant 0 : i32
        %dma_wait3A_307 = arith.constant 0 : i32
        %dma_wait3A_308 = tpu.memref_slice %arg26[%dma_wait3A_306, %dma_wait3A_307] : memref<10240x128xf32, #tpu.memory_space<vmem_shared>> -> memref<10240x128xf32, #tpu.memory_space<vmem_shared>>
        tpu.wait_indirect_dma semaphore(%run_scoped3A : memref<!tpu.dma_semaphore, #tpu.memory_space<semaphore_mem>>) src(%arg22 : memref<80x128xf32, #tpu.memory_space<vmem>>) dst(%dma_wait3A_308 : memref<10240x128xf32, #tpu.memory_space<vmem_shared>>)
        tpu.yield
      }) : () -> ()
      %add3A_145 = arith.constant 4 : i32
      %add3A_146 = arith.addi %add3A_141, %add3A_145 : i32
      %lt3A = arith.constant 128 : i32
      %lt3A_147 = arith.cmpi slt, %add3A_146, %lt3A : i32
      %convert_element_type3A = arith.extui %lt3A_147 : i1 to i32
      %cond3A = arith.constant 0 : i32
      %cond3A_148 = arith.cmpi ne, %convert_element_type3A, %cond3A : i32
      scf.if %cond3A_148 {
        %dma_wait3A_303 = arith.constant 0 : i32
        %dma_wait3A_304 = tpu.memref_slice %arg3[%dma_wait3A_303] : memref<327680xi32, #tpu.memory_space<hbm>> -> memref<80xi32, #tpu.memory_space<hbm>>
        %dma_wait3A_305 = arith.constant 0 : i32
        %dma_wait3A_306 = tpu.memref_slice %arg3[%dma_wait3A_305] : memref<327680xi32, #tpu.memory_space<hbm>> -> memref<80xi32, #tpu.memory_space<hbm>>
        tpu.wait_dma2 semaphore(%arg35 : memref<!tpu.dma_semaphore, #tpu.memory_space<semaphore_mem>>) src(%dma_wait3A_306 : memref<80xi32, #tpu.memory_space<hbm>>) dst(%arg10 : memref<80xi32, #tpu.memory_space<vmem>>)
        %dma_wait3A_307 = arith.constant 0 : i32
        %dma_wait3A_308 = tpu.memref_slice %arg4[%dma_wait3A_307] : memref<327680xi32, #tpu.memory_space<hbm>> -> memref<80xi32, #tpu.memory_space<hbm>>
        %dma_wait3A_309 = arith.constant 0 : i32
        %dma_wait3A_310 = tpu.memref_slice %arg4[%dma_wait3A_309] : memref<327680xi32, #tpu.memory_space<hbm>> -> memref<80xi32, #tpu.memory_space<hbm>>
        tpu.wait_dma2 semaphore(%arg35 : memref<!tpu.dma_semaphore, #tpu.memory_space<semaphore_mem>>) src(%dma_wait3A_310 : memref<80xi32, #tpu.memory_space<hbm>>) dst(%arg18 : memref<80xi32, #tpu.memory_space<vmem>>)
        %dma_start3A_311 = arith.constant 0 : i32
        %dma_start3A_312 = arith.constant 0 : i32
        %dma_start3A_313 = tpu.memref_slice %arg2[%dma_start3A_311, %dma_start3A_312] : memref<10000x128xf32, #tpu.memory_space<hbm>> -> memref<10000x128xf32, #tpu.memory_space<hbm>>
        tpu.enqueue_indirect_dma source(%dma_start3A_313 : memref<10000x128xf32, #tpu.memory_space<hbm>>) target(%arg22 : memref<80x128xf32, #tpu.memory_space<vmem>>) offsets(%arg10 : memref<80xi32, #tpu.memory_space<vmem>>) semaphore(%arg27 : memref<!tpu.dma_semaphore, #tpu.memory_space<semaphore_mem>>)
      } else {
      }
      %add3A_149 = arith.constant 8 : i32
      %add3A_150 = arith.addi %add3A_141, %add3A_149 : i32
      %lt3A_151 = arith.constant 128 : i32
      %lt3A_152 = arith.cmpi slt, %add3A_150, %lt3A_151 : i32
      %convert_element_type3A_153 = arith.extui %lt3A_152 : i1 to i32
      %cond3A_154 = arith.constant 0 : i32
      %cond3A_155 = arith.cmpi ne, %convert_element_type3A_153, %cond3A_154 : i32
      scf.if %cond3A_155 {
        %add3A_303 = arith.constant 8 : i32
        %add3A_304 = arith.addi %add3A_141, %add3A_303 : i32
        %mul3A_305 = arith.constant 10240 : i32
        %mul3A_306 = arith.muli %add3A, %mul3A_305 : i32
        %mul3A_307 = arith.constant 80 : i32
        %mul3A_308 = arith.muli %add3A_304, %mul3A_307 : i32
        %add3A_309 = arith.addi %mul3A_306, %mul3A_308 : i32
        %multiple_of3A_310 = tpu.assume_multiple %add3A_309, 80 : i32
        %dma_start3A_311 = tpu.memref_slice %arg3[%multiple_of3A_310] : memref<327680xi32, #tpu.memory_space<hbm>> -> memref<80xi32, #tpu.memory_space<hbm>>
        %dma_start3A_312 = tpu.memref_slice %arg3[%multiple_of3A_310] : memref<327680xi32, #tpu.memory_space<hbm>> -> memref<80xi32, #tpu.memory_space<hbm>>
        tpu.enqueue_dma source(%dma_start3A_312 : memref<80xi32, #tpu.memory_space<hbm>>) target(%arg6 : memref<80xi32, #tpu.memory_space<vmem>>) target_semaphore(%arg31 : memref<!tpu.dma_semaphore, #tpu.memory_space<semaphore_mem>>)
        %dma_start3A_313 = tpu.memref_slice %arg4[%multiple_of3A_310] : memref<327680xi32, #tpu.memory_space<hbm>> -> memref<80xi32, #tpu.memory_space<hbm>>
        %dma_start3A_314 = tpu.memref_slice %arg4[%multiple_of3A_310] : memref<327680xi32, #tpu.memory_space<hbm>> -> memref<80xi32, #tpu.memory_space<hbm>>
        tpu.enqueue_dma source(%dma_start3A_314 : memref<80xi32, #tpu.memory_space<hbm>>) target(%arg14 : memref<80xi32, #tpu.memory_space<vmem>>) target_semaphore(%arg31 : memref<!tpu.dma_semaphore, #tpu.memory_space<semaphore_mem>>)
      } else {
      }
      %mul3A_156 = arith.constant 8 : i32
      %mul3A_157 = arith.muli %mul3A_156, %add3A_137 : i32
      %add3A_158 = arith.constant 1 : i32
      %add3A_159 = arith.addi %mul3A_157, %add3A_158 : i32
      %dma_wait3A_160 = arith.constant 0 : i32
      %dma_wait3A_161 = arith.constant 0 : i32
      %dma_wait3A_162 = tpu.memref_slice %arg2[%dma_wait3A_160, %dma_wait3A_161] : memref<10000x128xf32, #tpu.memory_space<hbm>> -> memref<10000x128xf32, #tpu.memory_space<hbm>>
      tpu.wait_indirect_dma semaphore(%arg28 : memref<!tpu.dma_semaphore, #tpu.memory_space<semaphore_mem>>) src(%dma_wait3A_162 : memref<10000x128xf32, #tpu.memory_space<hbm>>) dst(%arg23 : memref<80x128xf32, #tpu.memory_space<vmem>>)
      "tpu.region"() ({
        %run_scoped3A = tpu.sem_alloc : memref<!tpu.dma_semaphore, #tpu.memory_space<semaphore_mem>>
        %dma_start3A_303 = arith.constant 0 : i32
        %dma_start3A_304 = arith.constant 0 : i32
        %dma_start3A_305 = tpu.memref_slice %arg26[%dma_start3A_303, %dma_start3A_304] : memref<10240x128xf32, #tpu.memory_space<vmem_shared>> -> memref<10240x128xf32, #tpu.memory_space<vmem_shared>>
        tpu.enqueue_indirect_dma source(%arg23 : memref<80x128xf32, #tpu.memory_space<vmem>>) target(%dma_start3A_305 : memref<10240x128xf32, #tpu.memory_space<vmem_shared>>) offsets(%arg15 : memref<80xi32, #tpu.memory_space<vmem>>) semaphore(%run_scoped3A : memref<!tpu.dma_semaphore, #tpu.memory_space<semaphore_mem>>) {add = true}
        %dma_wait3A_306 = arith.constant 0 : i32
        %dma_wait3A_307 = arith.constant 0 : i32
        %dma_wait3A_308 = tpu.memref_slice %arg26[%dma_wait3A_306, %dma_wait3A_307] : memref<10240x128xf32, #tpu.memory_space<vmem_shared>> -> memref<10240x128xf32, #tpu.memory_space<vmem_shared>>
        tpu.wait_indirect_dma semaphore(%run_scoped3A : memref<!tpu.dma_semaphore, #tpu.memory_space<semaphore_mem>>) src(%arg23 : memref<80x128xf32, #tpu.memory_space<vmem>>) dst(%dma_wait3A_308 : memref<10240x128xf32, #tpu.memory_space<vmem_shared>>)
        tpu.yield
      }) : () -> ()
      %add3A_163 = arith.constant 4 : i32
      %add3A_164 = arith.addi %add3A_159, %add3A_163 : i32
      %lt3A_165 = arith.constant 128 : i32
      %lt3A_166 = arith.cmpi slt, %add3A_164, %lt3A_165 : i32
      %convert_element_type3A_167 = arith.extui %lt3A_166 : i1 to i32
      %cond3A_168 = arith.constant 0 : i32
      %cond3A_169 = arith.cmpi ne, %convert_element_type3A_167, %cond3A_168 : i32
      scf.if %cond3A_169 {
        %dma_wait3A_303 = arith.constant 0 : i32
        %dma_wait3A_304 = tpu.memref_slice %arg3[%dma_wait3A_303] : memref<327680xi32, #tpu.memory_space<hbm>> -> memref<80xi32, #tpu.memory_space<hbm>>
        %dma_wait3A_305 = arith.constant 0 : i32
        %dma_wait3A_306 = tpu.memref_slice %arg3[%dma_wait3A_305] : memref<327680xi32, #tpu.memory_space<hbm>> -> memref<80xi32, #tpu.memory_space<hbm>>
        tpu.wait_dma2 semaphore(%arg36 : memref<!tpu.dma_semaphore, #tpu.memory_space<semaphore_mem>>) src(%dma_wait3A_306 : memref<80xi32, #tpu.memory_space<hbm>>) dst(%arg11 : memref<80xi32, #tpu.memory_space<vmem>>)
        %dma_wait3A_307 = arith.constant 0 : i32
        %dma_wait3A_308 = tpu.memref_slice %arg4[%dma_wait3A_307] : memref<327680xi32, #tpu.memory_space<hbm>> -> memref<80xi32, #tpu.memory_space<hbm>>
        %dma_wait3A_309 = arith.constant 0 : i32
        %dma_wait3A_310 = tpu.memref_slice %arg4[%dma_wait3A_309] : memref<327680xi32, #tpu.memory_space<hbm>> -> memref<80xi32, #tpu.memory_space<hbm>>
        tpu.wait_dma2 semaphore(%arg36 : memref<!tpu.dma_semaphore, #tpu.memory_space<semaphore_mem>>) src(%dma_wait3A_310 : memref<80xi32, #tpu.memory_space<hbm>>) dst(%arg19 : memref<80xi32, #tpu.memory_space<vmem>>)
        %dma_start3A_311 = arith.constant 0 : i32
        %dma_start3A_312 = arith.constant 0 : i32
        %dma_start3A_313 = tpu.memref_slice %arg2[%dma_start3A_311, %dma_start3A_312] : memref<10000x128xf32, #tpu.memory_space<hbm>> -> memref<10000x128xf32, #tpu.memory_space<hbm>>
        tpu.enqueue_indirect_dma source(%dma_start3A_313 : memref<10000x128xf32, #tpu.memory_space<hbm>>) target(%arg23 : memref<80x128xf32, #tpu.memory_space<vmem>>) offsets(%arg11 : memref<80xi32, #tpu.memory_space<vmem>>) semaphore(%arg28 : memref<!tpu.dma_semaphore, #tpu.memory_space<semaphore_mem>>)
      } else {
      }
      %add3A_170 = arith.constant 8 : i32
      %add3A_171 = arith.addi %add3A_159, %add3A_170 : i32
      %lt3A_172 = arith.constant 128 : i32
      %lt3A_173 = arith.cmpi slt, %add3A_171, %lt3A_172 : i32
      %convert_element_type3A_174 = arith.extui %lt3A_173 : i1 to i32
      %cond3A_175 = arith.constant 0 : i32
      %cond3A_176 = arith.cmpi ne, %convert_element_type3A_174, %cond3A_175 : i32
      scf.if %cond3A_176 {
        %add3A_303 = arith.constant 8 : i32
        %add3A_304 = arith.addi %add3A_159, %add3A_303 : i32
        %mul3A_305 = arith.constant 10240 : i32
        %mul3A_306 = arith.muli %add3A, %mul3A_305 : i32
        %mul3A_307 = arith.constant 80 : i32
        %mul3A_308 = arith.muli %add3A_304, %mul3A_307 : i32
        %add3A_309 = arith.addi %mul3A_306, %mul3A_308 : i32
        %multiple_of3A_310 = tpu.assume_multiple %add3A_309, 80 : i32
        %dma_start3A_311 = tpu.memref_slice %arg3[%multiple_of3A_310] : memref<327680xi32, #tpu.memory_space<hbm>> -> memref<80xi32, #tpu.memory_space<hbm>>
        %dma_start3A_312 = tpu.memref_slice %arg3[%multiple_of3A_310] : memref<327680xi32, #tpu.memory_space<hbm>> -> memref<80xi32, #tpu.memory_space<hbm>>
        tpu.enqueue_dma source(%dma_start3A_312 : memref<80xi32, #tpu.memory_space<hbm>>) target(%arg7 : memref<80xi32, #tpu.memory_space<vmem>>) target_semaphore(%arg32 : memref<!tpu.dma_semaphore, #tpu.memory_space<semaphore_mem>>)
        %dma_start3A_313 = tpu.memref_slice %arg4[%multiple_of3A_310] : memref<327680xi32, #tpu.memory_space<hbm>> -> memref<80xi32, #tpu.memory_space<hbm>>
        %dma_start3A_314 = tpu.memref_slice %arg4[%multiple_of3A_310] : memref<327680xi32, #tpu.memory_space<hbm>> -> memref<80xi32, #tpu.memory_space<hbm>>
        tpu.enqueue_dma source(%dma_start3A_314 : memref<80xi32, #tpu.memory_space<hbm>>) target(%arg15 : memref<80xi32, #tpu.memory_space<vmem>>) target_semaphore(%arg32 : memref<!tpu.dma_semaphore, #tpu.memory_space<semaphore_mem>>)
      } else {
      }
      %mul3A_177 = arith.constant 8 : i32
      %mul3A_178 = arith.muli %mul3A_177, %add3A_137 : i32
      %add3A_179 = arith.constant 2 : i32
      %add3A_180 = arith.addi %mul3A_178, %add3A_179 : i32
      %dma_wait3A_181 = arith.constant 0 : i32
      %dma_wait3A_182 = arith.constant 0 : i32
      %dma_wait3A_183 = tpu.memref_slice %arg2[%dma_wait3A_181, %dma_wait3A_182] : memref<10000x128xf32, #tpu.memory_space<hbm>> -> memref<10000x128xf32, #tpu.memory_space<hbm>>
      tpu.wait_indirect_dma semaphore(%arg29 : memref<!tpu.dma_semaphore, #tpu.memory_space<semaphore_mem>>) src(%dma_wait3A_183 : memref<10000x128xf32, #tpu.memory_space<hbm>>) dst(%arg24 : memref<80x128xf32, #tpu.memory_space<vmem>>)
      "tpu.region"() ({
        %run_scoped3A = tpu.sem_alloc : memref<!tpu.dma_semaphore, #tpu.memory_space<semaphore_mem>>
        %dma_start3A_303 = arith.constant 0 : i32
        %dma_start3A_304 = arith.constant 0 : i32
        %dma_start3A_305 = tpu.memref_slice %arg26[%dma_start3A_303, %dma_start3A_304] : memref<10240x128xf32, #tpu.memory_space<vmem_shared>> -> memref<10240x128xf32, #tpu.memory_space<vmem_shared>>
        tpu.enqueue_indirect_dma source(%arg24 : memref<80x128xf32, #tpu.memory_space<vmem>>) target(%dma_start3A_305 : memref<10240x128xf32, #tpu.memory_space<vmem_shared>>) offsets(%arg16 : memref<80xi32, #tpu.memory_space<vmem>>) semaphore(%run_scoped3A : memref<!tpu.dma_semaphore, #tpu.memory_space<semaphore_mem>>) {add = true}
        %dma_wait3A_306 = arith.constant 0 : i32
        %dma_wait3A_307 = arith.constant 0 : i32
        %dma_wait3A_308 = tpu.memref_slice %arg26[%dma_wait3A_306, %dma_wait3A_307] : memref<10240x128xf32, #tpu.memory_space<vmem_shared>> -> memref<10240x128xf32, #tpu.memory_space<vmem_shared>>
        tpu.wait_indirect_dma semaphore(%run_scoped3A : memref<!tpu.dma_semaphore, #tpu.memory_space<semaphore_mem>>) src(%arg24 : memref<80x128xf32, #tpu.memory_space<vmem>>) dst(%dma_wait3A_308 : memref<10240x128xf32, #tpu.memory_space<vmem_shared>>)
        tpu.yield
      }) : () -> ()
      %add3A_184 = arith.constant 4 : i32
      %add3A_185 = arith.addi %add3A_180, %add3A_184 : i32
      %lt3A_186 = arith.constant 128 : i32
      %lt3A_187 = arith.cmpi slt, %add3A_185, %lt3A_186 : i32
      %convert_element_type3A_188 = arith.extui %lt3A_187 : i1 to i32
      %cond3A_189 = arith.constant 0 : i32
      %cond3A_190 = arith.cmpi ne, %convert_element_type3A_188, %cond3A_189 : i32
      scf.if %cond3A_190 {
        %dma_wait3A_303 = arith.constant 0 : i32
        %dma_wait3A_304 = tpu.memref_slice %arg3[%dma_wait3A_303] : memref<327680xi32, #tpu.memory_space<hbm>> -> memref<80xi32, #tpu.memory_space<hbm>>
        %dma_wait3A_305 = arith.constant 0 : i32
        %dma_wait3A_306 = tpu.memref_slice %arg3[%dma_wait3A_305] : memref<327680xi32, #tpu.memory_space<hbm>> -> memref<80xi32, #tpu.memory_space<hbm>>
        tpu.wait_dma2 semaphore(%arg37 : memref<!tpu.dma_semaphore, #tpu.memory_space<semaphore_mem>>) src(%dma_wait3A_306 : memref<80xi32, #tpu.memory_space<hbm>>) dst(%arg12 : memref<80xi32, #tpu.memory_space<vmem>>)
        %dma_wait3A_307 = arith.constant 0 : i32
        %dma_wait3A_308 = tpu.memref_slice %arg4[%dma_wait3A_307] : memref<327680xi32, #tpu.memory_space<hbm>> -> memref<80xi32, #tpu.memory_space<hbm>>
        %dma_wait3A_309 = arith.constant 0 : i32
        %dma_wait3A_310 = tpu.memref_slice %arg4[%dma_wait3A_309] : memref<327680xi32, #tpu.memory_space<hbm>> -> memref<80xi32, #tpu.memory_space<hbm>>
        tpu.wait_dma2 semaphore(%arg37 : memref<!tpu.dma_semaphore, #tpu.memory_space<semaphore_mem>>) src(%dma_wait3A_310 : memref<80xi32, #tpu.memory_space<hbm>>) dst(%arg20 : memref<80xi32, #tpu.memory_space<vmem>>)
        %dma_start3A_311 = arith.constant 0 : i32
        %dma_start3A_312 = arith.constant 0 : i32
        %dma_start3A_313 = tpu.memref_slice %arg2[%dma_start3A_311, %dma_start3A_312] : memref<10000x128xf32, #tpu.memory_space<hbm>> -> memref<10000x128xf32, #tpu.memory_space<hbm>>
        tpu.enqueue_indirect_dma source(%dma_start3A_313 : memref<10000x128xf32, #tpu.memory_space<hbm>>) target(%arg24 : memref<80x128xf32, #tpu.memory_space<vmem>>) offsets(%arg12 : memref<80xi32, #tpu.memory_space<vmem>>) semaphore(%arg29 : memref<!tpu.dma_semaphore, #tpu.memory_space<semaphore_mem>>)
      } else {
      }
      %add3A_191 = arith.constant 8 : i32
      %add3A_192 = arith.addi %add3A_180, %add3A_191 : i32
      %lt3A_193 = arith.constant 128 : i32
      %lt3A_194 = arith.cmpi slt, %add3A_192, %lt3A_193 : i32
      %convert_element_type3A_195 = arith.extui %lt3A_194 : i1 to i32
      %cond3A_196 = arith.constant 0 : i32
      %cond3A_197 = arith.cmpi ne, %convert_element_type3A_195, %cond3A_196 : i32
      scf.if %cond3A_197 {
        %add3A_303 = arith.constant 8 : i32
        %add3A_304 = arith.addi %add3A_180, %add3A_303 : i32
        %mul3A_305 = arith.constant 10240 : i32
        %mul3A_306 = arith.muli %add3A, %mul3A_305 : i32
        %mul3A_307 = arith.constant 80 : i32
        %mul3A_308 = arith.muli %add3A_304, %mul3A_307 : i32
        %add3A_309 = arith.addi %mul3A_306, %mul3A_308 : i32
        %multiple_of3A_310 = tpu.assume_multiple %add3A_309, 80 : i32
        %dma_start3A_311 = tpu.memref_slice %arg3[%multiple_of3A_310] : memref<327680xi32, #tpu.memory_space<hbm>> -> memref<80xi32, #tpu.memory_space<hbm>>
        %dma_start3A_312 = tpu.memref_slice %arg3[%multiple_of3A_310] : memref<327680xi32, #tpu.memory_space<hbm>> -> memref<80xi32, #tpu.memory_space<hbm>>
        tpu.enqueue_dma source(%dma_start3A_312 : memref<80xi32, #tpu.memory_space<hbm>>) target(%arg8 : memref<80xi32, #tpu.memory_space<vmem>>) target_semaphore(%arg33 : memref<!tpu.dma_semaphore, #tpu.memory_space<semaphore_mem>>)
        %dma_start3A_313 = tpu.memref_slice %arg4[%multiple_of3A_310] : memref<327680xi32, #tpu.memory_space<hbm>> -> memref<80xi32, #tpu.memory_space<hbm>>
        %dma_start3A_314 = tpu.memref_slice %arg4[%multiple_of3A_310] : memref<327680xi32, #tpu.memory_space<hbm>> -> memref<80xi32, #tpu.memory_space<hbm>>
        tpu.enqueue_dma source(%dma_start3A_314 : memref<80xi32, #tpu.memory_space<hbm>>) target(%arg16 : memref<80xi32, #tpu.memory_space<vmem>>) target_semaphore(%arg33 : memref<!tpu.dma_semaphore, #tpu.memory_space<semaphore_mem>>)
      } else {
      }
      %mul3A_198 = arith.constant 8 : i32
      %mul3A_199 = arith.muli %mul3A_198, %add3A_137 : i32
      %add3A_200 = arith.constant 3 : i32
      %add3A_201 = arith.addi %mul3A_199, %add3A_200 : i32
      %dma_wait3A_202 = arith.constant 0 : i32
      %dma_wait3A_203 = arith.constant 0 : i32
      %dma_wait3A_204 = tpu.memref_slice %arg2[%dma_wait3A_202, %dma_wait3A_203] : memref<10000x128xf32, #tpu.memory_space<hbm>> -> memref<10000x128xf32, #tpu.memory_space<hbm>>
      tpu.wait_indirect_dma semaphore(%arg30 : memref<!tpu.dma_semaphore, #tpu.memory_space<semaphore_mem>>) src(%dma_wait3A_204 : memref<10000x128xf32, #tpu.memory_space<hbm>>) dst(%arg25 : memref<80x128xf32, #tpu.memory_space<vmem>>)
      "tpu.region"() ({
        %run_scoped3A = tpu.sem_alloc : memref<!tpu.dma_semaphore, #tpu.memory_space<semaphore_mem>>
        %dma_start3A_303 = arith.constant 0 : i32
        %dma_start3A_304 = arith.constant 0 : i32
        %dma_start3A_305 = tpu.memref_slice %arg26[%dma_start3A_303, %dma_start3A_304] : memref<10240x128xf32, #tpu.memory_space<vmem_shared>> -> memref<10240x128xf32, #tpu.memory_space<vmem_shared>>
        tpu.enqueue_indirect_dma source(%arg25 : memref<80x128xf32, #tpu.memory_space<vmem>>) target(%dma_start3A_305 : memref<10240x128xf32, #tpu.memory_space<vmem_shared>>) offsets(%arg17 : memref<80xi32, #tpu.memory_space<vmem>>) semaphore(%run_scoped3A : memref<!tpu.dma_semaphore, #tpu.memory_space<semaphore_mem>>) {add = true}
        %dma_wait3A_306 = arith.constant 0 : i32
        %dma_wait3A_307 = arith.constant 0 : i32
        %dma_wait3A_308 = tpu.memref_slice %arg26[%dma_wait3A_306, %dma_wait3A_307] : memref<10240x128xf32, #tpu.memory_space<vmem_shared>> -> memref<10240x128xf32, #tpu.memory_space<vmem_shared>>
        tpu.wait_indirect_dma semaphore(%run_scoped3A : memref<!tpu.dma_semaphore, #tpu.memory_space<semaphore_mem>>) src(%arg25 : memref<80x128xf32, #tpu.memory_space<vmem>>) dst(%dma_wait3A_308 : memref<10240x128xf32, #tpu.memory_space<vmem_shared>>)
        tpu.yield
      }) : () -> ()
      %add3A_205 = arith.constant 4 : i32
      %add3A_206 = arith.addi %add3A_201, %add3A_205 : i32
      %lt3A_207 = arith.constant 128 : i32
      %lt3A_208 = arith.cmpi slt, %add3A_206, %lt3A_207 : i32
      %convert_element_type3A_209 = arith.extui %lt3A_208 : i1 to i32
      %cond3A_210 = arith.constant 0 : i32
      %cond3A_211 = arith.cmpi ne, %convert_element_type3A_209, %cond3A_210 : i32
      scf.if %cond3A_211 {
        %dma_wait3A_303 = arith.constant 0 : i32
        %dma_wait3A_304 = tpu.memref_slice %arg3[%dma_wait3A_303] : memref<327680xi32, #tpu.memory_space<hbm>> -> memref<80xi32, #tpu.memory_space<hbm>>
        %dma_wait3A_305 = arith.constant 0 : i32
        %dma_wait3A_306 = tpu.memref_slice %arg3[%dma_wait3A_305] : memref<327680xi32, #tpu.memory_space<hbm>> -> memref<80xi32, #tpu.memory_space<hbm>>
        tpu.wait_dma2 semaphore(%arg38 : memref<!tpu.dma_semaphore, #tpu.memory_space<semaphore_mem>>) src(%dma_wait3A_306 : memref<80xi32, #tpu.memory_space<hbm>>) dst(%arg13 : memref<80xi32, #tpu.memory_space<vmem>>)
        %dma_wait3A_307 = arith.constant 0 : i32
        %dma_wait3A_308 = tpu.memref_slice %arg4[%dma_wait3A_307] : memref<327680xi32, #tpu.memory_space<hbm>> -> memref<80xi32, #tpu.memory_space<hbm>>
        %dma_wait3A_309 = arith.constant 0 : i32
        %dma_wait3A_310 = tpu.memref_slice %arg4[%dma_wait3A_309] : memref<327680xi32, #tpu.memory_space<hbm>> -> memref<80xi32, #tpu.memory_space<hbm>>
        tpu.wait_dma2 semaphore(%arg38 : memref<!tpu.dma_semaphore, #tpu.memory_space<semaphore_mem>>) src(%dma_wait3A_310 : memref<80xi32, #tpu.memory_space<hbm>>) dst(%arg21 : memref<80xi32, #tpu.memory_space<vmem>>)
        %dma_start3A_311 = arith.constant 0 : i32
        %dma_start3A_312 = arith.constant 0 : i32
        %dma_start3A_313 = tpu.memref_slice %arg2[%dma_start3A_311, %dma_start3A_312] : memref<10000x128xf32, #tpu.memory_space<hbm>> -> memref<10000x128xf32, #tpu.memory_space<hbm>>
        tpu.enqueue_indirect_dma source(%dma_start3A_313 : memref<10000x128xf32, #tpu.memory_space<hbm>>) target(%arg25 : memref<80x128xf32, #tpu.memory_space<vmem>>) offsets(%arg13 : memref<80xi32, #tpu.memory_space<vmem>>) semaphore(%arg30 : memref<!tpu.dma_semaphore, #tpu.memory_space<semaphore_mem>>)
      } else {
      }
      %add3A_212 = arith.constant 8 : i32
      %add3A_213 = arith.addi %add3A_201, %add3A_212 : i32
      %lt3A_214 = arith.constant 128 : i32
      %lt3A_215 = arith.cmpi slt, %add3A_213, %lt3A_214 : i32
      %convert_element_type3A_216 = arith.extui %lt3A_215 : i1 to i32
      %cond3A_217 = arith.constant 0 : i32
      %cond3A_218 = arith.cmpi ne, %convert_element_type3A_216, %cond3A_217 : i32
      scf.if %cond3A_218 {
        %add3A_303 = arith.constant 8 : i32
        %add3A_304 = arith.addi %add3A_201, %add3A_303 : i32
        %mul3A_305 = arith.constant 10240 : i32
        %mul3A_306 = arith.muli %add3A, %mul3A_305 : i32
        %mul3A_307 = arith.constant 80 : i32
        %mul3A_308 = arith.muli %add3A_304, %mul3A_307 : i32
        %add3A_309 = arith.addi %mul3A_306, %mul3A_308 : i32
        %multiple_of3A_310 = tpu.assume_multiple %add3A_309, 80 : i32
        %dma_start3A_311 = tpu.memref_slice %arg3[%multiple_of3A_310] : memref<327680xi32, #tpu.memory_space<hbm>> -> memref<80xi32, #tpu.memory_space<hbm>>
        %dma_start3A_312 = tpu.memref_slice %arg3[%multiple_of3A_310] : memref<327680xi32, #tpu.memory_space<hbm>> -> memref<80xi32, #tpu.memory_space<hbm>>
        tpu.enqueue_dma source(%dma_start3A_312 : memref<80xi32, #tpu.memory_space<hbm>>) target(%arg9 : memref<80xi32, #tpu.memory_space<vmem>>) target_semaphore(%arg34 : memref<!tpu.dma_semaphore, #tpu.memory_space<semaphore_mem>>)
        %dma_start3A_313 = tpu.memref_slice %arg4[%multiple_of3A_310] : memref<327680xi32, #tpu.memory_space<hbm>> -> memref<80xi32, #tpu.memory_space<hbm>>
        %dma_start3A_314 = tpu.memref_slice %arg4[%multiple_of3A_310] : memref<327680xi32, #tpu.memory_space<hbm>> -> memref<80xi32, #tpu.memory_space<hbm>>
        tpu.enqueue_dma source(%dma_start3A_314 : memref<80xi32, #tpu.memory_space<hbm>>) target(%arg17 : memref<80xi32, #tpu.memory_space<vmem>>) target_semaphore(%arg34 : memref<!tpu.dma_semaphore, #tpu.memory_space<semaphore_mem>>)
      } else {
      }
      %mul3A_219 = arith.constant 8 : i32
      %mul3A_220 = arith.muli %mul3A_219, %add3A_137 : i32
      %add3A_221 = arith.constant 4 : i32
      %add3A_222 = arith.addi %mul3A_220, %add3A_221 : i32
      %dma_wait3A_223 = arith.constant 0 : i32
      %dma_wait3A_224 = arith.constant 0 : i32
      %dma_wait3A_225 = tpu.memref_slice %arg2[%dma_wait3A_223, %dma_wait3A_224] : memref<10000x128xf32, #tpu.memory_space<hbm>> -> memref<10000x128xf32, #tpu.memory_space<hbm>>
      tpu.wait_indirect_dma semaphore(%arg27 : memref<!tpu.dma_semaphore, #tpu.memory_space<semaphore_mem>>) src(%dma_wait3A_225 : memref<10000x128xf32, #tpu.memory_space<hbm>>) dst(%arg22 : memref<80x128xf32, #tpu.memory_space<vmem>>)
      "tpu.region"() ({
        %run_scoped3A = tpu.sem_alloc : memref<!tpu.dma_semaphore, #tpu.memory_space<semaphore_mem>>
        %dma_start3A_303 = arith.constant 0 : i32
        %dma_start3A_304 = arith.constant 0 : i32
        %dma_start3A_305 = tpu.memref_slice %arg26[%dma_start3A_303, %dma_start3A_304] : memref<10240x128xf32, #tpu.memory_space<vmem_shared>> -> memref<10240x128xf32, #tpu.memory_space<vmem_shared>>
        tpu.enqueue_indirect_dma source(%arg22 : memref<80x128xf32, #tpu.memory_space<vmem>>) target(%dma_start3A_305 : memref<10240x128xf32, #tpu.memory_space<vmem_shared>>) offsets(%arg18 : memref<80xi32, #tpu.memory_space<vmem>>) semaphore(%run_scoped3A : memref<!tpu.dma_semaphore, #tpu.memory_space<semaphore_mem>>) {add = true}
        %dma_wait3A_306 = arith.constant 0 : i32
        %dma_wait3A_307 = arith.constant 0 : i32
        %dma_wait3A_308 = tpu.memref_slice %arg26[%dma_wait3A_306, %dma_wait3A_307] : memref<10240x128xf32, #tpu.memory_space<vmem_shared>> -> memref<10240x128xf32, #tpu.memory_space<vmem_shared>>
        tpu.wait_indirect_dma semaphore(%run_scoped3A : memref<!tpu.dma_semaphore, #tpu.memory_space<semaphore_mem>>) src(%arg22 : memref<80x128xf32, #tpu.memory_space<vmem>>) dst(%dma_wait3A_308 : memref<10240x128xf32, #tpu.memory_space<vmem_shared>>)
        tpu.yield
      }) : () -> ()
      %add3A_226 = arith.constant 4 : i32
      %add3A_227 = arith.addi %add3A_222, %add3A_226 : i32
      %lt3A_228 = arith.constant 128 : i32
      %lt3A_229 = arith.cmpi slt, %add3A_227, %lt3A_228 : i32
      %convert_element_type3A_230 = arith.extui %lt3A_229 : i1 to i32
      %cond3A_231 = arith.constant 0 : i32
      %cond3A_232 = arith.cmpi ne, %convert_element_type3A_230, %cond3A_231 : i32
      scf.if %cond3A_232 {
        %dma_wait3A_303 = arith.constant 0 : i32
        %dma_wait3A_304 = tpu.memref_slice %arg3[%dma_wait3A_303] : memref<327680xi32, #tpu.memory_space<hbm>> -> memref<80xi32, #tpu.memory_space<hbm>>
        %dma_wait3A_305 = arith.constant 0 : i32
        %dma_wait3A_306 = tpu.memref_slice %arg3[%dma_wait3A_305] : memref<327680xi32, #tpu.memory_space<hbm>> -> memref<80xi32, #tpu.memory_space<hbm>>
        tpu.wait_dma2 semaphore(%arg31 : memref<!tpu.dma_semaphore, #tpu.memory_space<semaphore_mem>>) src(%dma_wait3A_306 : memref<80xi32, #tpu.memory_space<hbm>>) dst(%arg6 : memref<80xi32, #tpu.memory_space<vmem>>)
        %dma_wait3A_307 = arith.constant 0 : i32
        %dma_wait3A_308 = tpu.memref_slice %arg4[%dma_wait3A_307] : memref<327680xi32, #tpu.memory_space<hbm>> -> memref<80xi32, #tpu.memory_space<hbm>>
        %dma_wait3A_309 = arith.constant 0 : i32
        %dma_wait3A_310 = tpu.memref_slice %arg4[%dma_wait3A_309] : memref<327680xi32, #tpu.memory_space<hbm>> -> memref<80xi32, #tpu.memory_space<hbm>>
        tpu.wait_dma2 semaphore(%arg31 : memref<!tpu.dma_semaphore, #tpu.memory_space<semaphore_mem>>) src(%dma_wait3A_310 : memref<80xi32, #tpu.memory_space<hbm>>) dst(%arg14 : memref<80xi32, #tpu.memory_space<vmem>>)
        %dma_start3A_311 = arith.constant 0 : i32
        %dma_start3A_312 = arith.constant 0 : i32
        %dma_start3A_313 = tpu.memref_slice %arg2[%dma_start3A_311, %dma_start3A_312] : memref<10000x128xf32, #tpu.memory_space<hbm>> -> memref<10000x128xf32, #tpu.memory_space<hbm>>
        tpu.enqueue_indirect_dma source(%dma_start3A_313 : memref<10000x128xf32, #tpu.memory_space<hbm>>) target(%arg22 : memref<80x128xf32, #tpu.memory_space<vmem>>) offsets(%arg6 : memref<80xi32, #tpu.memory_space<vmem>>) semaphore(%arg27 : memref<!tpu.dma_semaphore, #tpu.memory_space<semaphore_mem>>)
      } else {
      }
      %add3A_233 = arith.constant 8 : i32
      %add3A_234 = arith.addi %add3A_222, %add3A_233 : i32
      %lt3A_235 = arith.constant 128 : i32
      %lt3A_236 = arith.cmpi slt, %add3A_234, %lt3A_235 : i32
      %convert_element_type3A_237 = arith.extui %lt3A_236 : i1 to i32
      %cond3A_238 = arith.constant 0 : i32
      %cond3A_239 = arith.cmpi ne, %convert_element_type3A_237, %cond3A_238 : i32
      scf.if %cond3A_239 {
        %add3A_303 = arith.constant 8 : i32
        %add3A_304 = arith.addi %add3A_222, %add3A_303 : i32
        %mul3A_305 = arith.constant 10240 : i32
        %mul3A_306 = arith.muli %add3A, %mul3A_305 : i32
        %mul3A_307 = arith.constant 80 : i32
        %mul3A_308 = arith.muli %add3A_304, %mul3A_307 : i32
        %add3A_309 = arith.addi %mul3A_306, %mul3A_308 : i32
        %multiple_of3A_310 = tpu.assume_multiple %add3A_309, 80 : i32
        %dma_start3A_311 = tpu.memref_slice %arg3[%multiple_of3A_310] : memref<327680xi32, #tpu.memory_space<hbm>> -> memref<80xi32, #tpu.memory_space<hbm>>
        %dma_start3A_312 = tpu.memref_slice %arg3[%multiple_of3A_310] : memref<327680xi32, #tpu.memory_space<hbm>> -> memref<80xi32, #tpu.memory_space<hbm>>
        tpu.enqueue_dma source(%dma_start3A_312 : memref<80xi32, #tpu.memory_space<hbm>>) target(%arg10 : memref<80xi32, #tpu.memory_space<vmem>>) target_semaphore(%arg35 : memref<!tpu.dma_semaphore, #tpu.memory_space<semaphore_mem>>)
        %dma_start3A_313 = tpu.memref_slice %arg4[%multiple_of3A_310] : memref<327680xi32, #tpu.memory_space<hbm>> -> memref<80xi32, #tpu.memory_space<hbm>>
        %dma_start3A_314 = tpu.memref_slice %arg4[%multiple_of3A_310] : memref<327680xi32, #tpu.memory_space<hbm>> -> memref<80xi32, #tpu.memory_space<hbm>>
        tpu.enqueue_dma source(%dma_start3A_314 : memref<80xi32, #tpu.memory_space<hbm>>) target(%arg18 : memref<80xi32, #tpu.memory_space<vmem>>) target_semaphore(%arg35 : memref<!tpu.dma_semaphore, #tpu.memory_space<semaphore_mem>>)
      } else {
      }
      %mul3A_240 = arith.constant 8 : i32
      %mul3A_241 = arith.muli %mul3A_240, %add3A_137 : i32
      %add3A_242 = arith.constant 5 : i32
      %add3A_243 = arith.addi %mul3A_241, %add3A_242 : i32
      %dma_wait3A_244 = arith.constant 0 : i32
      %dma_wait3A_245 = arith.constant 0 : i32
      %dma_wait3A_246 = tpu.memref_slice %arg2[%dma_wait3A_244, %dma_wait3A_245] : memref<10000x128xf32, #tpu.memory_space<hbm>> -> memref<10000x128xf32, #tpu.memory_space<hbm>>
      tpu.wait_indirect_dma semaphore(%arg28 : memref<!tpu.dma_semaphore, #tpu.memory_space<semaphore_mem>>) src(%dma_wait3A_246 : memref<10000x128xf32, #tpu.memory_space<hbm>>) dst(%arg23 : memref<80x128xf32, #tpu.memory_space<vmem>>)
      "tpu.region"() ({
        %run_scoped3A = tpu.sem_alloc : memref<!tpu.dma_semaphore, #tpu.memory_space<semaphore_mem>>
        %dma_start3A_303 = arith.constant 0 : i32
        %dma_start3A_304 = arith.constant 0 : i32
        %dma_start3A_305 = tpu.memref_slice %arg26[%dma_start3A_303, %dma_start3A_304] : memref<10240x128xf32, #tpu.memory_space<vmem_shared>> -> memref<10240x128xf32, #tpu.memory_space<vmem_shared>>
        tpu.enqueue_indirect_dma source(%arg23 : memref<80x128xf32, #tpu.memory_space<vmem>>) target(%dma_start3A_305 : memref<10240x128xf32, #tpu.memory_space<vmem_shared>>) offsets(%arg19 : memref<80xi32, #tpu.memory_space<vmem>>) semaphore(%run_scoped3A : memref<!tpu.dma_semaphore, #tpu.memory_space<semaphore_mem>>) {add = true}
        %dma_wait3A_306 = arith.constant 0 : i32
        %dma_wait3A_307 = arith.constant 0 : i32
        %dma_wait3A_308 = tpu.memref_slice %arg26[%dma_wait3A_306, %dma_wait3A_307] : memref<10240x128xf32, #tpu.memory_space<vmem_shared>> -> memref<10240x128xf32, #tpu.memory_space<vmem_shared>>
        tpu.wait_indirect_dma semaphore(%run_scoped3A : memref<!tpu.dma_semaphore, #tpu.memory_space<semaphore_mem>>) src(%arg23 : memref<80x128xf32, #tpu.memory_space<vmem>>) dst(%dma_wait3A_308 : memref<10240x128xf32, #tpu.memory_space<vmem_shared>>)
        tpu.yield
      }) : () -> ()
      %add3A_247 = arith.constant 4 : i32
      %add3A_248 = arith.addi %add3A_243, %add3A_247 : i32
      %lt3A_249 = arith.constant 128 : i32
      %lt3A_250 = arith.cmpi slt, %add3A_248, %lt3A_249 : i32
      %convert_element_type3A_251 = arith.extui %lt3A_250 : i1 to i32
      %cond3A_252 = arith.constant 0 : i32
      %cond3A_253 = arith.cmpi ne, %convert_element_type3A_251, %cond3A_252 : i32
      scf.if %cond3A_253 {
        %dma_wait3A_303 = arith.constant 0 : i32
        %dma_wait3A_304 = tpu.memref_slice %arg3[%dma_wait3A_303] : memref<327680xi32, #tpu.memory_space<hbm>> -> memref<80xi32, #tpu.memory_space<hbm>>
        %dma_wait3A_305 = arith.constant 0 : i32
        %dma_wait3A_306 = tpu.memref_slice %arg3[%dma_wait3A_305] : memref<327680xi32, #tpu.memory_space<hbm>> -> memref<80xi32, #tpu.memory_space<hbm>>
        tpu.wait_dma2 semaphore(%arg32 : memref<!tpu.dma_semaphore, #tpu.memory_space<semaphore_mem>>) src(%dma_wait3A_306 : memref<80xi32, #tpu.memory_space<hbm>>) dst(%arg7 : memref<80xi32, #tpu.memory_space<vmem>>)
        %dma_wait3A_307 = arith.constant 0 : i32
        %dma_wait3A_308 = tpu.memref_slice %arg4[%dma_wait3A_307] : memref<327680xi32, #tpu.memory_space<hbm>> -> memref<80xi32, #tpu.memory_space<hbm>>
        %dma_wait3A_309 = arith.constant 0 : i32
        %dma_wait3A_310 = tpu.memref_slice %arg4[%dma_wait3A_309] : memref<327680xi32, #tpu.memory_space<hbm>> -> memref<80xi32, #tpu.memory_space<hbm>>
        tpu.wait_dma2 semaphore(%arg32 : memref<!tpu.dma_semaphore, #tpu.memory_space<semaphore_mem>>) src(%dma_wait3A_310 : memref<80xi32, #tpu.memory_space<hbm>>) dst(%arg15 : memref<80xi32, #tpu.memory_space<vmem>>)
        %dma_start3A_311 = arith.constant 0 : i32
        %dma_start3A_312 = arith.constant 0 : i32
        %dma_start3A_313 = tpu.memref_slice %arg2[%dma_start3A_311, %dma_start3A_312] : memref<10000x128xf32, #tpu.memory_space<hbm>> -> memref<10000x128xf32, #tpu.memory_space<hbm>>
        tpu.enqueue_indirect_dma source(%dma_start3A_313 : memref<10000x128xf32, #tpu.memory_space<hbm>>) target(%arg23 : memref<80x128xf32, #tpu.memory_space<vmem>>) offsets(%arg7 : memref<80xi32, #tpu.memory_space<vmem>>) semaphore(%arg28 : memref<!tpu.dma_semaphore, #tpu.memory_space<semaphore_mem>>)
      } else {
      }
      %add3A_254 = arith.constant 8 : i32
      %add3A_255 = arith.addi %add3A_243, %add3A_254 : i32
      %lt3A_256 = arith.constant 128 : i32
      %lt3A_257 = arith.cmpi slt, %add3A_255, %lt3A_256 : i32
      %convert_element_type3A_258 = arith.extui %lt3A_257 : i1 to i32
      %cond3A_259 = arith.constant 0 : i32
      %cond3A_260 = arith.cmpi ne, %convert_element_type3A_258, %cond3A_259 : i32
      scf.if %cond3A_260 {
        %add3A_303 = arith.constant 8 : i32
        %add3A_304 = arith.addi %add3A_243, %add3A_303 : i32
        %mul3A_305 = arith.constant 10240 : i32
        %mul3A_306 = arith.muli %add3A, %mul3A_305 : i32
        %mul3A_307 = arith.constant 80 : i32
        %mul3A_308 = arith.muli %add3A_304, %mul3A_307 : i32
        %add3A_309 = arith.addi %mul3A_306, %mul3A_308 : i32
        %multiple_of3A_310 = tpu.assume_multiple %add3A_309, 80 : i32
        %dma_start3A_311 = tpu.memref_slice %arg3[%multiple_of3A_310] : memref<327680xi32, #tpu.memory_space<hbm>> -> memref<80xi32, #tpu.memory_space<hbm>>
        %dma_start3A_312 = tpu.memref_slice %arg3[%multiple_of3A_310] : memref<327680xi32, #tpu.memory_space<hbm>> -> memref<80xi32, #tpu.memory_space<hbm>>
        tpu.enqueue_dma source(%dma_start3A_312 : memref<80xi32, #tpu.memory_space<hbm>>) target(%arg11 : memref<80xi32, #tpu.memory_space<vmem>>) target_semaphore(%arg36 : memref<!tpu.dma_semaphore, #tpu.memory_space<semaphore_mem>>)
        %dma_start3A_313 = tpu.memref_slice %arg4[%multiple_of3A_310] : memref<327680xi32, #tpu.memory_space<hbm>> -> memref<80xi32, #tpu.memory_space<hbm>>
        %dma_start3A_314 = tpu.memref_slice %arg4[%multiple_of3A_310] : memref<327680xi32, #tpu.memory_space<hbm>> -> memref<80xi32, #tpu.memory_space<hbm>>
        tpu.enqueue_dma source(%dma_start3A_314 : memref<80xi32, #tpu.memory_space<hbm>>) target(%arg19 : memref<80xi32, #tpu.memory_space<vmem>>) target_semaphore(%arg36 : memref<!tpu.dma_semaphore, #tpu.memory_space<semaphore_mem>>)
      } else {
      }
      %mul3A_261 = arith.constant 8 : i32
      %mul3A_262 = arith.muli %mul3A_261, %add3A_137 : i32
      %add3A_263 = arith.constant 6 : i32
      %add3A_264 = arith.addi %mul3A_262, %add3A_263 : i32
      %dma_wait3A_265 = arith.constant 0 : i32
      %dma_wait3A_266 = arith.constant 0 : i32
      %dma_wait3A_267 = tpu.memref_slice %arg2[%dma_wait3A_265, %dma_wait3A_266] : memref<10000x128xf32, #tpu.memory_space<hbm>> -> memref<10000x128xf32, #tpu.memory_space<hbm>>
      tpu.wait_indirect_dma semaphore(%arg29 : memref<!tpu.dma_semaphore, #tpu.memory_space<semaphore_mem>>) src(%dma_wait3A_267 : memref<10000x128xf32, #tpu.memory_space<hbm>>) dst(%arg24 : memref<80x128xf32, #tpu.memory_space<vmem>>)
      "tpu.region"() ({
        %run_scoped3A = tpu.sem_alloc : memref<!tpu.dma_semaphore, #tpu.memory_space<semaphore_mem>>
        %dma_start3A_303 = arith.constant 0 : i32
        %dma_start3A_304 = arith.constant 0 : i32
        %dma_start3A_305 = tpu.memref_slice %arg26[%dma_start3A_303, %dma_start3A_304] : memref<10240x128xf32, #tpu.memory_space<vmem_shared>> -> memref<10240x128xf32, #tpu.memory_space<vmem_shared>>
        tpu.enqueue_indirect_dma source(%arg24 : memref<80x128xf32, #tpu.memory_space<vmem>>) target(%dma_start3A_305 : memref<10240x128xf32, #tpu.memory_space<vmem_shared>>) offsets(%arg20 : memref<80xi32, #tpu.memory_space<vmem>>) semaphore(%run_scoped3A : memref<!tpu.dma_semaphore, #tpu.memory_space<semaphore_mem>>) {add = true}
        %dma_wait3A_306 = arith.constant 0 : i32
        %dma_wait3A_307 = arith.constant 0 : i32
        %dma_wait3A_308 = tpu.memref_slice %arg26[%dma_wait3A_306, %dma_wait3A_307] : memref<10240x128xf32, #tpu.memory_space<vmem_shared>> -> memref<10240x128xf32, #tpu.memory_space<vmem_shared>>
        tpu.wait_indirect_dma semaphore(%run_scoped3A : memref<!tpu.dma_semaphore, #tpu.memory_space<semaphore_mem>>) src(%arg24 : memref<80x128xf32, #tpu.memory_space<vmem>>) dst(%dma_wait3A_308 : memref<10240x128xf32, #tpu.memory_space<vmem_shared>>)
        tpu.yield
      }) : () -> ()
      %add3A_268 = arith.constant 4 : i32
      %add3A_269 = arith.addi %add3A_264, %add3A_268 : i32
      %lt3A_270 = arith.constant 128 : i32
      %lt3A_271 = arith.cmpi slt, %add3A_269, %lt3A_270 : i32
      %convert_element_type3A_272 = arith.extui %lt3A_271 : i1 to i32
      %cond3A_273 = arith.constant 0 : i32
      %cond3A_274 = arith.cmpi ne, %convert_element_type3A_272, %cond3A_273 : i32
      scf.if %cond3A_274 {
        %dma_wait3A_303 = arith.constant 0 : i32
        %dma_wait3A_304 = tpu.memref_slice %arg3[%dma_wait3A_303] : memref<327680xi32, #tpu.memory_space<hbm>> -> memref<80xi32, #tpu.memory_space<hbm>>
        %dma_wait3A_305 = arith.constant 0 : i32
        %dma_wait3A_306 = tpu.memref_slice %arg3[%dma_wait3A_305] : memref<327680xi32, #tpu.memory_space<hbm>> -> memref<80xi32, #tpu.memory_space<hbm>>
        tpu.wait_dma2 semaphore(%arg33 : memref<!tpu.dma_semaphore, #tpu.memory_space<semaphore_mem>>) src(%dma_wait3A_306 : memref<80xi32, #tpu.memory_space<hbm>>) dst(%arg8 : memref<80xi32, #tpu.memory_space<vmem>>)
        %dma_wait3A_307 = arith.constant 0 : i32
        %dma_wait3A_308 = tpu.memref_slice %arg4[%dma_wait3A_307] : memref<327680xi32, #tpu.memory_space<hbm>> -> memref<80xi32, #tpu.memory_space<hbm>>
        %dma_wait3A_309 = arith.constant 0 : i32
        %dma_wait3A_310 = tpu.memref_slice %arg4[%dma_wait3A_309] : memref<327680xi32, #tpu.memory_space<hbm>> -> memref<80xi32, #tpu.memory_space<hbm>>
        tpu.wait_dma2 semaphore(%arg33 : memref<!tpu.dma_semaphore, #tpu.memory_space<semaphore_mem>>) src(%dma_wait3A_310 : memref<80xi32, #tpu.memory_space<hbm>>) dst(%arg16 : memref<80xi32, #tpu.memory_space<vmem>>)
        %dma_start3A_311 = arith.constant 0 : i32
        %dma_start3A_312 = arith.constant 0 : i32
        %dma_start3A_313 = tpu.memref_slice %arg2[%dma_start3A_311, %dma_start3A_312] : memref<10000x128xf32, #tpu.memory_space<hbm>> -> memref<10000x128xf32, #tpu.memory_space<hbm>>
        tpu.enqueue_indirect_dma source(%dma_start3A_313 : memref<10000x128xf32, #tpu.memory_space<hbm>>) target(%arg24 : memref<80x128xf32, #tpu.memory_space<vmem>>) offsets(%arg8 : memref<80xi32, #tpu.memory_space<vmem>>) semaphore(%arg29 : memref<!tpu.dma_semaphore, #tpu.memory_space<semaphore_mem>>)
      } else {
      }
      %add3A_275 = arith.constant 8 : i32
      %add3A_276 = arith.addi %add3A_264, %add3A_275 : i32
      %lt3A_277 = arith.constant 128 : i32
      %lt3A_278 = arith.cmpi slt, %add3A_276, %lt3A_277 : i32
      %convert_element_type3A_279 = arith.extui %lt3A_278 : i1 to i32
      %cond3A_280 = arith.constant 0 : i32
      %cond3A_281 = arith.cmpi ne, %convert_element_type3A_279, %cond3A_280 : i32
      scf.if %cond3A_281 {
        %add3A_303 = arith.constant 8 : i32
        %add3A_304 = arith.addi %add3A_264, %add3A_303 : i32
        %mul3A_305 = arith.constant 10240 : i32
        %mul3A_306 = arith.muli %add3A, %mul3A_305 : i32
        %mul3A_307 = arith.constant 80 : i32
        %mul3A_308 = arith.muli %add3A_304, %mul3A_307 : i32
        %add3A_309 = arith.addi %mul3A_306, %mul3A_308 : i32
        %multiple_of3A_310 = tpu.assume_multiple %add3A_309, 80 : i32
        %dma_start3A_311 = tpu.memref_slice %arg3[%multiple_of3A_310] : memref<327680xi32, #tpu.memory_space<hbm>> -> memref<80xi32, #tpu.memory_space<hbm>>
        %dma_start3A_312 = tpu.memref_slice %arg3[%multiple_of3A_310] : memref<327680xi32, #tpu.memory_space<hbm>> -> memref<80xi32, #tpu.memory_space<hbm>>
        tpu.enqueue_dma source(%dma_start3A_312 : memref<80xi32, #tpu.memory_space<hbm>>) target(%arg12 : memref<80xi32, #tpu.memory_space<vmem>>) target_semaphore(%arg37 : memref<!tpu.dma_semaphore, #tpu.memory_space<semaphore_mem>>)
        %dma_start3A_313 = tpu.memref_slice %arg4[%multiple_of3A_310] : memref<327680xi32, #tpu.memory_space<hbm>> -> memref<80xi32, #tpu.memory_space<hbm>>
        %dma_start3A_314 = tpu.memref_slice %arg4[%multiple_of3A_310] : memref<327680xi32, #tpu.memory_space<hbm>> -> memref<80xi32, #tpu.memory_space<hbm>>
        tpu.enqueue_dma source(%dma_start3A_314 : memref<80xi32, #tpu.memory_space<hbm>>) target(%arg20 : memref<80xi32, #tpu.memory_space<vmem>>) target_semaphore(%arg37 : memref<!tpu.dma_semaphore, #tpu.memory_space<semaphore_mem>>)
      } else {
      }
      %mul3A_282 = arith.constant 8 : i32
      %mul3A_283 = arith.muli %mul3A_282, %add3A_137 : i32
      %add3A_284 = arith.constant 7 : i32
      %add3A_285 = arith.addi %mul3A_283, %add3A_284 : i32
      %dma_wait3A_286 = arith.constant 0 : i32
      %dma_wait3A_287 = arith.constant 0 : i32
      %dma_wait3A_288 = tpu.memref_slice %arg2[%dma_wait3A_286, %dma_wait3A_287] : memref<10000x128xf32, #tpu.memory_space<hbm>> -> memref<10000x128xf32, #tpu.memory_space<hbm>>
      tpu.wait_indirect_dma semaphore(%arg30 : memref<!tpu.dma_semaphore, #tpu.memory_space<semaphore_mem>>) src(%dma_wait3A_288 : memref<10000x128xf32, #tpu.memory_space<hbm>>) dst(%arg25 : memref<80x128xf32, #tpu.memory_space<vmem>>)
      "tpu.region"() ({
        %run_scoped3A = tpu.sem_alloc : memref<!tpu.dma_semaphore, #tpu.memory_space<semaphore_mem>>
        %dma_start3A_303 = arith.constant 0 : i32
        %dma_start3A_304 = arith.constant 0 : i32
        %dma_start3A_305 = tpu.memref_slice %arg26[%dma_start3A_303, %dma_start3A_304] : memref<10240x128xf32, #tpu.memory_space<vmem_shared>> -> memref<10240x128xf32, #tpu.memory_space<vmem_shared>>
        tpu.enqueue_indirect_dma source(%arg25 : memref<80x128xf32, #tpu.memory_space<vmem>>) target(%dma_start3A_305 : memref<10240x128xf32, #tpu.memory_space<vmem_shared>>) offsets(%arg21 : memref<80xi32, #tpu.memory_space<vmem>>) semaphore(%run_scoped3A : memref<!tpu.dma_semaphore, #tpu.memory_space<semaphore_mem>>) {add = true}
        %dma_wait3A_306 = arith.constant 0 : i32
        %dma_wait3A_307 = arith.constant 0 : i32
        %dma_wait3A_308 = tpu.memref_slice %arg26[%dma_wait3A_306, %dma_wait3A_307] : memref<10240x128xf32, #tpu.memory_space<vmem_shared>> -> memref<10240x128xf32, #tpu.memory_space<vmem_shared>>
        tpu.wait_indirect_dma semaphore(%run_scoped3A : memref<!tpu.dma_semaphore, #tpu.memory_space<semaphore_mem>>) src(%arg25 : memref<80x128xf32, #tpu.memory_space<vmem>>) dst(%dma_wait3A_308 : memref<10240x128xf32, #tpu.memory_space<vmem_shared>>)
        tpu.yield
      }) : () -> ()
      %add3A_289 = arith.constant 4 : i32
      %add3A_290 = arith.addi %add3A_285, %add3A_289 : i32
      %lt3A_291 = arith.constant 128 : i32
      %lt3A_292 = arith.cmpi slt, %add3A_290, %lt3A_291 : i32
      %convert_element_type3A_293 = arith.extui %lt3A_292 : i1 to i32
      %cond3A_294 = arith.constant 0 : i32
      %cond3A_295 = arith.cmpi ne, %convert_element_type3A_293, %cond3A_294 : i32
      scf.if %cond3A_295 {
        %dma_wait3A_303 = arith.constant 0 : i32
        %dma_wait3A_304 = tpu.memref_slice %arg3[%dma_wait3A_303] : memref<327680xi32, #tpu.memory_space<hbm>> -> memref<80xi32, #tpu.memory_space<hbm>>
        %dma_wait3A_305 = arith.constant 0 : i32
        %dma_wait3A_306 = tpu.memref_slice %arg3[%dma_wait3A_305] : memref<327680xi32, #tpu.memory_space<hbm>> -> memref<80xi32, #tpu.memory_space<hbm>>
        tpu.wait_dma2 semaphore(%arg34 : memref<!tpu.dma_semaphore, #tpu.memory_space<semaphore_mem>>) src(%dma_wait3A_306 : memref<80xi32, #tpu.memory_space<hbm>>) dst(%arg9 : memref<80xi32, #tpu.memory_space<vmem>>)
        %dma_wait3A_307 = arith.constant 0 : i32
        %dma_wait3A_308 = tpu.memref_slice %arg4[%dma_wait3A_307] : memref<327680xi32, #tpu.memory_space<hbm>> -> memref<80xi32, #tpu.memory_space<hbm>>
        %dma_wait3A_309 = arith.constant 0 : i32
        %dma_wait3A_310 = tpu.memref_slice %arg4[%dma_wait3A_309] : memref<327680xi32, #tpu.memory_space<hbm>> -> memref<80xi32, #tpu.memory_space<hbm>>
        tpu.wait_dma2 semaphore(%arg34 : memref<!tpu.dma_semaphore, #tpu.memory_space<semaphore_mem>>) src(%dma_wait3A_310 : memref<80xi32, #tpu.memory_space<hbm>>) dst(%arg17 : memref<80xi32, #tpu.memory_space<vmem>>)
        %dma_start3A_311 = arith.constant 0 : i32
        %dma_start3A_312 = arith.constant 0 : i32
        %dma_start3A_313 = tpu.memref_slice %arg2[%dma_start3A_311, %dma_start3A_312] : memref<10000x128xf32, #tpu.memory_space<hbm>> -> memref<10000x128xf32, #tpu.memory_space<hbm>>
        tpu.enqueue_indirect_dma source(%dma_start3A_313 : memref<10000x128xf32, #tpu.memory_space<hbm>>) target(%arg25 : memref<80x128xf32, #tpu.memory_space<vmem>>) offsets(%arg9 : memref<80xi32, #tpu.memory_space<vmem>>) semaphore(%arg30 : memref<!tpu.dma_semaphore, #tpu.memory_space<semaphore_mem>>)
      } else {
      }
      %add3A_296 = arith.constant 8 : i32
      %add3A_297 = arith.addi %add3A_285, %add3A_296 : i32
      %lt3A_298 = arith.constant 128 : i32
      %lt3A_299 = arith.cmpi slt, %add3A_297, %lt3A_298 : i32
      %convert_element_type3A_300 = arith.extui %lt3A_299 : i1 to i32
      %cond3A_301 = arith.constant 0 : i32
      %cond3A_302 = arith.cmpi ne, %convert_element_type3A_300, %cond3A_301 : i32
      scf.if %cond3A_302 {
        %add3A_303 = arith.constant 8 : i32
        %add3A_304 = arith.addi %add3A_285, %add3A_303 : i32
        %mul3A_305 = arith.constant 10240 : i32
        %mul3A_306 = arith.muli %add3A, %mul3A_305 : i32
        %mul3A_307 = arith.constant 80 : i32
        %mul3A_308 = arith.muli %add3A_304, %mul3A_307 : i32
        %add3A_309 = arith.addi %mul3A_306, %mul3A_308 : i32
        %multiple_of3A_310 = tpu.assume_multiple %add3A_309, 80 : i32
        %dma_start3A_311 = tpu.memref_slice %arg3[%multiple_of3A_310] : memref<327680xi32, #tpu.memory_space<hbm>> -> memref<80xi32, #tpu.memory_space<hbm>>
        %dma_start3A_312 = tpu.memref_slice %arg3[%multiple_of3A_310] : memref<327680xi32, #tpu.memory_space<hbm>> -> memref<80xi32, #tpu.memory_space<hbm>>
        tpu.enqueue_dma source(%dma_start3A_312 : memref<80xi32, #tpu.memory_space<hbm>>) target(%arg13 : memref<80xi32, #tpu.memory_space<vmem>>) target_semaphore(%arg38 : memref<!tpu.dma_semaphore, #tpu.memory_space<semaphore_mem>>)
        %dma_start3A_313 = tpu.memref_slice %arg4[%multiple_of3A_310] : memref<327680xi32, #tpu.memory_space<hbm>> -> memref<80xi32, #tpu.memory_space<hbm>>
        %dma_start3A_314 = tpu.memref_slice %arg4[%multiple_of3A_310] : memref<327680xi32, #tpu.memory_space<hbm>> -> memref<80xi32, #tpu.memory_space<hbm>>
        tpu.enqueue_dma source(%dma_start3A_314 : memref<80xi32, #tpu.memory_space<hbm>>) target(%arg21 : memref<80xi32, #tpu.memory_space<vmem>>) target_semaphore(%arg38 : memref<!tpu.dma_semaphore, #tpu.memory_space<semaphore_mem>>)
      } else {
      }
    }
    %scan3A_128 = arith.constant 16 : i32
    %barrier3A_129 = arith.constant 0 : index
    tpu.barrier barrier_id(%barrier3A_129)
    %mul3A_130 = arith.constant 640 : i32
    %mul3A_131 = arith.muli %arg1, %mul3A_130 : i32
    %multiple_of3A_132 = tpu.assume_multiple %mul3A_131, 640 : i32
    "tpu.region"() ({
      %run_scoped3A = tpu.sem_alloc : memref<!tpu.dma_semaphore, #tpu.memory_space<semaphore_mem>>
      %dma_start3A_133 = arith.constant 0 : i32
      %dma_start3A_134 = tpu.memref_slice %arg5[%arg0, %multiple_of3A_132, %dma_start3A_133] : memref<2x10240x128xf32, #tpu.memory_space<hbm>> -> memref<1x640x128xf32, #tpu.memory_space<hbm>>
      %dma_start3A_135 = tpu.memref_squeeze %dma_start3A_134 : memref<1x640x128xf32, #tpu.memory_space<hbm>> -> memref<640x128xf32, #tpu.memory_space<hbm>>
      %dma_start3A_136 = arith.constant 0 : i32
      %dma_start3A_137 = tpu.memref_slice %arg26[%multiple_of3A_132, %dma_start3A_136] : memref<10240x128xf32, #tpu.memory_space<vmem_shared>> -> memref<640x128xf32, #tpu.memory_space<vmem_shared>>
      tpu.enqueue_dma source(%dma_start3A_137 : memref<640x128xf32, #tpu.memory_space<vmem_shared>>) target(%dma_start3A_135 : memref<640x128xf32, #tpu.memory_space<hbm>>) target_semaphore(%run_scoped3A : memref<!tpu.dma_semaphore, #tpu.memory_space<semaphore_mem>>)
      %dma_wait3A_138 = arith.constant 0 : i32
      %dma_wait3A_139 = tpu.memref_slice %arg5[%arg0, %multiple_of3A_132, %dma_wait3A_138] : memref<2x10240x128xf32, #tpu.memory_space<hbm>> -> memref<1x640x128xf32, #tpu.memory_space<hbm>>
      %dma_wait3A_140 = tpu.memref_squeeze %dma_wait3A_139 : memref<1x640x128xf32, #tpu.memory_space<hbm>> -> memref<640x128xf32, #tpu.memory_space<hbm>>
      %dma_wait3A_141 = arith.constant 0 : i32
      %dma_wait3A_142 = tpu.memref_slice %arg26[%multiple_of3A_132, %dma_wait3A_141] : memref<10240x128xf32, #tpu.memory_space<vmem_shared>> -> memref<640x128xf32, #tpu.memory_space<vmem_shared>>
      tpu.wait_dma2 semaphore(%run_scoped3A : memref<!tpu.dma_semaphore, #tpu.memory_space<semaphore_mem>>) src(%dma_wait3A_142 : memref<640x128xf32, #tpu.memory_space<vmem_shared>>) dst(%dma_wait3A_140 : memref<640x128xf32, #tpu.memory_space<hbm>>)
      tpu.yield
    }) : () -> ()
    return
  }
}

#map = affine_map<(d0, d1) -> (0, 0)>
#map1 = affine_map<(d0, d1) -> (0)>
#map2 = affine_map<(d0, d1) -> (0, 0, 0)>
module attributes {stable_mosaic.version = 14 : i64} {
  func.func @body(%arg0: i32, %arg1: i32, %arg2: memref<10000x128xf32, #tpu.memory_space<hbm>>, %arg3: memref<327680xi32, #tpu.memory_space<hbm>>, %arg4: memref<327680xi32, #tpu.memory_space<hbm>>, %arg5: memref<2x10240x128xf32, #tpu.memory_space<hbm>>, %arg6: memref<80xi32, #tpu.memory_space<vmem>>, %arg7: memref<80xi32, #tpu.memory_space<vmem>>, %arg8: memref<80xi32, #tpu.memory_space<vmem>>, %arg9: memref<80xi32, #tpu.memory_space<vmem>>, %arg10: memref<80xi32, #tpu.memory_space<vmem>>, %arg11: memref<80xi32, #tpu.memory_space<vmem>>, %arg12: memref<80xi32, #tpu.memory_space<vmem>>, %arg13: memref<80xi32, #tpu.memory_space<vmem>>, %arg14: memref<80xi32, #tpu.memory_space<vmem>>, %arg15: memref<80xi32, #tpu.memory_space<vmem>>, %arg16: memref<80xi32, #tpu.memory_space<vmem>>, %arg17: memref<80xi32, #tpu.memory_space<vmem>>, %arg18: memref<80xi32, #tpu.memory_space<vmem>>, %arg19: memref<80xi32, #tpu.memory_space<vmem>>, %arg20: memref<80xi32, #tpu.memory_space<vmem>>, %arg21: memref<80xi32, #tpu.memory_space<vmem>>, %arg22: memref<80x128xf32, #tpu.memory_space<vmem>>, %arg23: memref<80x128xf32, #tpu.memory_space<vmem>>, %arg24: memref<80x128xf32, #tpu.memory_space<vmem>>, %arg25: memref<80x128xf32, #tpu.memory_space<vmem>>, %arg26: memref<10240x128xf32, #tpu.memory_space<vmem_shared>>, %arg27: memref<!tpu.dma_semaphore, #tpu.memory_space<semaphore_mem>>, %arg28: memref<!tpu.dma_semaphore, #tpu.memory_space<semaphore_mem>>, %arg29: memref<!tpu.dma_semaphore, #tpu.memory_space<semaphore_mem>>, %arg30: memref<!tpu.dma_semaphore, #tpu.memory_space<semaphore_mem>>, %arg31: memref<!tpu.dma_semaphore, #tpu.memory_space<semaphore_mem>>, %arg32: memref<!tpu.dma_semaphore, #tpu.memory_space<semaphore_mem>>, %arg33: memref<!tpu.dma_semaphore, #tpu.memory_space<semaphore_mem>>, %arg34: memref<!tpu.dma_semaphore, #tpu.memory_space<semaphore_mem>>, %arg35: memref<!tpu.dma_semaphore, #tpu.memory_space<semaphore_mem>>, %arg36: memref<!tpu.dma_semaphore, #tpu.memory_space<semaphore_mem>>, %arg37: memref<!tpu.dma_semaphore, #tpu.memory_space<semaphore_mem>>, %arg38: memref<!tpu.dma_semaphore, #tpu.memory_space<semaphore_mem>>) attributes {dimension_semantics = [#tpu.dimension_semantics<core_parallel>, #tpu.dimension_semantics<subcore_parallel>], iteration_bounds = array<i64: 2, 16>, scalar_prefetch = 0 : i64, scratch_operands = 33 : i64, tpu.core_type = #tpu.core_type<sc_vector_subcore>, window_params = [{transform_indices = #map}, {transform_indices = #map1}, {transform_indices = #map1}, {transform_indices = #map2}]} {
    %mul3A = arith.constant 2 : i32
    %mul3A_0 = arith.muli %arg1, %mul3A : i32
    %add3A = arith.addi %mul3A_0, %arg0 : i32
    %broadcast_in_dim3A = arith.constant 0.000000e+00 : f32
    %broadcast_in_dim3A_1 = vector.broadcast %broadcast_in_dim3A : f32 to vector<16xf32>
    %scan3A = arith.constant 0 : i32
    %scan3A_2 = arith.constant 80 : i32
    %scan3A_3 = arith.addi %scan3A, %scan3A_2 : i32
    %scan3A_4 = arith.constant 1 : i32
    scf.for %scan3A_133 = %scan3A to %scan3A_3 step %scan3A_4  : i32 {
      %mul3A_134 = arith.constant 1 : i32
      %mul3A_135 = arith.muli %scan3A_133, %mul3A_134 : i32
      %add3A_136 = arith.constant 0 : i32
      %add3A_137 = arith.addi %add3A_136, %mul3A_135 : i32
      %scan3A_138 = arith.constant 0 : i32
      %scan3A_139 = arith.constant 8 : i32
      %scan3A_140 = arith.addi %scan3A_138, %scan3A_139 : i32
      %scan3A_141 = arith.constant 1 : i32
      scf.for %scan3A_143 = %scan3A_138 to %scan3A_140 step %scan3A_141  : i32 {
        %mul3A_144 = arith.constant 16 : i32
        %mul3A_145 = arith.muli %scan3A_143, %mul3A_144 : i32
        %add3A_146 = arith.constant 0 : i32
        %add3A_147 = arith.addi %add3A_146, %mul3A_145 : i32
        %swap3A = arith.index_cast %add3A_137 : i32 to index
        %swap3A_148 = arith.index_cast %add3A_147 : i32 to index
        %swap3A_149 = tpu.vector_load %arg22[%swap3A, %swap3A_148] {strides = array<i32>} : memref<80x128xf32, #tpu.memory_space<vmem>>, vector<1x16xf32>,
        %swap3A_150 = vector.shape_cast %swap3A_149 : vector<1x16xf32> to vector<16xf32>
        %swap3A_151 = vector.shape_cast %broadcast_in_dim3A_1 : vector<16xf32> to vector<1x16xf32>
        tpu.vector_store %arg22[%swap3A, %swap3A_148], %swap3A_151 {strides = array<i32>} : memref<80x128xf32, #tpu.memory_space<vmem>>, vector<1x16xf32>,
      }
      %scan3A_142 = arith.constant 8 : i32
    }
    %scan3A_5 = arith.constant 80 : i32
    %scan3A_6 = arith.constant 0 : i32
    %scan3A_7 = arith.constant 8 : i32
    %scan3A_8 = arith.addi %scan3A_6, %scan3A_7 : i32
    %scan3A_9 = arith.constant 1 : i32
    scf.for %scan3A_133 = %scan3A_6 to %scan3A_8 step %scan3A_9  : i32 {
      %mul3A_134 = arith.constant 1 : i32
      %mul3A_135 = arith.muli %scan3A_133, %mul3A_134 : i32
      %add3A_136 = arith.constant 0 : i32
      %add3A_137 = arith.addi %add3A_136, %mul3A_135 : i32
      %mul3A_138 = arith.constant 640 : i32
      %mul3A_139 = arith.muli %arg1, %mul3A_138 : i32
      %mul3A_140 = arith.constant 80 : i32
      %mul3A_141 = arith.muli %add3A_137, %mul3A_140 : i32
      %add3A_142 = arith.addi %mul3A_139, %mul3A_141 : i32
      %multiple_of3A_143 = tpu.assume_multiple %add3A_142, 80 : i32
      "tpu.region"() ({
        %run_scoped3A = tpu.sem_alloc : memref<!tpu.dma_semaphore, #tpu.memory_space<semaphore_mem>>
        %dma_start3A_144 = arith.constant 0 : i32
        %dma_start3A_145 = tpu.memref_slice %arg26[%multiple_of3A_143, %dma_start3A_144] : memref<10240x128xf32, #tpu.memory_space<vmem_shared>> -> memref<80x128xf32, #tpu.memory_space<vmem_shared>>
        %dma_start3A_146 = arith.constant 0 : i32
        %dma_start3A_147 = tpu.memref_slice %arg26[%multiple_of3A_143, %dma_start3A_146] : memref<10240x128xf32, #tpu.memory_space<vmem_shared>> -> memref<80x128xf32, #tpu.memory_space<vmem_shared>>
        tpu.enqueue_dma source(%arg22 : memref<80x128xf32, #tpu.memory_space<vmem>>) target(%dma_start3A_147 : memref<80x128xf32, #tpu.memory_space<vmem_shared>>) target_semaphore(%run_scoped3A : memref<!tpu.dma_semaphore, #tpu.memory_space<semaphore_mem>>)
        %dma_wait3A_148 = arith.constant 0 : i32
        %dma_wait3A_149 = tpu.memref_slice %arg26[%multiple_of3A_143, %dma_wait3A_148] : memref<10240x128xf32, #tpu.memory_space<vmem_shared>> -> memref<80x128xf32, #tpu.memory_space<vmem_shared>>
        %dma_wait3A_150 = arith.constant 0 : i32
        %dma_wait3A_151 = tpu.memref_slice %arg26[%multiple_of3A_143, %dma_wait3A_150] : memref<10240x128xf32, #tpu.memory_space<vmem_shared>> -> memref<80x128xf32, #tpu.memory_space<vmem_shared>>
        tpu.wait_dma2 semaphore(%run_scoped3A : memref<!tpu.dma_semaphore, #tpu.memory_space<semaphore_mem>>) src(%arg22 : memref<80x128xf32, #tpu.memory_space<vmem>>) dst(%dma_wait3A_151 : memref<80x128xf32, #tpu.memory_space<vmem_shared>>)
        tpu.yield
      }) : () -> ()
    }
    %scan3A_10 = arith.constant 8 : i32
    %barrier3A = arith.constant 0 : index
    tpu.barrier barrier_id(%barrier3A)
    %mul3A_11 = arith.constant 10240 : i32
    %mul3A_12 = arith.muli %add3A, %mul3A_11 : i32
    %add3A_13 = arith.constant 0 : i32
    %add3A_14 = arith.addi %mul3A_12, %add3A_13 : i32
    %multiple_of3A = tpu.assume_multiple %add3A_14, 80 : i32
    %dma_start3A = tpu.memref_slice %arg3[%multiple_of3A] : memref<327680xi32, #tpu.memory_space<hbm>> -> memref<80xi32, #tpu.memory_space<hbm>>
    %dma_start3A_15 = tpu.memref_slice %arg3[%multiple_of3A] : memref<327680xi32, #tpu.memory_space<hbm>> -> memref<80xi32, #tpu.memory_space<hbm>>
    tpu.enqueue_dma source(%dma_start3A_15 : memref<80xi32, #tpu.memory_space<hbm>>) target(%arg6 : memref<80xi32, #tpu.memory_space<vmem>>) target_semaphore(%arg31 : memref<!tpu.dma_semaphore, #tpu.memory_space<semaphore_mem>>)
    %dma_start3A_16 = tpu.memref_slice %arg4[%multiple_of3A] : memref<327680xi32, #tpu.memory_space<hbm>> -> memref<80xi32, #tpu.memory_space<hbm>>
    %dma_start3A_17 = tpu.memref_slice %arg4[%multiple_of3A] : memref<327680xi32, #tpu.memory_space<hbm>> -> memref<80xi32, #tpu.memory_space<hbm>>
    tpu.enqueue_dma source(%dma_start3A_17 : memref<80xi32, #tpu.memory_space<hbm>>) target(%arg14 : memref<80xi32, #tpu.memory_space<vmem>>) target_semaphore(%arg31 : memref<!tpu.dma_semaphore, #tpu.memory_space<semaphore_mem>>)
    %mul3A_18 = arith.constant 10240 : i32
    %mul3A_19 = arith.muli %add3A, %mul3A_18 : i32
    %add3A_20 = arith.constant 80 : i32
    %add3A_21 = arith.addi %mul3A_19, %add3A_20 : i32
    %multiple_of3A_22 = tpu.assume_multiple %add3A_21, 80 : i32
    %dma_start3A_23 = tpu.memref_slice %arg3[%multiple_of3A_22] : memref<327680xi32, #tpu.memory_space<hbm>> -> memref<80xi32, #tpu.memory_space<hbm>>
    %dma_start3A_24 = tpu.memref_slice %arg3[%multiple_of3A_22] : memref<327680xi32, #tpu.memory_space<hbm>> -> memref<80xi32, #tpu.memory_space<hbm>>
    tpu.enqueue_dma source(%dma_start3A_24 : memref<80xi32, #tpu.memory_space<hbm>>) target(%arg7 : memref<80xi32, #tpu.memory_space<vmem>>) target_semaphore(%arg32 : memref<!tpu.dma_semaphore, #tpu.memory_space<semaphore_mem>>)
    %dma_start3A_25 = tpu.memref_slice %arg4[%multiple_of3A_22] : memref<327680xi32, #tpu.memory_space<hbm>> -> memref<80xi32, #tpu.memory_space<hbm>>
    %dma_start3A_26 = tpu.memref_slice %arg4[%multiple_of3A_22] : memref<327680xi32, #tpu.memory_space<hbm>> -> memref<80xi32, #tpu.memory_space<hbm>>
    tpu.enqueue_dma source(%dma_start3A_26 : memref<80xi32, #tpu.memory_space<hbm>>) target(%arg15 : memref<80xi32, #tpu.memory_space<vmem>>) target_semaphore(%arg32 : memref<!tpu.dma_semaphore, #tpu.memory_space<semaphore_mem>>)
    %mul3A_27 = arith.constant 10240 : i32
    %mul3A_28 = arith.muli %add3A, %mul3A_27 : i32
    %add3A_29 = arith.constant 160 : i32
    %add3A_30 = arith.addi %mul3A_28, %add3A_29 : i32
    %multiple_of3A_31 = tpu.assume_multiple %add3A_30, 80 : i32
    %dma_start3A_32 = tpu.memref_slice %arg3[%multiple_of3A_31] : memref<327680xi32, #tpu.memory_space<hbm>> -> memref<80xi32, #tpu.memory_space<hbm>>
    %dma_start3A_33 = tpu.memref_slice %arg3[%multiple_of3A_31] : memref<327680xi32, #tpu.memory_space<hbm>> -> memref<80xi32, #tpu.memory_space<hbm>>
    tpu.enqueue_dma source(%dma_start3A_33 : memref<80xi32, #tpu.memory_space<hbm>>) target(%arg8 : memref<80xi32, #tpu.memory_space<vmem>>) target_semaphore(%arg33 : memref<!tpu.dma_semaphore, #tpu.memory_space<semaphore_mem>>)
    %dma_start3A_34 = tpu.memref_slice %arg4[%multiple_of3A_31] : memref<327680xi32, #tpu.memory_space<hbm>> -> memref<80xi32, #tpu.memory_space<hbm>>
    %dma_start3A_35 = tpu.memref_slice %arg4[%multiple_of3A_31] : memref<327680xi32, #tpu.memory_space<hbm>> -> memref<80xi32, #tpu.memory_space<hbm>>
    tpu.enqueue_dma source(%dma_start3A_35 : memref<80xi32, #tpu.memory_space<hbm>>) target(%arg16 : memref<80xi32, #tpu.memory_space<vmem>>) target_semaphore(%arg33 : memref<!tpu.dma_semaphore, #tpu.memory_space<semaphore_mem>>)
    %mul3A_36 = arith.constant 10240 : i32
    %mul3A_37 = arith.muli %add3A, %mul3A_36 : i32
    %add3A_38 = arith.constant 240 : i32
    %add3A_39 = arith.addi %mul3A_37, %add3A_38 : i32
    %multiple_of3A_40 = tpu.assume_multiple %add3A_39, 80 : i32
    %dma_start3A_41 = tpu.memref_slice %arg3[%multiple_of3A_40] : memref<327680xi32, #tpu.memory_space<hbm>> -> memref<80xi32, #tpu.memory_space<hbm>>
    %dma_start3A_42 = tpu.memref_slice %arg3[%multiple_of3A_40] : memref<327680xi32, #tpu.memory_space<hbm>> -> memref<80xi32, #tpu.memory_space<hbm>>
    tpu.enqueue_dma source(%dma_start3A_42 : memref<80xi32, #tpu.memory_space<hbm>>) target(%arg9 : memref<80xi32, #tpu.memory_space<vmem>>) target_semaphore(%arg34 : memref<!tpu.dma_semaphore, #tpu.memory_space<semaphore_mem>>)
    %dma_start3A_43 = tpu.memref_slice %arg4[%multiple_of3A_40] : memref<327680xi32, #tpu.memory_space<hbm>> -> memref<80xi32, #tpu.memory_space<hbm>>
    %dma_start3A_44 = tpu.memref_slice %arg4[%multiple_of3A_40] : memref<327680xi32, #tpu.memory_space<hbm>> -> memref<80xi32, #tpu.memory_space<hbm>>
    tpu.enqueue_dma source(%dma_start3A_44 : memref<80xi32, #tpu.memory_space<hbm>>) target(%arg17 : memref<80xi32, #tpu.memory_space<vmem>>) target_semaphore(%arg34 : memref<!tpu.dma_semaphore, #tpu.memory_space<semaphore_mem>>)
    %mul3A_45 = arith.constant 10240 : i32
    %mul3A_46 = arith.muli %add3A, %mul3A_45 : i32
    %add3A_47 = arith.constant 320 : i32
    %add3A_48 = arith.addi %mul3A_46, %add3A_47 : i32
    %multiple_of3A_49 = tpu.assume_multiple %add3A_48, 80 : i32
    %dma_start3A_50 = tpu.memref_slice %arg3[%multiple_of3A_49] : memref<327680xi32, #tpu.memory_space<hbm>> -> memref<80xi32, #tpu.memory_space<hbm>>
    %dma_start3A_51 = tpu.memref_slice %arg3[%multiple_of3A_49] : memref<327680xi32, #tpu.memory_space<hbm>> -> memref<80xi32, #tpu.memory_space<hbm>>
    tpu.enqueue_dma source(%dma_start3A_51 : memref<80xi32, #tpu.memory_space<hbm>>) target(%arg10 : memref<80xi32, #tpu.memory_space<vmem>>) target_semaphore(%arg35 : memref<!tpu.dma_semaphore, #tpu.memory_space<semaphore_mem>>)
    %dma_start3A_52 = tpu.memref_slice %arg4[%multiple_of3A_49] : memref<327680xi32, #tpu.memory_space<hbm>> -> memref<80xi32, #tpu.memory_space<hbm>>
    %dma_start3A_53 = tpu.memref_slice %arg4[%multiple_of3A_49] : memref<327680xi32, #tpu.memory_space<hbm>> -> memref<80xi32, #tpu.memory_space<hbm>>
    tpu.enqueue_dma source(%dma_start3A_53 : memref<80xi32, #tpu.memory_space<hbm>>) target(%arg18 : memref<80xi32, #tpu.memory_space<vmem>>) target_semaphore(%arg35 : memref<!tpu.dma_semaphore, #tpu.memory_space<semaphore_mem>>)
    %mul3A_54 = arith.constant 10240 : i32
    %mul3A_55 = arith.muli %add3A, %mul3A_54 : i32
    %add3A_56 = arith.constant 400 : i32
    %add3A_57 = arith.addi %mul3A_55, %add3A_56 : i32
    %multiple_of3A_58 = tpu.assume_multiple %add3A_57, 80 : i32
    %dma_start3A_59 = tpu.memref_slice %arg3[%multiple_of3A_58] : memref<327680xi32, #tpu.memory_space<hbm>> -> memref<80xi32, #tpu.memory_space<hbm>>
    %dma_start3A_60 = tpu.memref_slice %arg3[%multiple_of3A_58] : memref<327680xi32, #tpu.memory_space<hbm>> -> memref<80xi32, #tpu.memory_space<hbm>>
    tpu.enqueue_dma source(%dma_start3A_60 : memref<80xi32, #tpu.memory_space<hbm>>) target(%arg11 : memref<80xi32, #tpu.memory_space<vmem>>) target_semaphore(%arg36 : memref<!tpu.dma_semaphore, #tpu.memory_space<semaphore_mem>>)
    %dma_start3A_61 = tpu.memref_slice %arg4[%multiple_of3A_58] : memref<327680xi32, #tpu.memory_space<hbm>> -> memref<80xi32, #tpu.memory_space<hbm>>
    %dma_start3A_62 = tpu.memref_slice %arg4[%multiple_of3A_58] : memref<327680xi32, #tpu.memory_space<hbm>> -> memref<80xi32, #tpu.memory_space<hbm>>
    tpu.enqueue_dma source(%dma_start3A_62 : memref<80xi32, #tpu.memory_space<hbm>>) target(%arg19 : memref<80xi32, #tpu.memory_space<vmem>>) target_semaphore(%arg36 : memref<!tpu.dma_semaphore, #tpu.memory_space<semaphore_mem>>)
    %mul3A_63 = arith.constant 10240 : i32
    %mul3A_64 = arith.muli %add3A, %mul3A_63 : i32
    %add3A_65 = arith.constant 480 : i32
    %add3A_66 = arith.addi %mul3A_64, %add3A_65 : i32
    %multiple_of3A_67 = tpu.assume_multiple %add3A_66, 80 : i32
    %dma_start3A_68 = tpu.memref_slice %arg3[%multiple_of3A_67] : memref<327680xi32, #tpu.memory_space<hbm>> -> memref<80xi32, #tpu.memory_space<hbm>>
    %dma_start3A_69 = tpu.memref_slice %arg3[%multiple_of3A_67] : memref<327680xi32, #tpu.memory_space<hbm>> -> memref<80xi32, #tpu.memory_space<hbm>>
    tpu.enqueue_dma source(%dma_start3A_69 : memref<80xi32, #tpu.memory_space<hbm>>) target(%arg12 : memref<80xi32, #tpu.memory_space<vmem>>) target_semaphore(%arg37 : memref<!tpu.dma_semaphore, #tpu.memory_space<semaphore_mem>>)
    %dma_start3A_70 = tpu.memref_slice %arg4[%multiple_of3A_67] : memref<327680xi32, #tpu.memory_space<hbm>> -> memref<80xi32, #tpu.memory_space<hbm>>
    %dma_start3A_71 = tpu.memref_slice %arg4[%multiple_of3A_67] : memref<327680xi32, #tpu.memory_space<hbm>> -> memref<80xi32, #tpu.memory_space<hbm>>
    tpu.enqueue_dma source(%dma_start3A_71 : memref<80xi32, #tpu.memory_space<hbm>>) target(%arg20 : memref<80xi32, #tpu.memory_space<vmem>>) target_semaphore(%arg37 : memref<!tpu.dma_semaphore, #tpu.memory_space<semaphore_mem>>)
    %mul3A_72 = arith.constant 10240 : i32
    %mul3A_73 = arith.muli %add3A, %mul3A_72 : i32
    %add3A_74 = arith.constant 560 : i32
    %add3A_75 = arith.addi %mul3A_73, %add3A_74 : i32
    %multiple_of3A_76 = tpu.assume_multiple %add3A_75, 80 : i32
    %dma_start3A_77 = tpu.memref_slice %arg3[%multiple_of3A_76] : memref<327680xi32, #tpu.memory_space<hbm>> -> memref<80xi32, #tpu.memory_space<hbm>>
    %dma_start3A_78 = tpu.memref_slice %arg3[%multiple_of3A_76] : memref<327680xi32, #tpu.memory_space<hbm>> -> memref<80xi32, #tpu.memory_space<hbm>>
    tpu.enqueue_dma source(%dma_start3A_78 : memref<80xi32, #tpu.memory_space<hbm>>) target(%arg13 : memref<80xi32, #tpu.memory_space<vmem>>) target_semaphore(%arg38 : memref<!tpu.dma_semaphore, #tpu.memory_space<semaphore_mem>>)
    %dma_start3A_79 = tpu.memref_slice %arg4[%multiple_of3A_76] : memref<327680xi32, #tpu.memory_space<hbm>> -> memref<80xi32, #tpu.memory_space<hbm>>
    %dma_start3A_80 = tpu.memref_slice %arg4[%multiple_of3A_76] : memref<327680xi32, #tpu.memory_space<hbm>> -> memref<80xi32, #tpu.memory_space<hbm>>
    tpu.enqueue_dma source(%dma_start3A_80 : memref<80xi32, #tpu.memory_space<hbm>>) target(%arg21 : memref<80xi32, #tpu.memory_space<vmem>>) target_semaphore(%arg38 : memref<!tpu.dma_semaphore, #tpu.memory_space<semaphore_mem>>)
    %dma_wait3A = arith.constant 0 : i32
    %dma_wait3A_81 = tpu.memref_slice %arg3[%dma_wait3A] : memref<327680xi32, #tpu.memory_space<hbm>> -> memref<80xi32, #tpu.memory_space<hbm>>
    %dma_wait3A_82 = arith.constant 0 : i32
    %dma_wait3A_83 = tpu.memref_slice %arg3[%dma_wait3A_82] : memref<327680xi32, #tpu.memory_space<hbm>> -> memref<80xi32, #tpu.memory_space<hbm>>
    tpu.wait_dma2 semaphore(%arg31 : memref<!tpu.dma_semaphore, #tpu.memory_space<semaphore_mem>>) src(%dma_wait3A_83 : memref<80xi32, #tpu.memory_space<hbm>>) dst(%arg6 : memref<80xi32, #tpu.memory_space<vmem>>)
    %dma_wait3A_84 = arith.constant 0 : i32
    %dma_wait3A_85 = tpu.memref_slice %arg4[%dma_wait3A_84] : memref<327680xi32, #tpu.memory_space<hbm>> -> memref<80xi32, #tpu.memory_space<hbm>>
    %dma_wait3A_86 = arith.constant 0 : i32
    %dma_wait3A_87 = tpu.memref_slice %arg4[%dma_wait3A_86] : memref<327680xi32, #tpu.memory_space<hbm>> -> memref<80xi32, #tpu.memory_space<hbm>>
    tpu.wait_dma2 semaphore(%arg31 : memref<!tpu.dma_semaphore, #tpu.memory_space<semaphore_mem>>) src(%dma_wait3A_87 : memref<80xi32, #tpu.memory_space<hbm>>) dst(%arg14 : memref<80xi32, #tpu.memory_space<vmem>>)
    %dma_start3A_88 = arith.constant 0 : i32
    %dma_start3A_89 = arith.constant 0 : i32
    %dma_start3A_90 = tpu.memref_slice %arg2[%dma_start3A_88, %dma_start3A_89] : memref<10000x128xf32, #tpu.memory_space<hbm>> -> memref<10000x128xf32, #tpu.memory_space<hbm>>
    tpu.enqueue_indirect_dma source(%dma_start3A_90 : memref<10000x128xf32, #tpu.memory_space<hbm>>) target(%arg22 : memref<80x128xf32, #tpu.memory_space<vmem>>) offsets(%arg6 : memref<80xi32, #tpu.memory_space<vmem>>) semaphore(%arg27 : memref<!tpu.dma_semaphore, #tpu.memory_space<semaphore_mem>>)
    %dma_wait3A_91 = arith.constant 0 : i32
    %dma_wait3A_92 = tpu.memref_slice %arg3[%dma_wait3A_91] : memref<327680xi32, #tpu.memory_space<hbm>> -> memref<80xi32, #tpu.memory_space<hbm>>
    %dma_wait3A_93 = arith.constant 0 : i32
    %dma_wait3A_94 = tpu.memref_slice %arg3[%dma_wait3A_93] : memref<327680xi32, #tpu.memory_space<hbm>> -> memref<80xi32, #tpu.memory_space<hbm>>
    tpu.wait_dma2 semaphore(%arg32 : memref<!tpu.dma_semaphore, #tpu.memory_space<semaphore_mem>>) src(%dma_wait3A_94 : memref<80xi32, #tpu.memory_space<hbm>>) dst(%arg7 : memref<80xi32, #tpu.memory_space<vmem>>)
    %dma_wait3A_95 = arith.constant 0 : i32
    %dma_wait3A_96 = tpu.memref_slice %arg4[%dma_wait3A_95] : memref<327680xi32, #tpu.memory_space<hbm>> -> memref<80xi32, #tpu.memory_space<hbm>>
    %dma_wait3A_97 = arith.constant 0 : i32
    %dma_wait3A_98 = tpu.memref_slice %arg4[%dma_wait3A_97] : memref<327680xi32, #tpu.memory_space<hbm>> -> memref<80xi32, #tpu.memory_space<hbm>>
    tpu.wait_dma2 semaphore(%arg32 : memref<!tpu.dma_semaphore, #tpu.memory_space<semaphore_mem>>) src(%dma_wait3A_98 : memref<80xi32, #tpu.memory_space<hbm>>) dst(%arg15 : memref<80xi32, #tpu.memory_space<vmem>>)
    %dma_start3A_99 = arith.constant 0 : i32
    %dma_start3A_100 = arith.constant 0 : i32
    %dma_start3A_101 = tpu.memref_slice %arg2[%dma_start3A_99, %dma_start3A_100] : memref<10000x128xf32, #tpu.memory_space<hbm>> -> memref<10000x128xf32, #tpu.memory_space<hbm>>
    tpu.enqueue_indirect_dma source(%dma_start3A_101 : memref<10000x128xf32, #tpu.memory_space<hbm>>) target(%arg23 : memref<80x128xf32, #tpu.memory_space<vmem>>) offsets(%arg7 : memref<80xi32, #tpu.memory_space<vmem>>) semaphore(%arg28 : memref<!tpu.dma_semaphore, #tpu.memory_space<semaphore_mem>>)
    %dma_wait3A_102 = arith.constant 0 : i32
    %dma_wait3A_103 = tpu.memref_slice %arg3[%dma_wait3A_102] : memref<327680xi32, #tpu.memory_space<hbm>> -> memref<80xi32, #tpu.memory_space<hbm>>
    %dma_wait3A_104 = arith.constant 0 : i32
    %dma_wait3A_105 = tpu.memref_slice %arg3[%dma_wait3A_104] : memref<327680xi32, #tpu.memory_space<hbm>> -> memref<80xi32, #tpu.memory_space<hbm>>
    tpu.wait_dma2 semaphore(%arg33 : memref<!tpu.dma_semaphore, #tpu.memory_space<semaphore_mem>>) src(%dma_wait3A_105 : memref<80xi32, #tpu.memory_space<hbm>>) dst(%arg8 : memref<80xi32, #tpu.memory_space<vmem>>)
    %dma_wait3A_106 = arith.constant 0 : i32
    %dma_wait3A_107 = tpu.memref_slice %arg4[%dma_wait3A_106] : memref<327680xi32, #tpu.memory_space<hbm>> -> memref<80xi32, #tpu.memory_space<hbm>>
    %dma_wait3A_108 = arith.constant 0 : i32
    %dma_wait3A_109 = tpu.memref_slice %arg4[%dma_wait3A_108] : memref<327680xi32, #tpu.memory_space<hbm>> -> memref<80xi32, #tpu.memory_space<hbm>>
    tpu.wait_dma2 semaphore(%arg33 : memref<!tpu.dma_semaphore, #tpu.memory_space<semaphore_mem>>) src(%dma_wait3A_109 : memref<80xi32, #tpu.memory_space<hbm>>) dst(%arg16 : memref<80xi32, #tpu.memory_space<vmem>>)
    %dma_start3A_110 = arith.constant 0 : i32
    %dma_start3A_111 = arith.constant 0 : i32
    %dma_start3A_112 = tpu.memref_slice %arg2[%dma_start3A_110, %dma_start3A_111] : memref<10000x128xf32, #tpu.memory_space<hbm>> -> memref<10000x128xf32, #tpu.memory_space<hbm>>
    tpu.enqueue_indirect_dma source(%dma_start3A_112 : memref<10000x128xf32, #tpu.memory_space<hbm>>) target(%arg24 : memref<80x128xf32, #tpu.memory_space<vmem>>) offsets(%arg8 : memref<80xi32, #tpu.memory_space<vmem>>) semaphore(%arg29 : memref<!tpu.dma_semaphore, #tpu.memory_space<semaphore_mem>>)
    %dma_wait3A_113 = arith.constant 0 : i32
    %dma_wait3A_114 = tpu.memref_slice %arg3[%dma_wait3A_113] : memref<327680xi32, #tpu.memory_space<hbm>> -> memref<80xi32, #tpu.memory_space<hbm>>
    %dma_wait3A_115 = arith.constant 0 : i32
    %dma_wait3A_116 = tpu.memref_slice %arg3[%dma_wait3A_115] : memref<327680xi32, #tpu.memory_space<hbm>> -> memref<80xi32, #tpu.memory_space<hbm>>
    tpu.wait_dma2 semaphore(%arg34 : memref<!tpu.dma_semaphore, #tpu.memory_space<semaphore_mem>>) src(%dma_wait3A_116 : memref<80xi32, #tpu.memory_space<hbm>>) dst(%arg9 : memref<80xi32, #tpu.memory_space<vmem>>)
    %dma_wait3A_117 = arith.constant 0 : i32
    %dma_wait3A_118 = tpu.memref_slice %arg4[%dma_wait3A_117] : memref<327680xi32, #tpu.memory_space<hbm>> -> memref<80xi32, #tpu.memory_space<hbm>>
    %dma_wait3A_119 = arith.constant 0 : i32
    %dma_wait3A_120 = tpu.memref_slice %arg4[%dma_wait3A_119] : memref<327680xi32, #tpu.memory_space<hbm>> -> memref<80xi32, #tpu.memory_space<hbm>>
    tpu.wait_dma2 semaphore(%arg34 : memref<!tpu.dma_semaphore, #tpu.memory_space<semaphore_mem>>) src(%dma_wait3A_120 : memref<80xi32, #tpu.memory_space<hbm>>) dst(%arg17 : memref<80xi32, #tpu.memory_space<vmem>>)
    %dma_start3A_121 = arith.constant 0 : i32
    %dma_start3A_122 = arith.constant 0 : i32
    %dma_start3A_123 = tpu.memref_slice %arg2[%dma_start3A_121, %dma_start3A_122] : memref<10000x128xf32, #tpu.memory_space<hbm>> -> memref<10000x128xf32, #tpu.memory_space<hbm>>
    tpu.enqueue_indirect_dma source(%dma_start3A_123 : memref<10000x128xf32, #tpu.memory_space<hbm>>) target(%arg25 : memref<80x128xf32, #tpu.memory_space<vmem>>) offsets(%arg9 : memref<80xi32, #tpu.memory_space<vmem>>) semaphore(%arg30 : memref<!tpu.dma_semaphore, #tpu.memory_space<semaphore_mem>>)
    %scan3A_124 = arith.constant 0 : i32
    %scan3A_125 = arith.constant 16 : i32
    %scan3A_126 = arith.addi %scan3A_124, %scan3A_125 : i32
    %scan3A_127 = arith.constant 1 : i32
    scf.for %scan3A_133 = %scan3A_124 to %scan3A_126 step %scan3A_127  : i32 {
      %mul3A_134 = arith.constant 1 : i32
      %mul3A_135 = arith.muli %scan3A_133, %mul3A_134 : i32
      %add3A_136 = arith.constant 0 : i32
      %add3A_137 = arith.addi %add3A_136, %mul3A_135 : i32
      %mul3A_138 = arith.constant 8 : i32
      %mul3A_139 = arith.muli %mul3A_138, %add3A_137 : i32
      %add3A_140 = arith.constant 0 : i32
      %add3A_141 = arith.addi %mul3A_139, %add3A_140 : i32
      %dma_wait3A_142 = arith.constant 0 : i32
      %dma_wait3A_143 = arith.constant 0 : i32
      %dma_wait3A_144 = tpu.memref_slice %arg2[%dma_wait3A_142, %dma_wait3A_143] : memref<10000x128xf32, #tpu.memory_space<hbm>> -> memref<10000x128xf32, #tpu.memory_space<hbm>>
      tpu.wait_indirect_dma semaphore(%arg27 : memref<!tpu.dma_semaphore, #tpu.memory_space<semaphore_mem>>) src(%dma_wait3A_144 : memref<10000x128xf32, #tpu.memory_space<hbm>>) dst(%arg22 : memref<80x128xf32, #tpu.memory_space<vmem>>)
      "tpu.region"() ({
        %run_scoped3A = tpu.sem_alloc : memref<!tpu.dma_semaphore, #tpu.memory_space<semaphore_mem>>
        %dma_start3A_303 = arith.constant 0 : i32
        %dma_start3A_304 = arith.constant 0 : i32
        %dma_start3A_305 = tpu.memref_slice %arg26[%dma_start3A_303, %dma_start3A_304] : memref<10240x128xf32, #tpu.memory_space<vmem_shared>> -> memref<10240x128xf32, #tpu.memory_space<vmem_shared>>
        tpu.enqueue_indirect_dma source(%arg22 : memref<80x128xf32, #tpu.memory_space<vmem>>) target(%dma_start3A_305 : memref<10240x128xf32, #tpu.memory_space<vmem_shared>>) offsets(%arg14 : memref<80xi32, #tpu.memory_space<vmem>>) semaphore(%run_scoped3A : memref<!tpu.dma_semaphore, #tpu.memory_space<semaphore_mem>>) {add = true}
        %dma_wait3A_306 = arith.constant 0 : i32
        %dma_wait3A_307 = arith.constant 0 : i32
        %dma_wait3A_308 = tpu.memref_slice %arg26[%dma_wait3A_306, %dma_wait3A_307] : memref<10240x128xf32, #tpu.memory_space<vmem_shared>> -> memref<10240x128xf32, #tpu.memory_space<vmem_shared>>
        tpu.wait_indirect_dma semaphore(%run_scoped3A : memref<!tpu.dma_semaphore, #tpu.memory_space<semaphore_mem>>) src(%arg22 : memref<80x128xf32, #tpu.memory_space<vmem>>) dst(%dma_wait3A_308 : memref<10240x128xf32, #tpu.memory_space<vmem_shared>>)
        tpu.yield
      }) : () -> ()
      %add3A_145 = arith.constant 4 : i32
      %add3A_146 = arith.addi %add3A_141, %add3A_145 : i32
      %lt3A = arith.constant 128 : i32
      %lt3A_147 = arith.cmpi slt, %add3A_146, %lt3A : i32
      %convert_element_type3A = arith.extui %lt3A_147 : i1 to i32
      %cond3A = arith.constant 0 : i32
      %cond3A_148 = arith.cmpi ne, %convert_element_type3A, %cond3A : i32
      scf.if %cond3A_148 {
        %dma_wait3A_303 = arith.constant 0 : i32
        %dma_wait3A_304 = tpu.memref_slice %arg3[%dma_wait3A_303] : memref<327680xi32, #tpu.memory_space<hbm>> -> memref<80xi32, #tpu.memory_space<hbm>>
        %dma_wait3A_305 = arith.constant 0 : i32
        %dma_wait3A_306 = tpu.memref_slice %arg3[%dma_wait3A_305] : memref<327680xi32, #tpu.memory_space<hbm>> -> memref<80xi32, #tpu.memory_space<hbm>>
        tpu.wait_dma2 semaphore(%arg35 : memref<!tpu.dma_semaphore, #tpu.memory_space<semaphore_mem>>) src(%dma_wait3A_306 : memref<80xi32, #tpu.memory_space<hbm>>) dst(%arg10 : memref<80xi32, #tpu.memory_space<vmem>>)
        %dma_wait3A_307 = arith.constant 0 : i32
        %dma_wait3A_308 = tpu.memref_slice %arg4[%dma_wait3A_307] : memref<327680xi32, #tpu.memory_space<hbm>> -> memref<80xi32, #tpu.memory_space<hbm>>
        %dma_wait3A_309 = arith.constant 0 : i32
        %dma_wait3A_310 = tpu.memref_slice %arg4[%dma_wait3A_309] : memref<327680xi32, #tpu.memory_space<hbm>> -> memref<80xi32, #tpu.memory_space<hbm>>
        tpu.wait_dma2 semaphore(%arg35 : memref<!tpu.dma_semaphore, #tpu.memory_space<semaphore_mem>>) src(%dma_wait3A_310 : memref<80xi32, #tpu.memory_space<hbm>>) dst(%arg18 : memref<80xi32, #tpu.memory_space<vmem>>)
        %dma_start3A_311 = arith.constant 0 : i32
        %dma_start3A_312 = arith.constant 0 : i32
        %dma_start3A_313 = tpu.memref_slice %arg2[%dma_start3A_311, %dma_start3A_312] : memref<10000x128xf32, #tpu.memory_space<hbm>> -> memref<10000x128xf32, #tpu.memory_space<hbm>>
        tpu.enqueue_indirect_dma source(%dma_start3A_313 : memref<10000x128xf32, #tpu.memory_space<hbm>>) target(%arg22 : memref<80x128xf32, #tpu.memory_space<vmem>>) offsets(%arg10 : memref<80xi32, #tpu.memory_space<vmem>>) semaphore(%arg27 : memref<!tpu.dma_semaphore, #tpu.memory_space<semaphore_mem>>)
      } else {
      }
      %add3A_149 = arith.constant 8 : i32
      %add3A_150 = arith.addi %add3A_141, %add3A_149 : i32
      %lt3A_151 = arith.constant 128 : i32
      %lt3A_152 = arith.cmpi slt, %add3A_150, %lt3A_151 : i32
      %convert_element_type3A_153 = arith.extui %lt3A_152 : i1 to i32
      %cond3A_154 = arith.constant 0 : i32
      %cond3A_155 = arith.cmpi ne, %convert_element_type3A_153, %cond3A_154 : i32
      scf.if %cond3A_155 {
        %add3A_303 = arith.constant 8 : i32
        %add3A_304 = arith.addi %add3A_141, %add3A_303 : i32
        %mul3A_305 = arith.constant 10240 : i32
        %mul3A_306 = arith.muli %add3A, %mul3A_305 : i32
        %mul3A_307 = arith.constant 80 : i32
        %mul3A_308 = arith.muli %add3A_304, %mul3A_307 : i32
        %add3A_309 = arith.addi %mul3A_306, %mul3A_308 : i32
        %multiple_of3A_310 = tpu.assume_multiple %add3A_309, 80 : i32
        %dma_start3A_311 = tpu.memref_slice %arg3[%multiple_of3A_310] : memref<327680xi32, #tpu.memory_space<hbm>> -> memref<80xi32, #tpu.memory_space<hbm>>
        %dma_start3A_312 = tpu.memref_slice %arg3[%multiple_of3A_310] : memref<327680xi32, #tpu.memory_space<hbm>> -> memref<80xi32, #tpu.memory_space<hbm>>
        tpu.enqueue_dma source(%dma_start3A_312 : memref<80xi32, #tpu.memory_space<hbm>>) target(%arg6 : memref<80xi32, #tpu.memory_space<vmem>>) target_semaphore(%arg31 : memref<!tpu.dma_semaphore, #tpu.memory_space<semaphore_mem>>)
        %dma_start3A_313 = tpu.memref_slice %arg4[%multiple_of3A_310] : memref<327680xi32, #tpu.memory_space<hbm>> -> memref<80xi32, #tpu.memory_space<hbm>>
        %dma_start3A_314 = tpu.memref_slice %arg4[%multiple_of3A_310] : memref<327680xi32, #tpu.memory_space<hbm>> -> memref<80xi32, #tpu.memory_space<hbm>>
        tpu.enqueue_dma source(%dma_start3A_314 : memref<80xi32, #tpu.memory_space<hbm>>) target(%arg14 : memref<80xi32, #tpu.memory_space<vmem>>) target_semaphore(%arg31 : memref<!tpu.dma_semaphore, #tpu.memory_space<semaphore_mem>>)
      } else {
      }
      %mul3A_156 = arith.constant 8 : i32
      %mul3A_157 = arith.muli %mul3A_156, %add3A_137 : i32
      %add3A_158 = arith.constant 1 : i32
      %add3A_159 = arith.addi %mul3A_157, %add3A_158 : i32
      %dma_wait3A_160 = arith.constant 0 : i32
      %dma_wait3A_161 = arith.constant 0 : i32
      %dma_wait3A_162 = tpu.memref_slice %arg2[%dma_wait3A_160, %dma_wait3A_161] : memref<10000x128xf32, #tpu.memory_space<hbm>> -> memref<10000x128xf32, #tpu.memory_space<hbm>>
      tpu.wait_indirect_dma semaphore(%arg28 : memref<!tpu.dma_semaphore, #tpu.memory_space<semaphore_mem>>) src(%dma_wait3A_162 : memref<10000x128xf32, #tpu.memory_space<hbm>>) dst(%arg23 : memref<80x128xf32, #tpu.memory_space<vmem>>)
      "tpu.region"() ({
        %run_scoped3A = tpu.sem_alloc : memref<!tpu.dma_semaphore, #tpu.memory_space<semaphore_mem>>
        %dma_start3A_303 = arith.constant 0 : i32
        %dma_start3A_304 = arith.constant 0 : i32
        %dma_start3A_305 = tpu.memref_slice %arg26[%dma_start3A_303, %dma_start3A_304] : memref<10240x128xf32, #tpu.memory_space<vmem_shared>> -> memref<10240x128xf32, #tpu.memory_space<vmem_shared>>
        tpu.enqueue_indirect_dma source(%arg23 : memref<80x128xf32, #tpu.memory_space<vmem>>) target(%dma_start3A_305 : memref<10240x128xf32, #tpu.memory_space<vmem_shared>>) offsets(%arg15 : memref<80xi32, #tpu.memory_space<vmem>>) semaphore(%run_scoped3A : memref<!tpu.dma_semaphore, #tpu.memory_space<semaphore_mem>>) {add = true}
        %dma_wait3A_306 = arith.constant 0 : i32
        %dma_wait3A_307 = arith.constant 0 : i32
        %dma_wait3A_308 = tpu.memref_slice %arg26[%dma_wait3A_306, %dma_wait3A_307] : memref<10240x128xf32, #tpu.memory_space<vmem_shared>> -> memref<10240x128xf32, #tpu.memory_space<vmem_shared>>
        tpu.wait_indirect_dma semaphore(%run_scoped3A : memref<!tpu.dma_semaphore, #tpu.memory_space<semaphore_mem>>) src(%arg23 : memref<80x128xf32, #tpu.memory_space<vmem>>) dst(%dma_wait3A_308 : memref<10240x128xf32, #tpu.memory_space<vmem_shared>>)
        tpu.yield
      }) : () -> ()
      %add3A_163 = arith.constant 4 : i32
      %add3A_164 = arith.addi %add3A_159, %add3A_163 : i32
      %lt3A_165 = arith.constant 128 : i32
      %lt3A_166 = arith.cmpi slt, %add3A_164, %lt3A_165 : i32
      %convert_element_type3A_167 = arith.extui %lt3A_166 : i1 to i32
      %cond3A_168 = arith.constant 0 : i32
      %cond3A_169 = arith.cmpi ne, %convert_element_type3A_167, %cond3A_168 : i32
      scf.if %cond3A_169 {
        %dma_wait3A_303 = arith.constant 0 : i32
        %dma_wait3A_304 = tpu.memref_slice %arg3[%dma_wait3A_303] : memref<327680xi32, #tpu.memory_space<hbm>> -> memref<80xi32, #tpu.memory_space<hbm>>
        %dma_wait3A_305 = arith.constant 0 : i32
        %dma_wait3A_306 = tpu.memref_slice %arg3[%dma_wait3A_305] : memref<327680xi32, #tpu.memory_space<hbm>> -> memref<80xi32, #tpu.memory_space<hbm>>
        tpu.wait_dma2 semaphore(%arg36 : memref<!tpu.dma_semaphore, #tpu.memory_space<semaphore_mem>>) src(%dma_wait3A_306 : memref<80xi32, #tpu.memory_space<hbm>>) dst(%arg11 : memref<80xi32, #tpu.memory_space<vmem>>)
        %dma_wait3A_307 = arith.constant 0 : i32
        %dma_wait3A_308 = tpu.memref_slice %arg4[%dma_wait3A_307] : memref<327680xi32, #tpu.memory_space<hbm>> -> memref<80xi32, #tpu.memory_space<hbm>>
        %dma_wait3A_309 = arith.constant 0 : i32
        %dma_wait3A_310 = tpu.memref_slice %arg4[%dma_wait3A_309] : memref<327680xi32, #tpu.memory_space<hbm>> -> memref<80xi32, #tpu.memory_space<hbm>>
        tpu.wait_dma2 semaphore(%arg36 : memref<!tpu.dma_semaphore, #tpu.memory_space<semaphore_mem>>) src(%dma_wait3A_310 : memref<80xi32, #tpu.memory_space<hbm>>) dst(%arg19 : memref<80xi32, #tpu.memory_space<vmem>>)
        %dma_start3A_311 = arith.constant 0 : i32
        %dma_start3A_312 = arith.constant 0 : i32
        %dma_start3A_313 = tpu.memref_slice %arg2[%dma_start3A_311, %dma_start3A_312] : memref<10000x128xf32, #tpu.memory_space<hbm>> -> memref<10000x128xf32, #tpu.memory_space<hbm>>
        tpu.enqueue_indirect_dma source(%dma_start3A_313 : memref<10000x128xf32, #tpu.memory_space<hbm>>) target(%arg23 : memref<80x128xf32, #tpu.memory_space<vmem>>) offsets(%arg11 : memref<80xi32, #tpu.memory_space<vmem>>) semaphore(%arg28 : memref<!tpu.dma_semaphore, #tpu.memory_space<semaphore_mem>>)
      } else {
      }
      %add3A_170 = arith.constant 8 : i32
      %add3A_171 = arith.addi %add3A_159, %add3A_170 : i32
      %lt3A_172 = arith.constant 128 : i32
      %lt3A_173 = arith.cmpi slt, %add3A_171, %lt3A_172 : i32
      %convert_element_type3A_174 = arith.extui %lt3A_173 : i1 to i32
      %cond3A_175 = arith.constant 0 : i32
      %cond3A_176 = arith.cmpi ne, %convert_element_type3A_174, %cond3A_175 : i32
      scf.if %cond3A_176 {
        %add3A_303 = arith.constant 8 : i32
        %add3A_304 = arith.addi %add3A_159, %add3A_303 : i32
        %mul3A_305 = arith.constant 10240 : i32
        %mul3A_306 = arith.muli %add3A, %mul3A_305 : i32
        %mul3A_307 = arith.constant 80 : i32
        %mul3A_308 = arith.muli %add3A_304, %mul3A_307 : i32
        %add3A_309 = arith.addi %mul3A_306, %mul3A_308 : i32
        %multiple_of3A_310 = tpu.assume_multiple %add3A_309, 80 : i32
        %dma_start3A_311 = tpu.memref_slice %arg3[%multiple_of3A_310] : memref<327680xi32, #tpu.memory_space<hbm>> -> memref<80xi32, #tpu.memory_space<hbm>>
        %dma_start3A_312 = tpu.memref_slice %arg3[%multiple_of3A_310] : memref<327680xi32, #tpu.memory_space<hbm>> -> memref<80xi32, #tpu.memory_space<hbm>>
        tpu.enqueue_dma source(%dma_start3A_312 : memref<80xi32, #tpu.memory_space<hbm>>) target(%arg7 : memref<80xi32, #tpu.memory_space<vmem>>) target_semaphore(%arg32 : memref<!tpu.dma_semaphore, #tpu.memory_space<semaphore_mem>>)
        %dma_start3A_313 = tpu.memref_slice %arg4[%multiple_of3A_310] : memref<327680xi32, #tpu.memory_space<hbm>> -> memref<80xi32, #tpu.memory_space<hbm>>
        %dma_start3A_314 = tpu.memref_slice %arg4[%multiple_of3A_310] : memref<327680xi32, #tpu.memory_space<hbm>> -> memref<80xi32, #tpu.memory_space<hbm>>
        tpu.enqueue_dma source(%dma_start3A_314 : memref<80xi32, #tpu.memory_space<hbm>>) target(%arg15 : memref<80xi32, #tpu.memory_space<vmem>>) target_semaphore(%arg32 : memref<!tpu.dma_semaphore, #tpu.memory_space<semaphore_mem>>)
      } else {
      }
      %mul3A_177 = arith.constant 8 : i32
      %mul3A_178 = arith.muli %mul3A_177, %add3A_137 : i32
      %add3A_179 = arith.constant 2 : i32
      %add3A_180 = arith.addi %mul3A_178, %add3A_179 : i32
      %dma_wait3A_181 = arith.constant 0 : i32
      %dma_wait3A_182 = arith.constant 0 : i32
      %dma_wait3A_183 = tpu.memref_slice %arg2[%dma_wait3A_181, %dma_wait3A_182] : memref<10000x128xf32, #tpu.memory_space<hbm>> -> memref<10000x128xf32, #tpu.memory_space<hbm>>
      tpu.wait_indirect_dma semaphore(%arg29 : memref<!tpu.dma_semaphore, #tpu.memory_space<semaphore_mem>>) src(%dma_wait3A_183 : memref<10000x128xf32, #tpu.memory_space<hbm>>) dst(%arg24 : memref<80x128xf32, #tpu.memory_space<vmem>>)
      "tpu.region"() ({
        %run_scoped3A = tpu.sem_alloc : memref<!tpu.dma_semaphore, #tpu.memory_space<semaphore_mem>>
        %dma_start3A_303 = arith.constant 0 : i32
        %dma_start3A_304 = arith.constant 0 : i32
        %dma_start3A_305 = tpu.memref_slice %arg26[%dma_start3A_303, %dma_start3A_304] : memref<10240x128xf32, #tpu.memory_space<vmem_shared>> -> memref<10240x128xf32, #tpu.memory_space<vmem_shared>>
        tpu.enqueue_indirect_dma source(%arg24 : memref<80x128xf32, #tpu.memory_space<vmem>>) target(%dma_start3A_305 : memref<10240x128xf32, #tpu.memory_space<vmem_shared>>) offsets(%arg16 : memref<80xi32, #tpu.memory_space<vmem>>) semaphore(%run_scoped3A : memref<!tpu.dma_semaphore, #tpu.memory_space<semaphore_mem>>) {add = true}
        %dma_wait3A_306 = arith.constant 0 : i32
        %dma_wait3A_307 = arith.constant 0 : i32
        %dma_wait3A_308 = tpu.memref_slice %arg26[%dma_wait3A_306, %dma_wait3A_307] : memref<10240x128xf32, #tpu.memory_space<vmem_shared>> -> memref<10240x128xf32, #tpu.memory_space<vmem_shared>>
        tpu.wait_indirect_dma semaphore(%run_scoped3A : memref<!tpu.dma_semaphore, #tpu.memory_space<semaphore_mem>>) src(%arg24 : memref<80x128xf32, #tpu.memory_space<vmem>>) dst(%dma_wait3A_308 : memref<10240x128xf32, #tpu.memory_space<vmem_shared>>)
        tpu.yield
      }) : () -> ()
      %add3A_184 = arith.constant 4 : i32
      %add3A_185 = arith.addi %add3A_180, %add3A_184 : i32
      %lt3A_186 = arith.constant 128 : i32
      %lt3A_187 = arith.cmpi slt, %add3A_185, %lt3A_186 : i32
      %convert_element_type3A_188 = arith.extui %lt3A_187 : i1 to i32
      %cond3A_189 = arith.constant 0 : i32
      %cond3A_190 = arith.cmpi ne, %convert_element_type3A_188, %cond3A_189 : i32
      scf.if %cond3A_190 {
        %dma_wait3A_303 = arith.constant 0 : i32
        %dma_wait3A_304 = tpu.memref_slice %arg3[%dma_wait3A_303] : memref<327680xi32, #tpu.memory_space<hbm>> -> memref<80xi32, #tpu.memory_space<hbm>>
        %dma_wait3A_305 = arith.constant 0 : i32
        %dma_wait3A_306 = tpu.memref_slice %arg3[%dma_wait3A_305] : memref<327680xi32, #tpu.memory_space<hbm>> -> memref<80xi32, #tpu.memory_space<hbm>>
        tpu.wait_dma2 semaphore(%arg37 : memref<!tpu.dma_semaphore, #tpu.memory_space<semaphore_mem>>) src(%dma_wait3A_306 : memref<80xi32, #tpu.memory_space<hbm>>) dst(%arg12 : memref<80xi32, #tpu.memory_space<vmem>>)
        %dma_wait3A_307 = arith.constant 0 : i32
        %dma_wait3A_308 = tpu.memref_slice %arg4[%dma_wait3A_307] : memref<327680xi32, #tpu.memory_space<hbm>> -> memref<80xi32, #tpu.memory_space<hbm>>
        %dma_wait3A_309 = arith.constant 0 : i32
        %dma_wait3A_310 = tpu.memref_slice %arg4[%dma_wait3A_309] : memref<327680xi32, #tpu.memory_space<hbm>> -> memref<80xi32, #tpu.memory_space<hbm>>
        tpu.wait_dma2 semaphore(%arg37 : memref<!tpu.dma_semaphore, #tpu.memory_space<semaphore_mem>>) src(%dma_wait3A_310 : memref<80xi32, #tpu.memory_space<hbm>>) dst(%arg20 : memref<80xi32, #tpu.memory_space<vmem>>)
        %dma_start3A_311 = arith.constant 0 : i32
        %dma_start3A_312 = arith.constant 0 : i32
        %dma_start3A_313 = tpu.memref_slice %arg2[%dma_start3A_311, %dma_start3A_312] : memref<10000x128xf32, #tpu.memory_space<hbm>> -> memref<10000x128xf32, #tpu.memory_space<hbm>>
        tpu.enqueue_indirect_dma source(%dma_start3A_313 : memref<10000x128xf32, #tpu.memory_space<hbm>>) target(%arg24 : memref<80x128xf32, #tpu.memory_space<vmem>>) offsets(%arg12 : memref<80xi32, #tpu.memory_space<vmem>>) semaphore(%arg29 : memref<!tpu.dma_semaphore, #tpu.memory_space<semaphore_mem>>)
      } else {
      }
      %add3A_191 = arith.constant 8 : i32
      %add3A_192 = arith.addi %add3A_180, %add3A_191 : i32
      %lt3A_193 = arith.constant 128 : i32
      %lt3A_194 = arith.cmpi slt, %add3A_192, %lt3A_193 : i32
      %convert_element_type3A_195 = arith.extui %lt3A_194 : i1 to i32
      %cond3A_196 = arith.constant 0 : i32
      %cond3A_197 = arith.cmpi ne, %convert_element_type3A_195, %cond3A_196 : i32
      scf.if %cond3A_197 {
        %add3A_303 = arith.constant 8 : i32
        %add3A_304 = arith.addi %add3A_180, %add3A_303 : i32
        %mul3A_305 = arith.constant 10240 : i32
        %mul3A_306 = arith.muli %add3A, %mul3A_305 : i32
        %mul3A_307 = arith.constant 80 : i32
        %mul3A_308 = arith.muli %add3A_304, %mul3A_307 : i32
        %add3A_309 = arith.addi %mul3A_306, %mul3A_308 : i32
        %multiple_of3A_310 = tpu.assume_multiple %add3A_309, 80 : i32
        %dma_start3A_311 = tpu.memref_slice %arg3[%multiple_of3A_310] : memref<327680xi32, #tpu.memory_space<hbm>> -> memref<80xi32, #tpu.memory_space<hbm>>
        %dma_start3A_312 = tpu.memref_slice %arg3[%multiple_of3A_310] : memref<327680xi32, #tpu.memory_space<hbm>> -> memref<80xi32, #tpu.memory_space<hbm>>
        tpu.enqueue_dma source(%dma_start3A_312 : memref<80xi32, #tpu.memory_space<hbm>>) target(%arg8 : memref<80xi32, #tpu.memory_space<vmem>>) target_semaphore(%arg33 : memref<!tpu.dma_semaphore, #tpu.memory_space<semaphore_mem>>)
        %dma_start3A_313 = tpu.memref_slice %arg4[%multiple_of3A_310] : memref<327680xi32, #tpu.memory_space<hbm>> -> memref<80xi32, #tpu.memory_space<hbm>>
        %dma_start3A_314 = tpu.memref_slice %arg4[%multiple_of3A_310] : memref<327680xi32, #tpu.memory_space<hbm>> -> memref<80xi32, #tpu.memory_space<hbm>>
        tpu.enqueue_dma source(%dma_start3A_314 : memref<80xi32, #tpu.memory_space<hbm>>) target(%arg16 : memref<80xi32, #tpu.memory_space<vmem>>) target_semaphore(%arg33 : memref<!tpu.dma_semaphore, #tpu.memory_space<semaphore_mem>>)
      } else {
      }
      %mul3A_198 = arith.constant 8 : i32
      %mul3A_199 = arith.muli %mul3A_198, %add3A_137 : i32
      %add3A_200 = arith.constant 3 : i32
      %add3A_201 = arith.addi %mul3A_199, %add3A_200 : i32
      %dma_wait3A_202 = arith.constant 0 : i32
      %dma_wait3A_203 = arith.constant 0 : i32
      %dma_wait3A_204 = tpu.memref_slice %arg2[%dma_wait3A_202, %dma_wait3A_203] : memref<10000x128xf32, #tpu.memory_space<hbm>> -> memref<10000x128xf32, #tpu.memory_space<hbm>>
      tpu.wait_indirect_dma semaphore(%arg30 : memref<!tpu.dma_semaphore, #tpu.memory_space<semaphore_mem>>) src(%dma_wait3A_204 : memref<10000x128xf32, #tpu.memory_space<hbm>>) dst(%arg25 : memref<80x128xf32, #tpu.memory_space<vmem>>)
      "tpu.region"() ({
        %run_scoped3A = tpu.sem_alloc : memref<!tpu.dma_semaphore, #tpu.memory_space<semaphore_mem>>
        %dma_start3A_303 = arith.constant 0 : i32
        %dma_start3A_304 = arith.constant 0 : i32
        %dma_start3A_305 = tpu.memref_slice %arg26[%dma_start3A_303, %dma_start3A_304] : memref<10240x128xf32, #tpu.memory_space<vmem_shared>> -> memref<10240x128xf32, #tpu.memory_space<vmem_shared>>
        tpu.enqueue_indirect_dma source(%arg25 : memref<80x128xf32, #tpu.memory_space<vmem>>) target(%dma_start3A_305 : memref<10240x128xf32, #tpu.memory_space<vmem_shared>>) offsets(%arg17 : memref<80xi32, #tpu.memory_space<vmem>>) semaphore(%run_scoped3A : memref<!tpu.dma_semaphore, #tpu.memory_space<semaphore_mem>>) {add = true}
        %dma_wait3A_306 = arith.constant 0 : i32
        %dma_wait3A_307 = arith.constant 0 : i32
        %dma_wait3A_308 = tpu.memref_slice %arg26[%dma_wait3A_306, %dma_wait3A_307] : memref<10240x128xf32, #tpu.memory_space<vmem_shared>> -> memref<10240x128xf32, #tpu.memory_space<vmem_shared>>
        tpu.wait_indirect_dma semaphore(%run_scoped3A : memref<!tpu.dma_semaphore, #tpu.memory_space<semaphore_mem>>) src(%arg25 : memref<80x128xf32, #tpu.memory_space<vmem>>) dst(%dma_wait3A_308 : memref<10240x128xf32, #tpu.memory_space<vmem_shared>>)
        tpu.yield
      }) : () -> ()
      %add3A_205 = arith.constant 4 : i32
      %add3A_206 = arith.addi %add3A_201, %add3A_205 : i32
      %lt3A_207 = arith.constant 128 : i32
      %lt3A_208 = arith.cmpi slt, %add3A_206, %lt3A_207 : i32
      %convert_element_type3A_209 = arith.extui %lt3A_208 : i1 to i32
      %cond3A_210 = arith.constant 0 : i32
      %cond3A_211 = arith.cmpi ne, %convert_element_type3A_209, %cond3A_210 : i32
      scf.if %cond3A_211 {
        %dma_wait3A_303 = arith.constant 0 : i32
        %dma_wait3A_304 = tpu.memref_slice %arg3[%dma_wait3A_303] : memref<327680xi32, #tpu.memory_space<hbm>> -> memref<80xi32, #tpu.memory_space<hbm>>
        %dma_wait3A_305 = arith.constant 0 : i32
        %dma_wait3A_306 = tpu.memref_slice %arg3[%dma_wait3A_305] : memref<327680xi32, #tpu.memory_space<hbm>> -> memref<80xi32, #tpu.memory_space<hbm>>
        tpu.wait_dma2 semaphore(%arg38 : memref<!tpu.dma_semaphore, #tpu.memory_space<semaphore_mem>>) src(%dma_wait3A_306 : memref<80xi32, #tpu.memory_space<hbm>>) dst(%arg13 : memref<80xi32, #tpu.memory_space<vmem>>)
        %dma_wait3A_307 = arith.constant 0 : i32
        %dma_wait3A_308 = tpu.memref_slice %arg4[%dma_wait3A_307] : memref<327680xi32, #tpu.memory_space<hbm>> -> memref<80xi32, #tpu.memory_space<hbm>>
        %dma_wait3A_309 = arith.constant 0 : i32
        %dma_wait3A_310 = tpu.memref_slice %arg4[%dma_wait3A_309] : memref<327680xi32, #tpu.memory_space<hbm>> -> memref<80xi32, #tpu.memory_space<hbm>>
        tpu.wait_dma2 semaphore(%arg38 : memref<!tpu.dma_semaphore, #tpu.memory_space<semaphore_mem>>) src(%dma_wait3A_310 : memref<80xi32, #tpu.memory_space<hbm>>) dst(%arg21 : memref<80xi32, #tpu.memory_space<vmem>>)
        %dma_start3A_311 = arith.constant 0 : i32
        %dma_start3A_312 = arith.constant 0 : i32
        %dma_start3A_313 = tpu.memref_slice %arg2[%dma_start3A_311, %dma_start3A_312] : memref<10000x128xf32, #tpu.memory_space<hbm>> -> memref<10000x128xf32, #tpu.memory_space<hbm>>
        tpu.enqueue_indirect_dma source(%dma_start3A_313 : memref<10000x128xf32, #tpu.memory_space<hbm>>) target(%arg25 : memref<80x128xf32, #tpu.memory_space<vmem>>) offsets(%arg13 : memref<80xi32, #tpu.memory_space<vmem>>) semaphore(%arg30 : memref<!tpu.dma_semaphore, #tpu.memory_space<semaphore_mem>>)
      } else {
      }
      %add3A_212 = arith.constant 8 : i32
      %add3A_213 = arith.addi %add3A_201, %add3A_212 : i32
      %lt3A_214 = arith.constant 128 : i32
      %lt3A_215 = arith.cmpi slt, %add3A_213, %lt3A_214 : i32
      %convert_element_type3A_216 = arith.extui %lt3A_215 : i1 to i32
      %cond3A_217 = arith.constant 0 : i32
      %cond3A_218 = arith.cmpi ne, %convert_element_type3A_216, %cond3A_217 : i32
      scf.if %cond3A_218 {
        %add3A_303 = arith.constant 8 : i32
        %add3A_304 = arith.addi %add3A_201, %add3A_303 : i32
        %mul3A_305 = arith.constant 10240 : i32
        %mul3A_306 = arith.muli %add3A, %mul3A_305 : i32
        %mul3A_307 = arith.constant 80 : i32
        %mul3A_308 = arith.muli %add3A_304, %mul3A_307 : i32
        %add3A_309 = arith.addi %mul3A_306, %mul3A_308 : i32
        %multiple_of3A_310 = tpu.assume_multiple %add3A_309, 80 : i32
        %dma_start3A_311 = tpu.memref_slice %arg3[%multiple_of3A_310] : memref<327680xi32, #tpu.memory_space<hbm>> -> memref<80xi32, #tpu.memory_space<hbm>>
        %dma_start3A_312 = tpu.memref_slice %arg3[%multiple_of3A_310] : memref<327680xi32, #tpu.memory_space<hbm>> -> memref<80xi32, #tpu.memory_space<hbm>>
        tpu.enqueue_dma source(%dma_start3A_312 : memref<80xi32, #tpu.memory_space<hbm>>) target(%arg9 : memref<80xi32, #tpu.memory_space<vmem>>) target_semaphore(%arg34 : memref<!tpu.dma_semaphore, #tpu.memory_space<semaphore_mem>>)
        %dma_start3A_313 = tpu.memref_slice %arg4[%multiple_of3A_310] : memref<327680xi32, #tpu.memory_space<hbm>> -> memref<80xi32, #tpu.memory_space<hbm>>
        %dma_start3A_314 = tpu.memref_slice %arg4[%multiple_of3A_310] : memref<327680xi32, #tpu.memory_space<hbm>> -> memref<80xi32, #tpu.memory_space<hbm>>
        tpu.enqueue_dma source(%dma_start3A_314 : memref<80xi32, #tpu.memory_space<hbm>>) target(%arg17 : memref<80xi32, #tpu.memory_space<vmem>>) target_semaphore(%arg34 : memref<!tpu.dma_semaphore, #tpu.memory_space<semaphore_mem>>)
      } else {
      }
      %mul3A_219 = arith.constant 8 : i32
      %mul3A_220 = arith.muli %mul3A_219, %add3A_137 : i32
      %add3A_221 = arith.constant 4 : i32
      %add3A_222 = arith.addi %mul3A_220, %add3A_221 : i32
      %dma_wait3A_223 = arith.constant 0 : i32
      %dma_wait3A_224 = arith.constant 0 : i32
      %dma_wait3A_225 = tpu.memref_slice %arg2[%dma_wait3A_223, %dma_wait3A_224] : memref<10000x128xf32, #tpu.memory_space<hbm>> -> memref<10000x128xf32, #tpu.memory_space<hbm>>
      tpu.wait_indirect_dma semaphore(%arg27 : memref<!tpu.dma_semaphore, #tpu.memory_space<semaphore_mem>>) src(%dma_wait3A_225 : memref<10000x128xf32, #tpu.memory_space<hbm>>) dst(%arg22 : memref<80x128xf32, #tpu.memory_space<vmem>>)
      "tpu.region"() ({
        %run_scoped3A = tpu.sem_alloc : memref<!tpu.dma_semaphore, #tpu.memory_space<semaphore_mem>>
        %dma_start3A_303 = arith.constant 0 : i32
        %dma_start3A_304 = arith.constant 0 : i32
        %dma_start3A_305 = tpu.memref_slice %arg26[%dma_start3A_303, %dma_start3A_304] : memref<10240x128xf32, #tpu.memory_space<vmem_shared>> -> memref<10240x128xf32, #tpu.memory_space<vmem_shared>>
        tpu.enqueue_indirect_dma source(%arg22 : memref<80x128xf32, #tpu.memory_space<vmem>>) target(%dma_start3A_305 : memref<10240x128xf32, #tpu.memory_space<vmem_shared>>) offsets(%arg18 : memref<80xi32, #tpu.memory_space<vmem>>) semaphore(%run_scoped3A : memref<!tpu.dma_semaphore, #tpu.memory_space<semaphore_mem>>) {add = true}
        %dma_wait3A_306 = arith.constant 0 : i32
        %dma_wait3A_307 = arith.constant 0 : i32
        %dma_wait3A_308 = tpu.memref_slice %arg26[%dma_wait3A_306, %dma_wait3A_307] : memref<10240x128xf32, #tpu.memory_space<vmem_shared>> -> memref<10240x128xf32, #tpu.memory_space<vmem_shared>>
        tpu.wait_indirect_dma semaphore(%run_scoped3A : memref<!tpu.dma_semaphore, #tpu.memory_space<semaphore_mem>>) src(%arg22 : memref<80x128xf32, #tpu.memory_space<vmem>>) dst(%dma_wait3A_308 : memref<10240x128xf32, #tpu.memory_space<vmem_shared>>)
        tpu.yield
      }) : () -> ()
      %add3A_226 = arith.constant 4 : i32
      %add3A_227 = arith.addi %add3A_222, %add3A_226 : i32
      %lt3A_228 = arith.constant 128 : i32
      %lt3A_229 = arith.cmpi slt, %add3A_227, %lt3A_228 : i32
      %convert_element_type3A_230 = arith.extui %lt3A_229 : i1 to i32
      %cond3A_231 = arith.constant 0 : i32
      %cond3A_232 = arith.cmpi ne, %convert_element_type3A_230, %cond3A_231 : i32
      scf.if %cond3A_232 {
        %dma_wait3A_303 = arith.constant 0 : i32
        %dma_wait3A_304 = tpu.memref_slice %arg3[%dma_wait3A_303] : memref<327680xi32, #tpu.memory_space<hbm>> -> memref<80xi32, #tpu.memory_space<hbm>>
        %dma_wait3A_305 = arith.constant 0 : i32
        %dma_wait3A_306 = tpu.memref_slice %arg3[%dma_wait3A_305] : memref<327680xi32, #tpu.memory_space<hbm>> -> memref<80xi32, #tpu.memory_space<hbm>>
        tpu.wait_dma2 semaphore(%arg31 : memref<!tpu.dma_semaphore, #tpu.memory_space<semaphore_mem>>) src(%dma_wait3A_306 : memref<80xi32, #tpu.memory_space<hbm>>) dst(%arg6 : memref<80xi32, #tpu.memory_space<vmem>>)
        %dma_wait3A_307 = arith.constant 0 : i32
        %dma_wait3A_308 = tpu.memref_slice %arg4[%dma_wait3A_307] : memref<327680xi32, #tpu.memory_space<hbm>> -> memref<80xi32, #tpu.memory_space<hbm>>
        %dma_wait3A_309 = arith.constant 0 : i32
        %dma_wait3A_310 = tpu.memref_slice %arg4[%dma_wait3A_309] : memref<327680xi32, #tpu.memory_space<hbm>> -> memref<80xi32, #tpu.memory_space<hbm>>
        tpu.wait_dma2 semaphore(%arg31 : memref<!tpu.dma_semaphore, #tpu.memory_space<semaphore_mem>>) src(%dma_wait3A_310 : memref<80xi32, #tpu.memory_space<hbm>>) dst(%arg14 : memref<80xi32, #tpu.memory_space<vmem>>)
        %dma_start3A_311 = arith.constant 0 : i32
        %dma_start3A_312 = arith.constant 0 : i32
        %dma_start3A_313 = tpu.memref_slice %arg2[%dma_start3A_311, %dma_start3A_312] : memref<10000x128xf32, #tpu.memory_space<hbm>> -> memref<10000x128xf32, #tpu.memory_space<hbm>>
        tpu.enqueue_indirect_dma source(%dma_start3A_313 : memref<10000x128xf32, #tpu.memory_space<hbm>>) target(%arg22 : memref<80x128xf32, #tpu.memory_space<vmem>>) offsets(%arg6 : memref<80xi32, #tpu.memory_space<vmem>>) semaphore(%arg27 : memref<!tpu.dma_semaphore, #tpu.memory_space<semaphore_mem>>)
      } else {
      }
      %add3A_233 = arith.constant 8 : i32
      %add3A_234 = arith.addi %add3A_222, %add3A_233 : i32
      %lt3A_235 = arith.constant 128 : i32
      %lt3A_236 = arith.cmpi slt, %add3A_234, %lt3A_235 : i32
      %convert_element_type3A_237 = arith.extui %lt3A_236 : i1 to i32
      %cond3A_238 = arith.constant 0 : i32
      %cond3A_239 = arith.cmpi ne, %convert_element_type3A_237, %cond3A_238 : i32
      scf.if %cond3A_239 {
        %add3A_303 = arith.constant 8 : i32
        %add3A_304 = arith.addi %add3A_222, %add3A_303 : i32
        %mul3A_305 = arith.constant 10240 : i32
        %mul3A_306 = arith.muli %add3A, %mul3A_305 : i32
        %mul3A_307 = arith.constant 80 : i32
        %mul3A_308 = arith.muli %add3A_304, %mul3A_307 : i32
        %add3A_309 = arith.addi %mul3A_306, %mul3A_308 : i32
        %multiple_of3A_310 = tpu.assume_multiple %add3A_309, 80 : i32
        %dma_start3A_311 = tpu.memref_slice %arg3[%multiple_of3A_310] : memref<327680xi32, #tpu.memory_space<hbm>> -> memref<80xi32, #tpu.memory_space<hbm>>
        %dma_start3A_312 = tpu.memref_slice %arg3[%multiple_of3A_310] : memref<327680xi32, #tpu.memory_space<hbm>> -> memref<80xi32, #tpu.memory_space<hbm>>
        tpu.enqueue_dma source(%dma_start3A_312 : memref<80xi32, #tpu.memory_space<hbm>>) target(%arg10 : memref<80xi32, #tpu.memory_space<vmem>>) target_semaphore(%arg35 : memref<!tpu.dma_semaphore, #tpu.memory_space<semaphore_mem>>)
        %dma_start3A_313 = tpu.memref_slice %arg4[%multiple_of3A_310] : memref<327680xi32, #tpu.memory_space<hbm>> -> memref<80xi32, #tpu.memory_space<hbm>>
        %dma_start3A_314 = tpu.memref_slice %arg4[%multiple_of3A_310] : memref<327680xi32, #tpu.memory_space<hbm>> -> memref<80xi32, #tpu.memory_space<hbm>>
        tpu.enqueue_dma source(%dma_start3A_314 : memref<80xi32, #tpu.memory_space<hbm>>) target(%arg18 : memref<80xi32, #tpu.memory_space<vmem>>) target_semaphore(%arg35 : memref<!tpu.dma_semaphore, #tpu.memory_space<semaphore_mem>>)
      } else {
      }
      %mul3A_240 = arith.constant 8 : i32
      %mul3A_241 = arith.muli %mul3A_240, %add3A_137 : i32
      %add3A_242 = arith.constant 5 : i32
      %add3A_243 = arith.addi %mul3A_241, %add3A_242 : i32
      %dma_wait3A_244 = arith.constant 0 : i32
      %dma_wait3A_245 = arith.constant 0 : i32
      %dma_wait3A_246 = tpu.memref_slice %arg2[%dma_wait3A_244, %dma_wait3A_245] : memref<10000x128xf32, #tpu.memory_space<hbm>> -> memref<10000x128xf32, #tpu.memory_space<hbm>>
      tpu.wait_indirect_dma semaphore(%arg28 : memref<!tpu.dma_semaphore, #tpu.memory_space<semaphore_mem>>) src(%dma_wait3A_246 : memref<10000x128xf32, #tpu.memory_space<hbm>>) dst(%arg23 : memref<80x128xf32, #tpu.memory_space<vmem>>)
      "tpu.region"() ({
        %run_scoped3A = tpu.sem_alloc : memref<!tpu.dma_semaphore, #tpu.memory_space<semaphore_mem>>
        %dma_start3A_303 = arith.constant 0 : i32
        %dma_start3A_304 = arith.constant 0 : i32
        %dma_start3A_305 = tpu.memref_slice %arg26[%dma_start3A_303, %dma_start3A_304] : memref<10240x128xf32, #tpu.memory_space<vmem_shared>> -> memref<10240x128xf32, #tpu.memory_space<vmem_shared>>
        tpu.enqueue_indirect_dma source(%arg23 : memref<80x128xf32, #tpu.memory_space<vmem>>) target(%dma_start3A_305 : memref<10240x128xf32, #tpu.memory_space<vmem_shared>>) offsets(%arg19 : memref<80xi32, #tpu.memory_space<vmem>>) semaphore(%run_scoped3A : memref<!tpu.dma_semaphore, #tpu.memory_space<semaphore_mem>>) {add = true}
        %dma_wait3A_306 = arith.constant 0 : i32
        %dma_wait3A_307 = arith.constant 0 : i32
        %dma_wait3A_308 = tpu.memref_slice %arg26[%dma_wait3A_306, %dma_wait3A_307] : memref<10240x128xf32, #tpu.memory_space<vmem_shared>> -> memref<10240x128xf32, #tpu.memory_space<vmem_shared>>
        tpu.wait_indirect_dma semaphore(%run_scoped3A : memref<!tpu.dma_semaphore, #tpu.memory_space<semaphore_mem>>) src(%arg23 : memref<80x128xf32, #tpu.memory_space<vmem>>) dst(%dma_wait3A_308 : memref<10240x128xf32, #tpu.memory_space<vmem_shared>>)
        tpu.yield
      }) : () -> ()
      %add3A_247 = arith.constant 4 : i32
      %add3A_248 = arith.addi %add3A_243, %add3A_247 : i32
      %lt3A_249 = arith.constant 128 : i32
      %lt3A_250 = arith.cmpi slt, %add3A_248, %lt3A_249 : i32
      %convert_element_type3A_251 = arith.extui %lt3A_250 : i1 to i32
      %cond3A_252 = arith.constant 0 : i32
      %cond3A_253 = arith.cmpi ne, %convert_element_type3A_251, %cond3A_252 : i32
      scf.if %cond3A_253 {
        %dma_wait3A_303 = arith.constant 0 : i32
        %dma_wait3A_304 = tpu.memref_slice %arg3[%dma_wait3A_303] : memref<327680xi32, #tpu.memory_space<hbm>> -> memref<80xi32, #tpu.memory_space<hbm>>
        %dma_wait3A_305 = arith.constant 0 : i32
        %dma_wait3A_306 = tpu.memref_slice %arg3[%dma_wait3A_305] : memref<327680xi32, #tpu.memory_space<hbm>> -> memref<80xi32, #tpu.memory_space<hbm>>
        tpu.wait_dma2 semaphore(%arg32 : memref<!tpu.dma_semaphore, #tpu.memory_space<semaphore_mem>>) src(%dma_wait3A_306 : memref<80xi32, #tpu.memory_space<hbm>>) dst(%arg7 : memref<80xi32, #tpu.memory_space<vmem>>)
        %dma_wait3A_307 = arith.constant 0 : i32
        %dma_wait3A_308 = tpu.memref_slice %arg4[%dma_wait3A_307] : memref<327680xi32, #tpu.memory_space<hbm>> -> memref<80xi32, #tpu.memory_space<hbm>>
        %dma_wait3A_309 = arith.constant 0 : i32
        %dma_wait3A_310 = tpu.memref_slice %arg4[%dma_wait3A_309] : memref<327680xi32, #tpu.memory_space<hbm>> -> memref<80xi32, #tpu.memory_space<hbm>>
        tpu.wait_dma2 semaphore(%arg32 : memref<!tpu.dma_semaphore, #tpu.memory_space<semaphore_mem>>) src(%dma_wait3A_310 : memref<80xi32, #tpu.memory_space<hbm>>) dst(%arg15 : memref<80xi32, #tpu.memory_space<vmem>>)
        %dma_start3A_311 = arith.constant 0 : i32
        %dma_start3A_312 = arith.constant 0 : i32
        %dma_start3A_313 = tpu.memref_slice %arg2[%dma_start3A_311, %dma_start3A_312] : memref<10000x128xf32, #tpu.memory_space<hbm>> -> memref<10000x128xf32, #tpu.memory_space<hbm>>
        tpu.enqueue_indirect_dma source(%dma_start3A_313 : memref<10000x128xf32, #tpu.memory_space<hbm>>) target(%arg23 : memref<80x128xf32, #tpu.memory_space<vmem>>) offsets(%arg7 : memref<80xi32, #tpu.memory_space<vmem>>) semaphore(%arg28 : memref<!tpu.dma_semaphore, #tpu.memory_space<semaphore_mem>>)
      } else {
      }
      %add3A_254 = arith.constant 8 : i32
      %add3A_255 = arith.addi %add3A_243, %add3A_254 : i32
      %lt3A_256 = arith.constant 128 : i32
      %lt3A_257 = arith.cmpi slt, %add3A_255, %lt3A_256 : i32
      %convert_element_type3A_258 = arith.extui %lt3A_257 : i1 to i32
      %cond3A_259 = arith.constant 0 : i32
      %cond3A_260 = arith.cmpi ne, %convert_element_type3A_258, %cond3A_259 : i32
      scf.if %cond3A_260 {
        %add3A_303 = arith.constant 8 : i32
        %add3A_304 = arith.addi %add3A_243, %add3A_303 : i32
        %mul3A_305 = arith.constant 10240 : i32
        %mul3A_306 = arith.muli %add3A, %mul3A_305 : i32
        %mul3A_307 = arith.constant 80 : i32
        %mul3A_308 = arith.muli %add3A_304, %mul3A_307 : i32
        %add3A_309 = arith.addi %mul3A_306, %mul3A_308 : i32
        %multiple_of3A_310 = tpu.assume_multiple %add3A_309, 80 : i32
        %dma_start3A_311 = tpu.memref_slice %arg3[%multiple_of3A_310] : memref<327680xi32, #tpu.memory_space<hbm>> -> memref<80xi32, #tpu.memory_space<hbm>>
        %dma_start3A_312 = tpu.memref_slice %arg3[%multiple_of3A_310] : memref<327680xi32, #tpu.memory_space<hbm>> -> memref<80xi32, #tpu.memory_space<hbm>>
        tpu.enqueue_dma source(%dma_start3A_312 : memref<80xi32, #tpu.memory_space<hbm>>) target(%arg11 : memref<80xi32, #tpu.memory_space<vmem>>) target_semaphore(%arg36 : memref<!tpu.dma_semaphore, #tpu.memory_space<semaphore_mem>>)
        %dma_start3A_313 = tpu.memref_slice %arg4[%multiple_of3A_310] : memref<327680xi32, #tpu.memory_space<hbm>> -> memref<80xi32, #tpu.memory_space<hbm>>
        %dma_start3A_314 = tpu.memref_slice %arg4[%multiple_of3A_310] : memref<327680xi32, #tpu.memory_space<hbm>> -> memref<80xi32, #tpu.memory_space<hbm>>
        tpu.enqueue_dma source(%dma_start3A_314 : memref<80xi32, #tpu.memory_space<hbm>>) target(%arg19 : memref<80xi32, #tpu.memory_space<vmem>>) target_semaphore(%arg36 : memref<!tpu.dma_semaphore, #tpu.memory_space<semaphore_mem>>)
      } else {
      }
      %mul3A_261 = arith.constant 8 : i32
      %mul3A_262 = arith.muli %mul3A_261, %add3A_137 : i32
      %add3A_263 = arith.constant 6 : i32
      %add3A_264 = arith.addi %mul3A_262, %add3A_263 : i32
      %dma_wait3A_265 = arith.constant 0 : i32
      %dma_wait3A_266 = arith.constant 0 : i32
      %dma_wait3A_267 = tpu.memref_slice %arg2[%dma_wait3A_265, %dma_wait3A_266] : memref<10000x128xf32, #tpu.memory_space<hbm>> -> memref<10000x128xf32, #tpu.memory_space<hbm>>
      tpu.wait_indirect_dma semaphore(%arg29 : memref<!tpu.dma_semaphore, #tpu.memory_space<semaphore_mem>>) src(%dma_wait3A_267 : memref<10000x128xf32, #tpu.memory_space<hbm>>) dst(%arg24 : memref<80x128xf32, #tpu.memory_space<vmem>>)
      "tpu.region"() ({
        %run_scoped3A = tpu.sem_alloc : memref<!tpu.dma_semaphore, #tpu.memory_space<semaphore_mem>>
        %dma_start3A_303 = arith.constant 0 : i32
        %dma_start3A_304 = arith.constant 0 : i32
        %dma_start3A_305 = tpu.memref_slice %arg26[%dma_start3A_303, %dma_start3A_304] : memref<10240x128xf32, #tpu.memory_space<vmem_shared>> -> memref<10240x128xf32, #tpu.memory_space<vmem_shared>>
        tpu.enqueue_indirect_dma source(%arg24 : memref<80x128xf32, #tpu.memory_space<vmem>>) target(%dma_start3A_305 : memref<10240x128xf32, #tpu.memory_space<vmem_shared>>) offsets(%arg20 : memref<80xi32, #tpu.memory_space<vmem>>) semaphore(%run_scoped3A : memref<!tpu.dma_semaphore, #tpu.memory_space<semaphore_mem>>) {add = true}
        %dma_wait3A_306 = arith.constant 0 : i32
        %dma_wait3A_307 = arith.constant 0 : i32
        %dma_wait3A_308 = tpu.memref_slice %arg26[%dma_wait3A_306, %dma_wait3A_307] : memref<10240x128xf32, #tpu.memory_space<vmem_shared>> -> memref<10240x128xf32, #tpu.memory_space<vmem_shared>>
        tpu.wait_indirect_dma semaphore(%run_scoped3A : memref<!tpu.dma_semaphore, #tpu.memory_space<semaphore_mem>>) src(%arg24 : memref<80x128xf32, #tpu.memory_space<vmem>>) dst(%dma_wait3A_308 : memref<10240x128xf32, #tpu.memory_space<vmem_shared>>)
        tpu.yield
      }) : () -> ()
      %add3A_268 = arith.constant 4 : i32
      %add3A_269 = arith.addi %add3A_264, %add3A_268 : i32
      %lt3A_270 = arith.constant 128 : i32
      %lt3A_271 = arith.cmpi slt, %add3A_269, %lt3A_270 : i32
      %convert_element_type3A_272 = arith.extui %lt3A_271 : i1 to i32
      %cond3A_273 = arith.constant 0 : i32
      %cond3A_274 = arith.cmpi ne, %convert_element_type3A_272, %cond3A_273 : i32
      scf.if %cond3A_274 {
        %dma_wait3A_303 = arith.constant 0 : i32
        %dma_wait3A_304 = tpu.memref_slice %arg3[%dma_wait3A_303] : memref<327680xi32, #tpu.memory_space<hbm>> -> memref<80xi32, #tpu.memory_space<hbm>>
        %dma_wait3A_305 = arith.constant 0 : i32
        %dma_wait3A_306 = tpu.memref_slice %arg3[%dma_wait3A_305] : memref<327680xi32, #tpu.memory_space<hbm>> -> memref<80xi32, #tpu.memory_space<hbm>>
        tpu.wait_dma2 semaphore(%arg33 : memref<!tpu.dma_semaphore, #tpu.memory_space<semaphore_mem>>) src(%dma_wait3A_306 : memref<80xi32, #tpu.memory_space<hbm>>) dst(%arg8 : memref<80xi32, #tpu.memory_space<vmem>>)
        %dma_wait3A_307 = arith.constant 0 : i32
        %dma_wait3A_308 = tpu.memref_slice %arg4[%dma_wait3A_307] : memref<327680xi32, #tpu.memory_space<hbm>> -> memref<80xi32, #tpu.memory_space<hbm>>
        %dma_wait3A_309 = arith.constant 0 : i32
        %dma_wait3A_310 = tpu.memref_slice %arg4[%dma_wait3A_309] : memref<327680xi32, #tpu.memory_space<hbm>> -> memref<80xi32, #tpu.memory_space<hbm>>
        tpu.wait_dma2 semaphore(%arg33 : memref<!tpu.dma_semaphore, #tpu.memory_space<semaphore_mem>>) src(%dma_wait3A_310 : memref<80xi32, #tpu.memory_space<hbm>>) dst(%arg16 : memref<80xi32, #tpu.memory_space<vmem>>)
        %dma_start3A_311 = arith.constant 0 : i32
        %dma_start3A_312 = arith.constant 0 : i32
        %dma_start3A_313 = tpu.memref_slice %arg2[%dma_start3A_311, %dma_start3A_312] : memref<10000x128xf32, #tpu.memory_space<hbm>> -> memref<10000x128xf32, #tpu.memory_space<hbm>>
        tpu.enqueue_indirect_dma source(%dma_start3A_313 : memref<10000x128xf32, #tpu.memory_space<hbm>>) target(%arg24 : memref<80x128xf32, #tpu.memory_space<vmem>>) offsets(%arg8 : memref<80xi32, #tpu.memory_space<vmem>>) semaphore(%arg29 : memref<!tpu.dma_semaphore, #tpu.memory_space<semaphore_mem>>)
      } else {
      }
      %add3A_275 = arith.constant 8 : i32
      %add3A_276 = arith.addi %add3A_264, %add3A_275 : i32
      %lt3A_277 = arith.constant 128 : i32
      %lt3A_278 = arith.cmpi slt, %add3A_276, %lt3A_277 : i32
      %convert_element_type3A_279 = arith.extui %lt3A_278 : i1 to i32
      %cond3A_280 = arith.constant 0 : i32
      %cond3A_281 = arith.cmpi ne, %convert_element_type3A_279, %cond3A_280 : i32
      scf.if %cond3A_281 {
        %add3A_303 = arith.constant 8 : i32
        %add3A_304 = arith.addi %add3A_264, %add3A_303 : i32
        %mul3A_305 = arith.constant 10240 : i32
        %mul3A_306 = arith.muli %add3A, %mul3A_305 : i32
        %mul3A_307 = arith.constant 80 : i32
        %mul3A_308 = arith.muli %add3A_304, %mul3A_307 : i32
        %add3A_309 = arith.addi %mul3A_306, %mul3A_308 : i32
        %multiple_of3A_310 = tpu.assume_multiple %add3A_309, 80 : i32
        %dma_start3A_311 = tpu.memref_slice %arg3[%multiple_of3A_310] : memref<327680xi32, #tpu.memory_space<hbm>> -> memref<80xi32, #tpu.memory_space<hbm>>
        %dma_start3A_312 = tpu.memref_slice %arg3[%multiple_of3A_310] : memref<327680xi32, #tpu.memory_space<hbm>> -> memref<80xi32, #tpu.memory_space<hbm>>
        tpu.enqueue_dma source(%dma_start3A_312 : memref<80xi32, #tpu.memory_space<hbm>>) target(%arg12 : memref<80xi32, #tpu.memory_space<vmem>>) target_semaphore(%arg37 : memref<!tpu.dma_semaphore, #tpu.memory_space<semaphore_mem>>)
        %dma_start3A_313 = tpu.memref_slice %arg4[%multiple_of3A_310] : memref<327680xi32, #tpu.memory_space<hbm>> -> memref<80xi32, #tpu.memory_space<hbm>>
        %dma_start3A_314 = tpu.memref_slice %arg4[%multiple_of3A_310] : memref<327680xi32, #tpu.memory_space<hbm>> -> memref<80xi32, #tpu.memory_space<hbm>>
        tpu.enqueue_dma source(%dma_start3A_314 : memref<80xi32, #tpu.memory_space<hbm>>) target(%arg20 : memref<80xi32, #tpu.memory_space<vmem>>) target_semaphore(%arg37 : memref<!tpu.dma_semaphore, #tpu.memory_space<semaphore_mem>>)
      } else {
      }
      %mul3A_282 = arith.constant 8 : i32
      %mul3A_283 = arith.muli %mul3A_282, %add3A_137 : i32
      %add3A_284 = arith.constant 7 : i32
      %add3A_285 = arith.addi %mul3A_283, %add3A_284 : i32
      %dma_wait3A_286 = arith.constant 0 : i32
      %dma_wait3A_287 = arith.constant 0 : i32
      %dma_wait3A_288 = tpu.memref_slice %arg2[%dma_wait3A_286, %dma_wait3A_287] : memref<10000x128xf32, #tpu.memory_space<hbm>> -> memref<10000x128xf32, #tpu.memory_space<hbm>>
      tpu.wait_indirect_dma semaphore(%arg30 : memref<!tpu.dma_semaphore, #tpu.memory_space<semaphore_mem>>) src(%dma_wait3A_288 : memref<10000x128xf32, #tpu.memory_space<hbm>>) dst(%arg25 : memref<80x128xf32, #tpu.memory_space<vmem>>)
      "tpu.region"() ({
        %run_scoped3A = tpu.sem_alloc : memref<!tpu.dma_semaphore, #tpu.memory_space<semaphore_mem>>
        %dma_start3A_303 = arith.constant 0 : i32
        %dma_start3A_304 = arith.constant 0 : i32
        %dma_start3A_305 = tpu.memref_slice %arg26[%dma_start3A_303, %dma_start3A_304] : memref<10240x128xf32, #tpu.memory_space<vmem_shared>> -> memref<10240x128xf32, #tpu.memory_space<vmem_shared>>
        tpu.enqueue_indirect_dma source(%arg25 : memref<80x128xf32, #tpu.memory_space<vmem>>) target(%dma_start3A_305 : memref<10240x128xf32, #tpu.memory_space<vmem_shared>>) offsets(%arg21 : memref<80xi32, #tpu.memory_space<vmem>>) semaphore(%run_scoped3A : memref<!tpu.dma_semaphore, #tpu.memory_space<semaphore_mem>>) {add = true}
        %dma_wait3A_306 = arith.constant 0 : i32
        %dma_wait3A_307 = arith.constant 0 : i32
        %dma_wait3A_308 = tpu.memref_slice %arg26[%dma_wait3A_306, %dma_wait3A_307] : memref<10240x128xf32, #tpu.memory_space<vmem_shared>> -> memref<10240x128xf32, #tpu.memory_space<vmem_shared>>
        tpu.wait_indirect_dma semaphore(%run_scoped3A : memref<!tpu.dma_semaphore, #tpu.memory_space<semaphore_mem>>) src(%arg25 : memref<80x128xf32, #tpu.memory_space<vmem>>) dst(%dma_wait3A_308 : memref<10240x128xf32, #tpu.memory_space<vmem_shared>>)
        tpu.yield
      }) : () -> ()
      %add3A_289 = arith.constant 4 : i32
      %add3A_290 = arith.addi %add3A_285, %add3A_289 : i32
      %lt3A_291 = arith.constant 128 : i32
      %lt3A_292 = arith.cmpi slt, %add3A_290, %lt3A_291 : i32
      %convert_element_type3A_293 = arith.extui %lt3A_292 : i1 to i32
      %cond3A_294 = arith.constant 0 : i32
      %cond3A_295 = arith.cmpi ne, %convert_element_type3A_293, %cond3A_294 : i32
      scf.if %cond3A_295 {
        %dma_wait3A_303 = arith.constant 0 : i32
        %dma_wait3A_304 = tpu.memref_slice %arg3[%dma_wait3A_303] : memref<327680xi32, #tpu.memory_space<hbm>> -> memref<80xi32, #tpu.memory_space<hbm>>
        %dma_wait3A_305 = arith.constant 0 : i32
        %dma_wait3A_306 = tpu.memref_slice %arg3[%dma_wait3A_305] : memref<327680xi32, #tpu.memory_space<hbm>> -> memref<80xi32, #tpu.memory_space<hbm>>
        tpu.wait_dma2 semaphore(%arg34 : memref<!tpu.dma_semaphore, #tpu.memory_space<semaphore_mem>>) src(%dma_wait3A_306 : memref<80xi32, #tpu.memory_space<hbm>>) dst(%arg9 : memref<80xi32, #tpu.memory_space<vmem>>)
        %dma_wait3A_307 = arith.constant 0 : i32
        %dma_wait3A_308 = tpu.memref_slice %arg4[%dma_wait3A_307] : memref<327680xi32, #tpu.memory_space<hbm>> -> memref<80xi32, #tpu.memory_space<hbm>>
        %dma_wait3A_309 = arith.constant 0 : i32
        %dma_wait3A_310 = tpu.memref_slice %arg4[%dma_wait3A_309] : memref<327680xi32, #tpu.memory_space<hbm>> -> memref<80xi32, #tpu.memory_space<hbm>>
        tpu.wait_dma2 semaphore(%arg34 : memref<!tpu.dma_semaphore, #tpu.memory_space<semaphore_mem>>) src(%dma_wait3A_310 : memref<80xi32, #tpu.memory_space<hbm>>) dst(%arg17 : memref<80xi32, #tpu.memory_space<vmem>>)
        %dma_start3A_311 = arith.constant 0 : i32
        %dma_start3A_312 = arith.constant 0 : i32
        %dma_start3A_313 = tpu.memref_slice %arg2[%dma_start3A_311, %dma_start3A_312] : memref<10000x128xf32, #tpu.memory_space<hbm>> -> memref<10000x128xf32, #tpu.memory_space<hbm>>
        tpu.enqueue_indirect_dma source(%dma_start3A_313 : memref<10000x128xf32, #tpu.memory_space<hbm>>) target(%arg25 : memref<80x128xf32, #tpu.memory_space<vmem>>) offsets(%arg9 : memref<80xi32, #tpu.memory_space<vmem>>) semaphore(%arg30 : memref<!tpu.dma_semaphore, #tpu.memory_space<semaphore_mem>>)
      } else {
      }
      %add3A_296 = arith.constant 8 : i32
      %add3A_297 = arith.addi %add3A_285, %add3A_296 : i32
      %lt3A_298 = arith.constant 128 : i32
      %lt3A_299 = arith.cmpi slt, %add3A_297, %lt3A_298 : i32
      %convert_element_type3A_300 = arith.extui %lt3A_299 : i1 to i32
      %cond3A_301 = arith.constant 0 : i32
      %cond3A_302 = arith.cmpi ne, %convert_element_type3A_300, %cond3A_301 : i32
      scf.if %cond3A_302 {
        %add3A_303 = arith.constant 8 : i32
        %add3A_304 = arith.addi %add3A_285, %add3A_303 : i32
        %mul3A_305 = arith.constant 10240 : i32
        %mul3A_306 = arith.muli %add3A, %mul3A_305 : i32
        %mul3A_307 = arith.constant 80 : i32
        %mul3A_308 = arith.muli %add3A_304, %mul3A_307 : i32
        %add3A_309 = arith.addi %mul3A_306, %mul3A_308 : i32
        %multiple_of3A_310 = tpu.assume_multiple %add3A_309, 80 : i32
        %dma_start3A_311 = tpu.memref_slice %arg3[%multiple_of3A_310] : memref<327680xi32, #tpu.memory_space<hbm>> -> memref<80xi32, #tpu.memory_space<hbm>>
        %dma_start3A_312 = tpu.memref_slice %arg3[%multiple_of3A_310] : memref<327680xi32, #tpu.memory_space<hbm>> -> memref<80xi32, #tpu.memory_space<hbm>>
        tpu.enqueue_dma source(%dma_start3A_312 : memref<80xi32, #tpu.memory_space<hbm>>) target(%arg13 : memref<80xi32, #tpu.memory_space<vmem>>) target_semaphore(%arg38 : memref<!tpu.dma_semaphore, #tpu.memory_space<semaphore_mem>>)
        %dma_start3A_313 = tpu.memref_slice %arg4[%multiple_of3A_310] : memref<327680xi32, #tpu.memory_space<hbm>> -> memref<80xi32, #tpu.memory_space<hbm>>
        %dma_start3A_314 = tpu.memref_slice %arg4[%multiple_of3A_310] : memref<327680xi32, #tpu.memory_space<hbm>> -> memref<80xi32, #tpu.memory_space<hbm>>
        tpu.enqueue_dma source(%dma_start3A_314 : memref<80xi32, #tpu.memory_space<hbm>>) target(%arg21 : memref<80xi32, #tpu.memory_space<vmem>>) target_semaphore(%arg38 : memref<!tpu.dma_semaphore, #tpu.memory_space<semaphore_mem>>)
      } else {
      }
    }
    %scan3A_128 = arith.constant 16 : i32
    %barrier3A_129 = arith.constant 0 : index
    tpu.barrier barrier_id(%barrier3A_129)
    %mul3A_130 = arith.constant 640 : i32
    %mul3A_131 = arith.muli %arg1, %mul3A_130 : i32
    %multiple_of3A_132 = tpu.assume_multiple %mul3A_131, 640 : i32
    "tpu.region"() ({
      %run_scoped3A = tpu.sem_alloc : memref<!tpu.dma_semaphore, #tpu.memory_space<semaphore_mem>>
      %dma_start3A_133 = arith.constant 0 : i32
      %dma_start3A_134 = tpu.memref_slice %arg5[%arg0, %multiple_of3A_132, %dma_start3A_133] : memref<2x10240x128xf32, #tpu.memory_space<hbm>> -> memref<1x640x128xf32, #tpu.memory_space<hbm>>
      %dma_start3A_135 = tpu.memref_squeeze %dma_start3A_134 : memref<1x640x128xf32, #tpu.memory_space<hbm>> -> memref<640x128xf32, #tpu.memory_space<hbm>>
      %dma_start3A_136 = arith.constant 0 : i32
      %dma_start3A_137 = tpu.memref_slice %arg26[%multiple_of3A_132, %dma_start3A_136] : memref<10240x128xf32, #tpu.memory_space<vmem_shared>> -> memref<640x128xf32, #tpu.memory_space<vmem_shared>>
      tpu.enqueue_dma source(%dma_start3A_137 : memref<640x128xf32, #tpu.memory_space<vmem_shared>>) target(%dma_start3A_135 : memref<640x128xf32, #tpu.memory_space<hbm>>) target_semaphore(%run_scoped3A : memref<!tpu.dma_semaphore, #tpu.memory_space<semaphore_mem>>)
      %dma_wait3A_138 = arith.constant 0 : i32
      %dma_wait3A_139 = tpu.memref_slice %arg5[%arg0, %multiple_of3A_132, %dma_wait3A_138] : memref<2x10240x128xf32, #tpu.memory_space<hbm>> -> memref<1x640x128xf32, #tpu.memory_space<hbm>>
      %dma_wait3A_140 = tpu.memref_squeeze %dma_wait3A_139 : memref<1x640x128xf32, #tpu.memory_space<hbm>> -> memref<640x128xf32, #tpu.memory_space<hbm>>
      %dma_wait3A_141 = arith.constant 0 : i32
      %dma_wait3A_142 = tpu.memref_slice %arg26[%multiple_of3A_132, %dma_wait3A_141] : memref<10240x128xf32, #tpu.memory_space<vmem_shared>> -> memref<640x128xf32, #tpu.memory_space<vmem_shared>>
      tpu.wait_dma2 semaphore(%run_scoped3A : memref<!tpu.dma_semaphore, #tpu.memory_space<semaphore_mem>>) src(%dma_wait3A_142 : memref<640x128xf32, #tpu.memory_space<vmem_shared>>) dst(%dma_wait3A_140 : memref<640x128xf32, #tpu.memory_space<hbm>>)
      tpu.yield
    }) : () -> ()
    return
  }
}

module attributes {stable_mosaic.version = 14 : i64} {
  func.func @_tc_scale_body(%arg0: i32, %arg1: memref<32x1024xf32, #tpu.memory_space<vmem>>, %arg2: memref<1024x128xf32, #tpu.memory_space<vmem>>, %arg3: memref<128x128xf32, #tpu.memory_space<vmem>>, %arg4: memref<1024x128xf32, #tpu.memory_space<vmem>>, %arg5: memref<1024x1xf32, #tpu.memory_space<vmem>>) attributes {dimension_semantics = [#tpu.dimension_semantics<arbitrary>], iteration_bounds = array<i64: 10>, scalar_prefetch = 0 : i64, scratch_operands = 0 : i64, tpu.core_type = #tpu.core_type<tc>, window_params = [{transform_indices = @transform_0, window_bounds = array<i64: 32, 1024>}, {transform_indices = @transform_1, window_bounds = array<i64: 1024, 128>}, {pipeline_mode = #tpu.pipeline_mode<synchronous>, transform_indices = @transform_2, window_bounds = array<i64: 128, 128>}, {transform_indices = @transform_3, window_bounds = array<i64: 1024, 128>}, {transform_indices = @transform_4, window_bounds = array<i64: 1024, 1>}]} {
    %broadcast_in_dim3A = arith.constant 1.000000e+00 : f32
    %broadcast_in_dim3A_0 = vector.broadcast %broadcast_in_dim3A : f32 to vector<32x1xf32>
    %get3A = arith.constant 0 : index
    %get3A_1 = arith.constant 0 : index
    %get3A_2 = vector.load %arg1[%get3A, %get3A_1] : memref<32x1024xf32, #tpu.memory_space<vmem>>, vector<32x1024xf32>
    %dot_general3A = arith.constant dense<0.000000e+00> : vector<1024x1xf32>
    %dot_general3A_3 = tpu.matmul %get3A_2, %broadcast_in_dim3A_0, %dot_general3A {dimension_numbers = #tpu.dot_dimension_numbers<[0], [0], [1], [1], [0, 1, 1, 1], [], []>, transpose_lhs_hint = false} : vector<32x1024xf32>, vector<32x1xf32>, vector<1024x1xf32> -> vector<1024x1xf32>
    %add3A = arith.constant 1.000000e+00 : f32
    %add3A_4 = vector.broadcast %add3A : f32 to vector<1024x1xf32>
    %add3A_5 = arith.addf %dot_general3A_3, %add3A_4 : vector<1024x1xf32>
    %rsqrt3A = math.rsqrt %add3A_5 : vector<1024x1xf32>
    %get3A_6 = arith.constant 0 : index
    %get3A_7 = arith.constant 0 : index
    %get3A_8 = vector.load %arg2[%get3A_6, %get3A_7] : memref<1024x128xf32, #tpu.memory_space<vmem>>, vector<1024x128xf32>
    %get3A_9 = arith.constant 0 : index
    %get3A_10 = arith.constant 0 : index
    %get3A_11 = vector.load %arg3[%get3A_9, %get3A_10] : memref<128x128xf32, #tpu.memory_space<vmem>>, vector<128x128xf32>
    %dot_general3A_12 = arith.constant dense<0.000000e+00> : vector<1024x128xf32>
    %dot_general3A_13 = tpu.matmul %get3A_8, %get3A_11, %dot_general3A_12 {dimension_numbers = #tpu.dot_dimension_numbers<[1], [0], [0], [1], [0, 0, 1, 1], [], []>, transpose_lhs_hint = false} : vector<1024x128xf32>, vector<128x128xf32>, vector<1024x128xf32> -> vector<1024x128xf32>
    %mul3A = vector.broadcast %rsqrt3A : vector<1024x1xf32> to vector<1024x128xf32>
    %mul3A_14 = arith.mulf %dot_general3A_13, %mul3A : vector<1024x128xf32>
    %swap3A = arith.constant 0 : index
    %swap3A_15 = arith.constant 0 : index
    %swap3A_16 = vector.load %arg4[%swap3A, %swap3A_15] : memref<1024x128xf32, #tpu.memory_space<vmem>>, vector<1024x128xf32>
    tpu.vector_store %arg4[%swap3A, %swap3A_15], %mul3A_14 {strides = array<i32>} : memref<1024x128xf32, #tpu.memory_space<vmem>>, vector<1024x128xf32>,
    %swap3A_17 = arith.constant 0 : index
    %swap3A_18 = arith.constant 0 : index
    %swap3A_19 = vector.load %arg5[%swap3A_17, %swap3A_18] : memref<1024x1xf32, #tpu.memory_space<vmem>>, vector<1024x1xf32>
    tpu.vector_store %arg5[%swap3A_17, %swap3A_18], %rsqrt3A {strides = array<i32>} : memref<1024x1xf32, #tpu.memory_space<vmem>>, vector<1024x1xf32>,
    return
  }
  func.func @transform_0(%arg0: i32) -> (i32, i32) {
    %c0_i32 = arith.constant 0 : i32
    %c0_i32_0 = arith.constant 0 : i32
    return %c0_i32, %arg0 : i32, i32
  }
  func.func @transform_1(%arg0: i32) -> (i32, i32) {
    %c0_i32 = arith.constant 0 : i32
    %c0_i32_0 = arith.constant 0 : i32
    return %arg0, %c0_i32 : i32, i32
  }
  func.func @transform_2(%arg0: i32) -> (i32, i32) {
    %c0_i32 = arith.constant 0 : i32
    %c0_i32_0 = arith.constant 0 : i32
    %c0_i32_1 = arith.constant 0 : i32
    return %c0_i32, %c0_i32_0 : i32, i32
  }
  func.func @transform_3(%arg0: i32) -> (i32, i32) {
    %c0_i32 = arith.constant 0 : i32
    %c0_i32_0 = arith.constant 0 : i32
    return %arg0, %c0_i32 : i32, i32
  }
  func.func @transform_4(%arg0: i32) -> (i32, i32) {
    %c0_i32 = arith.constant 0 : i32
    %c0_i32_0 = arith.constant 0 : i32
    return %arg0, %c0_i32 : i32, i32
  }
}

module attributes {stable_mosaic.version = 14 : i64} {
  func.func @_tc_mid_body(%arg0: i32, %arg1: memref<2x1024x128xf32, #tpu.memory_space<vmem>>, %arg2: memref<1024x128xf32, #tpu.memory_space<vmem>>, %arg3: memref<1024x1xf32, #tpu.memory_space<vmem>>, %arg4: memref<1x128xf32, #tpu.memory_space<vmem>>, %arg5: memref<128x128xf32, #tpu.memory_space<vmem>>, %arg6: memref<1024x128xf32, #tpu.memory_space<vmem>>) attributes {dimension_semantics = [#tpu.dimension_semantics<arbitrary>], iteration_bounds = array<i64: 10>, scalar_prefetch = 0 : i64, scratch_operands = 0 : i64, tpu.core_type = #tpu.core_type<tc>, window_params = [{transform_indices = @transform_0, window_bounds = array<i64: 2, 1024, 128>}, {transform_indices = @transform_1, window_bounds = array<i64: 1024, 128>}, {transform_indices = @transform_2, window_bounds = array<i64: 1024, 1>}, {pipeline_mode = #tpu.pipeline_mode<synchronous>, transform_indices = @transform_3, window_bounds = array<i64: 1, 128>}, {pipeline_mode = #tpu.pipeline_mode<synchronous>, transform_indices = @transform_4, window_bounds = array<i64: 128, 128>}, {transform_indices = @transform_5, window_bounds = array<i64: 1024, 128>}]} {
    %get3A = arith.constant 0 : index
    %get3A_0 = arith.constant 0 : index
    %get3A_1 = arith.constant 0 : index
    %get3A_2 = vector.load %arg1[%get3A, %get3A_0, %get3A_1] : memref<2x1024x128xf32, #tpu.memory_space<vmem>>, vector<1x1024x128xf32>
    %get3A_3 = vector.shape_cast %get3A_2 : vector<1x1024x128xf32> to vector<1024x128xf32>
    %get3A_4 = arith.constant 1 : index
    %get3A_5 = arith.constant 0 : index
    %get3A_6 = arith.constant 0 : index
    %get3A_7 = vector.load %arg1[%get3A_4, %get3A_5, %get3A_6] : memref<2x1024x128xf32, #tpu.memory_space<vmem>>, vector<1x1024x128xf32>
    %get3A_8 = vector.shape_cast %get3A_7 : vector<1x1024x128xf32> to vector<1024x128xf32>
    %add3A = arith.addf %get3A_3, %get3A_8 : vector<1024x128xf32>
    %get3A_9 = arith.constant 0 : index
    %get3A_10 = arith.constant 0 : index
    %get3A_11 = vector.load %arg2[%get3A_9, %get3A_10] : memref<1024x128xf32, #tpu.memory_space<vmem>>, vector<1024x128xf32>
    %add3A_12 = arith.addf %add3A, %get3A_11 : vector<1024x128xf32>
    %get3A_13 = arith.constant 0 : index
    %get3A_14 = arith.constant 0 : index
    %get3A_15 = vector.load %arg3[%get3A_13, %get3A_14] : memref<1024x1xf32, #tpu.memory_space<vmem>>, vector<1024x1xf32>
    %mul3A = vector.broadcast %get3A_15 : vector<1024x1xf32> to vector<1024x128xf32>
    %mul3A_16 = arith.mulf %add3A_12, %mul3A : vector<1024x128xf32>
    %get3A_17 = arith.constant 0 : index
    %get3A_18 = arith.constant 0 : index
    %get3A_19 = vector.load %arg4[%get3A_17, %get3A_18] : memref<1x128xf32, #tpu.memory_space<vmem>>, vector<1x128xf32>
    %add3A_20 = vector.broadcast %get3A_19 : vector<1x128xf32> to vector<1024x128xf32>
    %add3A_21 = arith.addf %mul3A_16, %add3A_20 : vector<1024x128xf32>
    %get3A_22 = arith.constant 0 : index
    %get3A_23 = arith.constant 0 : index
    %get3A_24 = vector.load %arg5[%get3A_22, %get3A_23] : memref<128x128xf32, #tpu.memory_space<vmem>>, vector<128x128xf32>
    %dot_general3A = arith.constant dense<0.000000e+00> : vector<1024x128xf32>
    %dot_general3A_25 = tpu.matmul %add3A_21, %get3A_24, %dot_general3A {dimension_numbers = #tpu.dot_dimension_numbers<[1], [0], [0], [1], [0, 0, 1, 1], [], []>, transpose_lhs_hint = false} : vector<1024x128xf32>, vector<128x128xf32>, vector<1024x128xf32> -> vector<1024x128xf32>
    %get3A_26 = arith.constant 0 : index
    %get3A_27 = arith.constant 0 : index
    %get3A_28 = vector.load %arg3[%get3A_26, %get3A_27] : memref<1024x1xf32, #tpu.memory_space<vmem>>, vector<1024x1xf32>
    %mul3A_29 = vector.broadcast %get3A_28 : vector<1024x1xf32> to vector<1024x128xf32>
    %mul3A_30 = arith.mulf %dot_general3A_25, %mul3A_29 : vector<1024x128xf32>
    %swap3A = arith.constant 0 : index
    %swap3A_31 = arith.constant 0 : index
    %swap3A_32 = vector.load %arg6[%swap3A, %swap3A_31] : memref<1024x128xf32, #tpu.memory_space<vmem>>, vector<1024x128xf32>
    tpu.vector_store %arg6[%swap3A, %swap3A_31], %mul3A_30 {strides = array<i32>} : memref<1024x128xf32, #tpu.memory_space<vmem>>, vector<1024x128xf32>,
    return
  }
  func.func @transform_0(%arg0: i32) -> (i32, i32, i32) {
    %c0_i32 = arith.constant 0 : i32
    %c0_i32_0 = arith.constant 0 : i32
    %c0_i32_1 = arith.constant 0 : i32
    return %c0_i32, %arg0, %c0_i32_0 : i32, i32, i32
  }
  func.func @transform_1(%arg0: i32) -> (i32, i32) {
    %c0_i32 = arith.constant 0 : i32
    %c0_i32_0 = arith.constant 0 : i32
    return %arg0, %c0_i32 : i32, i32
  }
  func.func @transform_2(%arg0: i32) -> (i32, i32) {
    %c0_i32 = arith.constant 0 : i32
    %c0_i32_0 = arith.constant 0 : i32
    return %arg0, %c0_i32 : i32, i32
  }
  func.func @transform_3(%arg0: i32) -> (i32, i32) {
    %c0_i32 = arith.constant 0 : i32
    %c0_i32_0 = arith.constant 0 : i32
    %c0_i32_1 = arith.constant 0 : i32
    return %c0_i32, %c0_i32_0 : i32, i32
  }
  func.func @transform_4(%arg0: i32) -> (i32, i32) {
    %c0_i32 = arith.constant 0 : i32
    %c0_i32_0 = arith.constant 0 : i32
    %c0_i32_1 = arith.constant 0 : i32
    return %c0_i32, %c0_i32_0 : i32, i32
  }
  func.func @transform_5(%arg0: i32) -> (i32, i32) {
    %c0_i32 = arith.constant 0 : i32
    %c0_i32_0 = arith.constant 0 : i32
    return %arg0, %c0_i32 : i32, i32
  }
}

module attributes {stable_mosaic.version = 14 : i64} {
  func.func @_tc_final_body(%arg0: i32, %arg1: memref<2x1024x128xf32, #tpu.memory_space<vmem>>, %arg2: memref<1024x128xf32, #tpu.memory_space<vmem>>, %arg3: memref<1024x1xf32, #tpu.memory_space<vmem>>, %arg4: memref<1x128xf32, #tpu.memory_space<vmem>>, %arg5: memref<1024x128xf32, #tpu.memory_space<vmem>>) attributes {dimension_semantics = [#tpu.dimension_semantics<arbitrary>], iteration_bounds = array<i64: 10>, scalar_prefetch = 0 : i64, scratch_operands = 0 : i64, tpu.core_type = #tpu.core_type<tc>, window_params = [{transform_indices = @transform_0, window_bounds = array<i64: 2, 1024, 128>}, {transform_indices = @transform_1, window_bounds = array<i64: 1024, 128>}, {transform_indices = @transform_2, window_bounds = array<i64: 1024, 1>}, {pipeline_mode = #tpu.pipeline_mode<synchronous>, transform_indices = @transform_3, window_bounds = array<i64: 1, 128>}, {transform_indices = @transform_4, window_bounds = array<i64: 1024, 128>}]} {
    %get3A = arith.constant 0 : index
    %get3A_0 = arith.constant 0 : index
    %get3A_1 = arith.constant 0 : index
    %get3A_2 = vector.load %arg1[%get3A, %get3A_0, %get3A_1] : memref<2x1024x128xf32, #tpu.memory_space<vmem>>, vector<1x1024x128xf32>
    %get3A_3 = vector.shape_cast %get3A_2 : vector<1x1024x128xf32> to vector<1024x128xf32>
    %get3A_4 = arith.constant 1 : index
    %get3A_5 = arith.constant 0 : index
    %get3A_6 = arith.constant 0 : index
    %get3A_7 = vector.load %arg1[%get3A_4, %get3A_5, %get3A_6] : memref<2x1024x128xf32, #tpu.memory_space<vmem>>, vector<1x1024x128xf32>
    %get3A_8 = vector.shape_cast %get3A_7 : vector<1x1024x128xf32> to vector<1024x128xf32>
    %add3A = arith.addf %get3A_3, %get3A_8 : vector<1024x128xf32>
    %get3A_9 = arith.constant 0 : index
    %get3A_10 = arith.constant 0 : index
    %get3A_11 = vector.load %arg2[%get3A_9, %get3A_10] : memref<1024x128xf32, #tpu.memory_space<vmem>>, vector<1024x128xf32>
    %add3A_12 = arith.addf %add3A, %get3A_11 : vector<1024x128xf32>
    %get3A_13 = arith.constant 0 : index
    %get3A_14 = arith.constant 0 : index
    %get3A_15 = vector.load %arg3[%get3A_13, %get3A_14] : memref<1024x1xf32, #tpu.memory_space<vmem>>, vector<1024x1xf32>
    %mul3A = vector.broadcast %get3A_15 : vector<1024x1xf32> to vector<1024x128xf32>
    %mul3A_16 = arith.mulf %add3A_12, %mul3A : vector<1024x128xf32>
    %get3A_17 = arith.constant 0 : index
    %get3A_18 = arith.constant 0 : index
    %get3A_19 = vector.load %arg4[%get3A_17, %get3A_18] : memref<1x128xf32, #tpu.memory_space<vmem>>, vector<1x128xf32>
    %add3A_20 = vector.broadcast %get3A_19 : vector<1x128xf32> to vector<1024x128xf32>
    %add3A_21 = arith.addf %mul3A_16, %add3A_20 : vector<1024x128xf32>
    %reduce_max3A = arith.constant dense<0xFF800000> : vector<1024xf32>
    %reduce_max3A_22 = vector.multi_reduction <maximumf>, %add3A_21, %reduce_max3A [1] : vector<1024x128xf32> to vector<1024xf32>
    %broadcast_in_dim3A = vector.shape_cast %reduce_max3A_22 : vector<1024xf32> to vector<1024x1xf32>
    %sub3A = vector.broadcast %broadcast_in_dim3A : vector<1024x1xf32> to vector<1024x128xf32>
    %sub3A_23 = arith.subf %add3A_21, %sub3A : vector<1024x128xf32>
    %exp3A = math.exp %sub3A_23 : vector<1024x128xf32>
    %reduce_sum3A = arith.constant dense<0.000000e+00> : vector<1024xf32>
    %reduce_sum3A_24 = vector.multi_reduction <add>, %exp3A, %reduce_sum3A [1] : vector<1024x128xf32> to vector<1024xf32>
    %broadcast_in_dim3A_25 = vector.shape_cast %reduce_sum3A_24 : vector<1024xf32> to vector<1024x1xf32>
    %log3A = math.log %broadcast_in_dim3A_25 : vector<1024x1xf32>
    %add3A_26 = arith.addf %log3A, %broadcast_in_dim3A : vector<1024x1xf32>
    %sub3A_27 = vector.broadcast %add3A_26 : vector<1024x1xf32> to vector<1024x128xf32>
    %sub3A_28 = arith.subf %add3A_21, %sub3A_27 : vector<1024x128xf32>
    %swap3A = arith.constant 0 : index
    %swap3A_29 = arith.constant 0 : index
    %swap3A_30 = vector.load %arg5[%swap3A, %swap3A_29] : memref<1024x128xf32, #tpu.memory_space<vmem>>, vector<1024x128xf32>
    tpu.vector_store %arg5[%swap3A, %swap3A_29], %sub3A_28 {strides = array<i32>} : memref<1024x128xf32, #tpu.memory_space<vmem>>, vector<1024x128xf32>,
    return
  }
  func.func @transform_0(%arg0: i32) -> (i32, i32, i32) {
    %c0_i32 = arith.constant 0 : i32
    %c0_i32_0 = arith.constant 0 : i32
    %c0_i32_1 = arith.constant 0 : i32
    return %c0_i32, %arg0, %c0_i32_0 : i32, i32, i32
  }
  func.func @transform_1(%arg0: i32) -> (i32, i32) {
    %c0_i32 = arith.constant 0 : i32
    %c0_i32_0 = arith.constant 0 : i32
    return %arg0, %c0_i32 : i32, i32
  }
  func.func @transform_2(%arg0: i32) -> (i32, i32) {
    %c0_i32 = arith.constant 0 : i32
    %c0_i32_0 = arith.constant 0 : i32
    return %arg0, %c0_i32 : i32, i32
  }
  func.func @transform_3(%arg0: i32) -> (i32, i32) {
    %c0_i32 = arith.constant 0 : i32
    %c0_i32_0 = arith.constant 0 : i32
    %c0_i32_1 = arith.constant 0 : i32
    return %c0_i32, %c0_i32_0 : i32, i32
  }
  func.func @transform_4(%arg0: i32) -> (i32, i32) {
    %c0_i32 = arith.constant 0 : i32
    %c0_i32_0 = arith.constant 0 : i32
    return %arg0, %c0_i32 : i32, i32
  }
}

</mosaic_0001>

<sc_bundles>
// kernel: kernel.11.cloned.1.call-start
scs
__scs_entry_jumppad:
0x0: {  	(pc) =	sbr.rel $0x88, $3  }
0x1: {  	(tag) =	ssettag $0x0;
	lr =	simm.s32 $0x1  }
0x2: {  	[smem:$0x3F9B] =	sst lr;
	_ =	strace $0xD0000000  }
0x3: {  	_ = 	snop  }
0x4: {  	_ = 	snop  }
0x5: {  	_ = 	snop  }
0x6: {  	_ = 	snop  }
0x7: {  	_ = 	snop  }
__scs_overlays_trampoline_lowered:
0x8: {  	[smem:$0x3FAA] =	sst s0  }
0x9: {  	[smem:$0x3FAB] =	sst s1  }
0xa: {  	[smem:$0x3FAC] =	sst s2  }
0xb: {  	[smem:$0x3FAD] =	sst s3  }
0xc: {  	[smem:$0x3FAE] =	sst s4  }
0xd: {  	[smem:$0x3FAF] =	sst s5  }
0xe: {  	[smem:$0x3FB0] =	sst s6  }
0xf: {  	[smem:$0x3FB1] =	sst s7  }
0x10: {  	[smem:$0x3FB2] =	sst s8  }
0x11: {  	[smem:$0x3FB3] =	sst s9;
	s0 =	simm.s32 @!p0 $0x0  }
0x12: {  	s1 =	sld [smem:$0x3F99];
	s0 =	simm.s32 @p0 $0x1  }
0x13: {  	[smem:$0x3FB4] =	sst s0;
	s0 =	simm.s32 @!p1 $0x0  }
0x14: {  	s2 =	sld [smem:$0x3F98];
	s0 =	simm.s32 @p1 $0x1  }
0x15: {  	[smem:$0x3FB5] =	sst s0;
	s0 =	simm.s32 @!p2 $0x0  }
0x16: {  	s3 =	sld [smem:$0x3FDB];
	s0 =	simm.s32 @p2 $0x1  }
0x17: {  	s4 =	simm.s32 $0x1BF5;
	[smem:$0x3FB7] =	sst s0  }
0x18: {  	s0 =	sld [smem:$0x3F9A];
	_ =	swait.ge [sflag:s4], $0x0  }
0x19: {  	s7 =	sld [smem:$0x3F9B]  }
0x1a: {  	s8 =	sadd.s32 $0xFFFFE003, lr  }
0x1b: {  	s9 =	sadd.s32 $0xFFFFFEF7, lr;
	s5 =	simm.s32 $0xFFFFFFFF;
	p2 =	slt.u32 s8, $0xFFFFF086  }
0x1c: {  	p1 =	slt.u32 s9, $0xF7A;
	s5 =	simm.s32 @!p2 $0x0  }
0x1d: {  	s5 =	simm.s32 @p1 $0x1;
	p0 =	seq.s32 s7, s2  }
0x1e: {  	s7 =	smul.u32 @!p0 $0xF7A, s2;
	p2 =	seq.s32 @!p0 s5, $0x0  }
0x1f: {  	s9 =	smul.u32 $0xF7A, s1;
	s8 =	simm.s32 @!p0 $0x1BF5;
	p2 =	por !p2, p0  }
0x20: {  	[sflag:s8] =	ssyncset.s32 @!p0 $0xFFFFF086;
	s6 =	sadd.s32 @!p0 s3, s7;
	s7 =	simm.s32 @!p0 $0x108  }
0x21: {  	s3 =	sadd.s32 s3, s9;
	s6 =	sadd.s32 @!p0 $0x88, s6;
	s7 =	simm.s32 @p2 $0x1082  }
0x22: {  	[simem:s7], [sflag:s8] =	dma.local @!p0 [hbm:s6], $0xF7A  }
0x23: {  	s9 =	sor.u32 $0xD0000000, s2;
	s6 =	simm.s32 $0x108;
	_ =	swait.ge @!p0 [sflag:s8], $0x0  }
0x24: {  	s3 =	sadd.s32 $0x88, s3;
	s6 =	simm.s32 @!p1 $0x1082;
	[sflag:s4] =	ssyncset.s32 $0xFFFFF086  }
0x25: {  	[simem:s6], [sflag:s4] =	dma.local [hbm:s3], $0xF7A  }
0x26: {  	[smem:$0x3F9B] =	sst s1;
	(tag) =	ssettag s2;
	_ =	strace s9  }
0x27: {  	s1 =	sld [smem:$0x3FAB]  }
0x28: {  	s2 =	sld [smem:$0x3FAC]  }
0x29: {  	s4 =	sld [smem:$0x3FAE]  }
0x2a: {  	p0 =	seq.s32 s5, $0x0;
	s5 =	sld [smem:$0x3FAF]  }
0x2b: {  	s6 =	sld [smem:$0x3FB0]  }
0x2c: {  	s7 =	sld [smem:$0x3FB1]  }
0x2d: {  	s3 =	simm.s32 $0x108;
	s8 =	sld [smem:$0x3FB2]  }
0x2e: {  	s3 =	simm.s32 @!p0 $0x1082;
	s9 =	sld [smem:$0x3FB3]  }
0x2f: {  	lr =	sadd.s32 s0, s3;
	s0 =	sld [smem:$0x3FAA]  }
0x30: {  	s3 =	sld [smem:$0x3FAD]  }
0x31: {  	[smem:$0x3FB6] =	sst s10  }
0x32: {  	s10 =	sld [smem:$0x3FB4];
	_ =	sdelay $0x3  }
0x33: {  	p0 =	seq.s32 s10, $0x1;
	s10 =	sld [smem:$0x3FB6];
	_ =	sdelay $0x3  }
0x34: {  	[smem:$0x3FB6] =	sst s10  }
0x35: {  	s10 =	sld [smem:$0x3FB5];
	_ =	sdelay $0x3  }
0x36: {  	p1 =	seq.s32 s10, $0x1;
	s10 =	sld [smem:$0x3FB6];
	_ =	sdelay $0x3  }
0x37: {  	[smem:$0x3FB6] =	sst s10  }
0x38: {  	s10 =	sld [smem:$0x3FB7]  }
0x39: {  	_ = 	snop;
	(pc) =	sbr.ind lr, $3  }
0x3a: {  	_ = 	snop  }
0x3b: {  	_ = 	snop  }
0x3c: {  	p2 =	seq.s32 s10, $0x1;
	s10 =	sld [smem:$0x3FB6]  }
0x3d: {  	_ =	shalt  }
0x3e: {  	_ =	shalt  }
0x3f: {  	_ =	shalt  }
0x40: {  	_ =	shalt  }
0x41: {  	_ =	shalt  }
0x42: {  	_ =	shalt  }
0x43: {  	_ =	shalt  }
0x44: {  	_ =	shalt  }
0x45: {  	_ =	shalt  }
0x46: {  	_ =	shalt  }
0x47: {  	_ =	shalt  }
0x48: {  	_ =	shalt  }
0x49: {  	_ =	shalt  }
0x4a: {  	_ =	shalt  }
0x4b: {  	_ =	shalt  }
0x4c: {  	_ =	shalt  }
0x4d: {  	_ =	shalt  }
0x4e: {  	_ =	shalt  }
0x4f: {  	_ =	shalt  }
0x50: {  	_ =	shalt  }
0x51: {  	_ =	shalt  }
0x52: {  	_ =	shalt  }
0x53: {  	_ =	shalt  }
0x54: {  	_ =	shalt  }
0x55: {  	_ =	shalt  }
0x56: {  	_ =	shalt  }
0x57: {  	_ =	shalt  }
0x58: {  	_ =	shalt  }
0x59: {  	_ =	shalt  }
0x5a: {  	_ =	shalt  }
0x5b: {  	_ =	shalt  }
0x5c: {  	_ =	shalt  }
0x5d: {  	_ =	shalt  }
0x5e: {  	_ =	shalt  }
0x5f: {  	_ =	shalt  }
0x60: {  	_ =	shalt  }
0x61: {  	_ =	shalt  }
0x62: {  	_ =	shalt  }
0x63: {  	_ =	shalt  }
0x64: {  	_ =	shalt  }
0x65: {  	_ =	shalt  }
0x66: {  	_ =	shalt  }
0x67: {  	_ =	shalt  }
0x68: {  	_ =	shalt  }
0x69: {  	_ =	shalt  }
0x6a: {  	_ =	shalt  }
0x6b: {  	_ =	shalt  }
0x6c: {  	_ =	shalt  }
0x6d: {  	_ =	shalt  }
0x6e: {  	_ =	shalt  }
0x6f: {  	_ =	shalt  }
0x70: {  	_ =	shalt  }
0x71: {  	_ =	shalt  }
0x72: {  	_ =	shalt  }
0x73: {  	_ =	shalt  }
0x74: {  	_ =	shalt  }
0x75: {  	_ =	shalt  }
0x76: {  	_ =	shalt  }
0x77: {  	_ =	shalt  }
0x78: {  	_ =	shalt  }
0x79: {  	_ =	shalt  }
0x7a: {  	_ =	shalt  }
0x7b: {  	_ =	shalt  }
0x7c: {  	_ =	shalt  }
0x7d: {  	_ =	shalt  }
0x7e: {  	_ =	shalt  }
0x7f: {  	_ =	shalt  }
0x80: {  	_ =	shalt  }
0x81: {  	_ =	shalt  }
0x82: {  	_ =	shalt  }
0x83: {  	_ =	shalt  }
0x84: {  	_ =	shalt  }
0x85: {  	_ =	shalt  }
0x86: {  	_ =	shalt  }
0x87: {  	_ =	shalt  }
.Lfunc_end0:
.L_simem_size_0:
called_computation.1_lowered:
.L_overlay_start_0:
0x88: {  	s2 =	sld [smem:$0x3FD9]  }
0x89: {  	s3 =	sld [smem:$0x3FFE];
	_ =	sdelay $0x1  }
0x8a: {  	s1 =	srdreg.scid  }
0x8b: {  	s0 =	sand.u32 $0x1, s1  }
0x8c: {  	s17 =	sshll.u32 s0, $0xA;
	s2 =	sadd.s32 s3, s2  }
0x8d: {  	s2 =	sadd.s32 s2, s17  }
0x8e: {  	[smem:$0x3FC2] =	sst s2  }
0x8f: {  	_ = 	snop  }
0x90: {  	s2 =	sld [smem:$0x3FD0];
	(tm) =	ssettm $0x1  }
0x91: {  	s18 =	sld [smem:$0x3FFB];
	_ =	sdelay $0x3  }
0x92: {  	_ =	strace s18  }
0x93: {  	s3 =	sld [smem:$0x3FFC];
	_ =	sdelay $0x3  }
0x94: {  	_ =	strace s3  }
0x95: {  	s3 =	sld [smem:$0x3FFD];
	_ =	sdelay $0x3  }
0x96: {  	_ =	strace s3  }
0x97: {  	_ =	strace $0x8FFFFFFF  }
0x98: {  	s19 =	sld [smem:$0x3FDB];
	_ =	sdelay $0x1  }
0x99: {  	s4 =	simm.s32 $_scs_section_size  }
0x9a: {  	s5 =	simm.s32 $_size__tile_overlayer_lowered;
	s6 =	simm.s32 $_tile_overlayer_lowered  }
0x9b: {  	s22 =	simm.s32 $0x1BFF;
	s21 =	sshll.u32 s6, $0x1;
	s3 =	sadd.s32 s4, s19  }
0x9c: {  	s7 =	simm.s32 $0x0;
	s20 =	sshll.u32 s5, $0x1;
	s5 =	sadd.s32 s21, s3  }
0x9d: {  	[timem:s7], [sflag:s22] =	dma.local [hbm:s5], s20  }
0x9e: {  	_ =	swait.ge [sflag:s22], s20  }
0x9f: {  	s4 =	ssub.s32 $0x0, s20;
	[sflag:s22] =	ssyncset.done $0x0  }
0xa0: {  	[sflag:s22] =	ssyncadd.s32 s4;
	_ =	sdelay $0x1  }
0xa1: {  	s23 =	simm.s32 $0x1B8B  }
0xa2: {  	_ =	swait.ge [sflag:s23], $0x1  }
0xa3: {  	[sflag:s23] =	ssyncset.done $0x0  }
0xa4: {  	s25 =	simm.s32 $0x1B8E;
	s24 =	sld [smem:$0x3FFE];
	[sflag:s23] =	ssyncadd.s32 $0xFFFFFFFF  }
0xa5: {  	s26 =	simm.s32 $execute0_lowered;
	[smem:$0x3FD2] =	sst s25  }
0xa6: {  	s5 =	sshll.u32 s26, $0x1;
	_ =	strace $0x80000049;
	[dreg:$0x1] =	wrdreg $0xFFFFFFFF  }
0xa7: {  	s28 =	simm.s32 $_size_execute0_lowered;
	s3 =	sadd.s32 s3, s5;
	[dreg:$0x0] =	wrdreg $0x0  }
0xa8: {  	s5 =	sshll.u32 s28, $0x1;
	[dreg:$0x2] =	wrdreg s3  }
0xa9: {  	[dreg:$0x3] =	wrdreg s5  }
0xaa: {  	[dreg:$0x4] =	wrdreg $0xC0  }
0xab: {  	_ =	task [dreg:s7], $0x5FFFF  }
0xac: {  	[dreg:$0x1] =	wrdreg $0xFFFFFFFF  }
0xad: {  	[dreg:$0x0] =	wrdreg $0x60  }
0xae: {  	[dreg:$0x2] =	wrdreg s2  }
0xaf: {  	[dreg:$0x3] =	wrdreg s24  }
0xb0: {  	[dreg:$0x4] =	wrdreg $0xA8000  }
0xb1: {  	[dreg:$0x5] =	wrdreg $0x9  }
0xb2: {  	_ =	task.clear_ibuf [dreg:s7], $0x6FFFF;
	_ =	strace $0x90000049  }
0xb3: {  	s29 =	simm.s32 $0x9;
	_ =	strace $0x8000004B  }
0xb4: {  	_ =	swait.ge [sflag:s29], $0x1  }
0xb5: {  	[sflag:s29] =	ssyncadd.s32 $0xFFFFFFFF  }
0xb6: {  	_ =	strace $0x9000004B  }
0xb7: {  	_ =	sfence  }
0xb8: {  	s30 =	sld [smem:$0x0];
	_ =	sdelay $0x2  }
0xb9: {  	s31 =	sshll.u32 s1, $0xD;
	s1 =	sshrl.u32 s1, $0x2  }
0xba: {  	s3 =	sand.u32 $0x4000, s31;
	s1 =	sadd.s32 s1, s30  }
0xbb: {  	s0 =	sor.u32 s3, s0;
	s1 =	sshll.u32 s1, $0x11  }
0xbc: {  	s0 =	sor.u32 s1, s0  }
0xbd: {  	s0 =	sadd.s32 $0x8F2B, s0  }
0xbe: {  	[sflag:s0] =	ssyncadd.remote.s32 $0x1  }
0xbf: {  	_ =	sfence.sel $0xFFFF  }
0xc0: {  	[dreg:$0x0] =	wrdreg $0xFFFFFFFF;
	(pc) =	sbr.abs _section_cstart, $3  }
0xc1: {  	[dreg:$0x1] =	wrdreg $0xFFFFFFFF  }
0xc2: {  	_ =	task.clear_ibuf [dreg:s7], $0x2FFFF;
	_ =	strace $0x9FFFFFFF  }
0xc3: {  	(tm) =	ssettm $0x7FFFFFFF  }
tec
execute0_lowered:
.L_overlay_start_1:
0x0: {  	(tag) =	ssettag $0x1  }
0x1: {  	s0 =	srdreg.scid  }
0x2: {  	s2 =	rddreg [dreg:$0x1];
	s9 =	stileid.u32  }
0x3: {  	s1 =	simm.s32 $0x0;
	s31 =	rddreg [dreg:$0x0];
	s4 =	smul.u32 $0x14000, s9  }
0x4: {  	s0 =	sand.u32 $0x1, s0;
	s5 =	sshll.u32 s9, $0x1;
	s30 =	smul.u32 $0x5000, s9  }
0x5: {  	[smem:$0x7FF] =	sst s1;
	s1 =	sadd.s32 $0xC800, s2;
	s3 =	smul.u32 $0x140000, s0  }
0x6: {  	s5 =	sor.u32 s0, s5;
	s6 =	ssub.s32 $0x2, s0;
	s0 =	smul.u32 $0x2800, s0  }
0x7: {  	s5 =	smul.u32 $0x2800, s5;
	s8 =	sshrl.u32 s6, $0x1;
	s4 =	sadd.s32 s4, s3  }
0x8: {  	s3 =	sadd.s32 $0x2800, s2;
	s6 =	ssub.s32 s6, s8;
	s0 =	sadd.s32 s0, s30  }
0x9: {  	s4 =	sshrl.u32 s4, $0x3;
	s20 =	sshrl.u32 s5, $0x3;
	s17 =	sor.u32 $0x4B0, s0  }
0xa: {  	s30 =	sor.u32 $0x320, s0;
	s7 =	sadd.s32 s4, s2;
	s21 =	sadd.s32 s1, s20  }
0xb: {  	s22 =	sadd.s32 s3, s20;
	s23 =	sor.u32 $0xA, s20;
	[dreg:$0x4] =	wrdreg s21  }
0xc: {  	s25 =	sor.u32 $0x14, s20;
	[dreg:$0x5] =	wrdreg s22;
	s24 =	sadd.s32 s1, s23  }
0xd: {  	s28 =	sor.u32 $0x1E, s20;
	s4 =	sadd.s32 s3, s23;
	[dreg:$0x6] =	wrdreg s24  }
0xe: {  	s11 =	sor.u32 $0x28, s20;
	s26 =	sadd.s32 s1, s25;
	[dreg:$0x7] =	wrdreg s4  }
0xf: {  	s12 =	sor.u32 $0x32, s20;
	s29 =	sadd.s32 s1, s28;
	[dreg:$0x8] =	wrdreg s26  }
0x10: {  	s15 =	sor.u32 $0x3C, s20;
	s10 =	sadd.s32 s1, s11;
	[dreg:$0xa] =	wrdreg s29  }
0x11: {  	s2 =	sor.u32 $0x46, s20;
	s5 =	sadd.s32 s3, s11;
	[dreg:$0xc] =	wrdreg s10  }
0x12: {  	s20 =	sor.u32 $0x460, s0;
	s13 =	sadd.s32 s1, s12;
	[dreg:$0xd] =	wrdreg s5  }
0x13: {  	s14 =	sadd.s32 s3, s12;
	s16 =	sadd.s32 s1, s15;
	[dreg:$0xe] =	wrdreg s13  }
0x14: {  	s18 =	sadd.s32 s1, s2;
	s2 =	sadd.s32 s3, s2;
	[dreg:$0xf] =	wrdreg s14  }
0x15: {  	s21 =	sor.u32 $0x410, s0;
	s23 =	sor.u32 $0x3C0, s0;
	[dreg:$0x10] =	wrdreg s16  }
0x16: {  	s11 =	sor.u32 $0x2D0, s0;
	s4 =	sadd.s32 s3, s25;
	[dreg:$0x12] =	wrdreg s18  }
0x17: {  	s5 =	sadd.s32 s3, s15;
	[dreg:$0x13] =	wrdreg s2;
	s2 =	sshrl.u32 s20, $0x3  }
0x18: {  	s24 =	sshrl.u32 s23, $0x3;
	s10 =	sshrl.u32 s30, $0x3;
	[dreg:$0x9] =	wrdreg s4  }
0x19: {  	s13 =	sshrl.u32 s11, $0x3;
	s4 =	sadd.s32 s3, s28;
	[dreg:$0x11] =	wrdreg s5  }
0x1a: {  	s15 =	smul.u32 $0x50000, s9;
	s22 =	sadd.s32 s2, s3;
	[dreg:$0xb] =	wrdreg s4  }
0x1b: {  	s20 =	sadd.s32 $0x16800, s7;
	s2 =	sadd.s32 s2, s1;
	[dreg:$0x16] =	wrdreg s22  }
0x1c: {  	s7 =	simm.s32 $0x380;
	s26 =	sadd.s32 s24, s3;
	[dreg:$0x17] =	wrdreg s2  }
0x1d: {  	s9 =	simm.s32 $0x50;
	s12 =	sadd.s32 s10, s3;
	[dreg:$0x1a] =	wrdreg s26  }
0x1e: {  	s11 =	simm.s32 $0x3000;
	s16 =	sadd.s32 s13, s3;
	[dreg:$0x1e] =	wrdreg s12  }
0x1f: {  	s28 =	sor.u32 $0x370, s0;
	s2 =	sadd.s32 s24, s1;
	[smem:$0x7F1] =	sst s16  }
0x20: {  	s4 =	sshrl.u32 s17, $0x3;
	s17 =	sadd.s32 s13, s1;
	[dreg:$0x1b] =	wrdreg s2  }
0x21: {  	s0 =	sor.u32 $0x280, s0;
	s19 =	sadd.s32 s4, s3;
	[smem:$0x7F2] =	sst s17  }
0x22: {  	s29 =	sshrl.u32 s28, $0x3;
	s4 =	sadd.s32 s4, s1;
	[dreg:$0x14] =	wrdreg s19  }
0x23: {  	s14 =	sshrl.u32 s0, $0x3;
	s8 =	sadd.s32 s29, s3;
	[dreg:$0x15] =	wrdreg s4  }
0x24: {  	s16 =	simm.s32 $0x800;
	s2 =	sadd.s32 s29, s1;
	[dreg:$0x1c] =	wrdreg s8  }
0x25: {  	s12 =	simm.s32 $0x5800;
	s18 =	sadd.s32 s14, s3;
	[dreg:$0x1d] =	wrdreg s2  }
0x26: {  	s4 =	sshrl.u32 s21, $0x3;
	s2 =	sadd.s32 s10, s1;
	[smem:$0x7F3] =	sst s18  }
0x27: {  	s13 =	simm.s32 $0x8;
	s25 =	sadd.s32 s4, s3;
	[dreg:$0x1f] =	wrdreg s2  }
0x28: {  	s5 =	sadd.s32 s14, s1;
	s4 =	sadd.s32 s4, s1;
	[dreg:$0x18] =	wrdreg s25  }
0x29: {  	s17 =	simm.s32 $0xD;
	s14 =	simm.s32 $0x1;
	[dreg:$0x19] =	wrdreg s4  }
0x2a: {  	s19 =	sshrl.u32 s15, $0x2;
	s21 =	smax.u32 s6, $0x1;
	s4 =	rddreg [dreg:$0x2]  }
0x2b: {  	s6 =	simm.s32 $0x780;
	_ =	strace $0x8000004A;
	[smem:$0x7F4] =	sst s20  }
0x2c: {  	s8 =	simm.s32 $0x8000;
	s24 =	sadd.s32 s19, s4;
	[smem:$0x7F5] =	sst s21  }
0x2d: {  	s15 =	simm.s32 $0x9;
	s22 =	sadd.s32 $0x2800, s24;
	[smem:$0x7FD] =	sst s24  }
0x2e: {  	s10 =	simm.s32 $0x2;
	s23 =	sadd.s32 $0x5000, s24;
	[smem:$0x7F6] =	sst s22  }
0x2f: {  	s18 =	simm.s32 $0x3;
	s25 =	sadd.s32 $0x7800, s24;
	[smem:$0x7F7] =	sst s23  }
.Ltmp0:
0x30: {  	s26 =	sadd.s32 $0xA000, s24;
	[smem:$0x7F8] =	sst s25;
	(pc) =	sbr.rel .LBB2_1-.Ltmp0, $4  }
0x31: {  	s1 =	simm.s32 $0xA;
	s28 =	sadd.s32 $0xC800, s24;
	[smem:$0x7F9] =	sst s26  }
0x32: {  	s2 =	simm.s32 $0x0;
	s29 =	sadd.s32 $0xF000, s24;
	[smem:$0x7FA] =	sst s28  }
0x33: {  	s19 =	simm.s32 $0xB;
	s30 =	sadd.s32 $0x11800, s24;
	[smem:$0x7FB] =	sst s29  }
0x34: {  	v0 =	vimm.f32 $0.0e+00;
	s20 =	simm.s32 $0x4;
	s21 =	simm.s32 $0xC;
	[smem:$0x7FC] =	sst s30  }
.LBB2_6:
0x35: {  	[bflag:$0x0] =	sbarrier.arrive $0xFFFF  }
0x36: {  	s24 =	sld [smem:$0x7FD]  }
0x37: {  	s0 =	stileid.u32;
	s3 =	sld [smem:$0x7F4]  }
0x38: {  	s0 =	sshll.u32 s0, $0x6  }
0x39: {  	s0 =	sor.u32 $0x1C0D, s0;
	s2 =	sshrl.u32 s24, $0x3  }
0x3a: {  	[hbm:s3], [sflag:s0] =	dma.local [spmem:s2], $0x2800  }
0x3b: {  	_ =	swait.ge [sflag:s17], $0x2800  }
0x3c: {  	s29 =	sld [smem:$0x7F0]  }
0x3d: {  	s30 =	sld [smem:$0x7F5];
	_ =	sdelay $0x1  }
0x3e: {  	s2 =	sadd.s32 $0x1, s29  }
0x3f: {  	p0 =	sne.s32 s2, s30  }
.Ltmp1:
0x40: {  	_ = 	snop;
	(pc) =	sbr.rel @!p0 .LBB2_7-.Ltmp1, $3  }
0x41: {  	_ =	sdelay $0x1  }
0x42: {  	[sflag:s17] =	ssyncset.done $0x0  }
0x43: {  	[sflag:s17] =	ssyncadd.s32 $0xFFFFD800  }
.LBB2_1:
0x44: {  	[smem:$0x7F0] =	sst s2;
	s22 =	simm.s32 $0x70;
	s23 =	simm.s32 $0x3C0  }
.LBB2_2:
0x45: {  	p0 =	sne.s32 s23, $0x9FC0;
	[tilespmem:s22+$0x800] =	vst v0  }
0x46: {  	[tilespmem:s22+$0x790] =	vst v0  }
0x47: {  	[tilespmem:s22+$0x7A0] =	vst v0  }
.Ltmp2:
0x48: {  	[tilespmem:s22+$0x7B0] =	vst v0;
	(pc) =	sbr.rel @p0 .LBB2_2-.Ltmp2, $4  }
0x49: {  	[tilespmem:s22+$0x7C0] =	vst v0  }
0x4a: {  	[tilespmem:s22+$0x7D0] =	vst v0  }
0x4b: {  	[tilespmem:s22+$0x7E0] =	vst v0  }
0x4c: {  	[tilespmem:s22+$0x7F0] =	vst v0;
	s22 =	sshra.s32 s23, $0x2;
	s23 =	sadd.s32 $0x200, s23  }
0x4d: {  	[tilespmem:s22+$0x800] =	vst v0  }
0x4e: {  	[tilespmem:s22+$0x790] =	vst v0  }
0x4f: {  	[tilespmem:s22+$0x7A0] =	vst v0  }
0x50: {  	[tilespmem:s22+$0x7B0] =	vst v0  }
0x51: {  	[tilespmem:s22+$0x7C0] =	vst v0  }
0x52: {  	[tilespmem:s22+$0x7D0] =	vst v0  }
0x53: {  	[tilespmem:s22+$0x7E0] =	vst v0  }
0x54: {  	[tilespmem:s22+$0x7F0] =	vst v0  }
0x55: {  	[spmem:s24] =	stream.linear.scatter [tilespmem:s16], [sflag:$0xD], $0x2800, $0x38;
	[tilespmem:$0x1E800] =	vst v63  }
0x56: {  	_ =	swait.ge [sflag:s17], $0x2800  }
0x57: {  	s0 =	sld [smem:$0x7F6]  }
0x58: {  	[sflag:s17] =	ssyncset.done $0x0  }
0x59: {  	[sflag:s17] =	ssyncadd.s32 $0xFFFFD800  }
0x5a: {  	[spmem:s0] =	stream.linear.scatter [tilespmem:s16], [sflag:$0xD], $0x2800, $0x38;
	[tilespmem:$0x1E800] =	vst v63  }
0x5b: {  	_ =	swait.ge [sflag:s17], $0x2800  }
0x5c: {  	s24 =	sld [smem:$0x7F7]  }
0x5d: {  	[sflag:s17] =	ssyncset.done $0x0  }
0x5e: {  	[sflag:s17] =	ssyncadd.s32 $0xFFFFD800  }
0x5f: {  	[spmem:s24] =	stream.linear.scatter [tilespmem:s16], [sflag:$0xD], $0x2800, $0x38;
	[tilespmem:$0x1E800] =	vst v63  }
0x60: {  	_ =	swait.ge [sflag:s17], $0x2800  }
0x61: {  	s25 =	sld [smem:$0x7F8]  }
0x62: {  	[sflag:s17] =	ssyncset.done $0x0  }
0x63: {  	[sflag:s17] =	ssyncadd.s32 $0xFFFFD800  }
0x64: {  	[spmem:s25] =	stream.linear.scatter [tilespmem:s16], [sflag:$0xD], $0x2800, $0x38;
	[tilespmem:$0x1E800] =	vst v63  }
0x65: {  	_ =	swait.ge [sflag:s17], $0x2800  }
0x66: {  	s26 =	sld [smem:$0x7F9]  }
0x67: {  	[sflag:s17] =	ssyncset.done $0x0  }
0x68: {  	[sflag:s17] =	ssyncadd.s32 $0xFFFFD800  }
0x69: {  	[spmem:s26] =	stream.linear.scatter [tilespmem:s16], [sflag:$0xD], $0x2800, $0x38;
	[tilespmem:$0x1E800] =	vst v63  }
0x6a: {  	_ =	swait.ge [sflag:s17], $0x2800  }
0x6b: {  	s28 =	sld [smem:$0x7FA]  }
0x6c: {  	[sflag:s17] =	ssyncset.done $0x0  }
0x6d: {  	[sflag:s17] =	ssyncadd.s32 $0xFFFFD800  }
0x6e: {  	[spmem:s28] =	stream.linear.scatter [tilespmem:s16], [sflag:$0xD], $0x2800, $0x38;
	[tilespmem:$0x1E800] =	vst v63  }
0x6f: {  	_ =	swait.ge [sflag:s17], $0x2800  }
0x70: {  	s29 =	sld [smem:$0x7FB]  }
0x71: {  	[sflag:s17] =	ssyncset.done $0x0  }
0x72: {  	[sflag:s17] =	ssyncadd.s32 $0xFFFFD800  }
0x73: {  	[spmem:s29] =	stream.linear.scatter [tilespmem:s16], [sflag:$0xD], $0x2800, $0x38;
	[tilespmem:$0x1E800] =	vst v63  }
0x74: {  	_ =	swait.ge [sflag:s17], $0x2800  }
0x75: {  	s30 =	sld [smem:$0x7FC]  }
0x76: {  	[sflag:s17] =	ssyncset.done $0x0  }
0x77: {  	[sflag:s17] =	ssyncadd.s32 $0xFFFFD800  }
0x78: {  	[spmem:s30] =	stream.linear.scatter [tilespmem:s16], [sflag:$0xD], $0x2800, $0x38;
	[tilespmem:$0x1E800] =	vst v63  }
0x79: {  	_ =	swait.ge [sflag:s17], $0x2800  }
0x7a: {  	[sflag:s17] =	ssyncset.done $0x0  }
0x7b: {  	[sflag:s17] =	ssyncadd.s32 $0xFFFFD800  }
0x7c: {  	[bflag:$0x0] =	sbarrier.arrive $0xFFFF  }
0x7d: {  	s22 =	simm.s32 $0x0;
	s2 =	rddreg [dreg:$0x4]  }
0x7e: {  	[tilespmem:s22], [sflag:$0x5] =	stream.linear.gather [hbm4b:s2+s22], $0x50, $0x38;
	[tilespmem:$0x1E800] =	vst v63  }
0x7f: {  	s3 =	rddreg [dreg:$0x5];
	s2 =	simm.s32 $0x400  }
0x80: {  	[tilespmem:s2], [sflag:$0x5] =	stream.linear.gather [hbm4b:s3+s22], $0x50, $0x38;
	[tilespmem:$0x1E800] =	vst v63  }
0x81: {  	s23 =	rddreg [dreg:$0x6];
	s2 =	simm.s32 $0x80  }
0x82: {  	[tilespmem:s2], [sflag:$0x6] =	stream.linear.gather [hbm4b:s23+s22], $0x50, $0x38;
	[tilespmem:$0x1E800] =	vst v63  }
0x83: {  	s24 =	rddreg [dreg:$0x7];
	s3 =	simm.s32 $0x480  }
0x84: {  	[tilespmem:s3], [sflag:$0x6] =	stream.linear.gather [hbm4b:s24+s22], $0x50, $0x38;
	[tilespmem:$0x1E800] =	vst v63  }
0x85: {  	s25 =	rddreg [dreg:$0x8];
	s3 =	simm.s32 $0x100  }
0x86: {  	[tilespmem:s3], [sflag:$0x7] =	stream.linear.gather [hbm4b:s25+s22], $0x50, $0x38;
	[tilespmem:$0x1E800] =	vst v63  }
0x87: {  	s26 =	rddreg [dreg:$0x9];
	s23 =	simm.s32 $0x500  }
0x88: {  	[tilespmem:s23], [sflag:$0x7] =	stream.linear.gather [hbm4b:s26+s22], $0x50, $0x38;
	[tilespmem:$0x1E800] =	vst v63  }
0x89: {  	s28 =	rddreg [dreg:$0xa];
	s23 =	simm.s32 $0x180  }
0x8a: {  	[tilespmem:s23], [sflag:$0x8] =	stream.linear.gather [hbm4b:s28+s22], $0x50, $0x38;
	[tilespmem:$0x1E800] =	vst v63  }
0x8b: {  	s30 =	simm.s32 $0x580;
	s29 =	rddreg [dreg:$0xb]  }
0x8c: {  	[tilespmem:s30], [sflag:$0x8] =	stream.linear.gather [hbm4b:s29+s22], $0x50, $0x38;
	[tilespmem:$0x1E800] =	vst v63  }
0x8d: {  	s24 =	rddreg [dreg:$0xc];
	s25 =	simm.s32 $0x200  }
0x8e: {  	[tilespmem:s25], [sflag:$0x9] =	stream.linear.gather [hbm4b:s24+s22], $0x50, $0x38;
	[tilespmem:$0x1E800] =	vst v63  }
0x8f: {  	s26 =	rddreg [dreg:$0xd];
	s28 =	simm.s32 $0x600  }
0x90: {  	[tilespmem:s28], [sflag:$0x9] =	stream.linear.gather [hbm4b:s26+s22], $0x50, $0x38;
	[tilespmem:$0x1E800] =	vst v63  }
0x91: {  	s29 =	rddreg [dreg:$0xe];
	s30 =	simm.s32 $0x280  }
0x92: {  	[tilespmem:s30], [sflag:$0xA] =	stream.linear.gather [hbm4b:s29+s22], $0x50, $0x38;
	[tilespmem:$0x1E800] =	vst v63  }
0x93: {  	s24 =	rddreg [dreg:$0xf];
	s25 =	simm.s32 $0x680  }
0x94: {  	[tilespmem:s25], [sflag:$0xA] =	stream.linear.gather [hbm4b:s24+s22], $0x50, $0x38;
	[tilespmem:$0x1E800] =	vst v63  }
0x95: {  	s26 =	rddreg [dreg:$0x10];
	s28 =	simm.s32 $0x300  }
0x96: {  	[tilespmem:s28], [sflag:$0xB] =	stream.linear.gather [hbm4b:s26+s22], $0x50, $0x38;
	[tilespmem:$0x1E800] =	vst v63  }
0x97: {  	s29 =	rddreg [dreg:$0x11];
	s30 =	simm.s32 $0x700  }
0x98: {  	[tilespmem:s30], [sflag:$0xB] =	stream.linear.gather [hbm4b:s29+s22], $0x50, $0x38;
	[tilespmem:$0x1E800] =	vst v63  }
0x99: {  	s25 =	rddreg [dreg:$0x12]  }
0x9a: {  	[tilespmem:s7], [sflag:$0xC] =	stream.linear.gather [hbm4b:s25+s22], $0x50, $0x38;
	[tilespmem:$0x1E800] =	vst v63  }
0x9b: {  	s26 =	rddreg [dreg:$0x13];
	s28 =	simm.s32 $0x5  }
0x9c: {  	[tilespmem:s6], [sflag:$0xC] =	stream.linear.gather [hbm4b:s26+s22], $0x50, $0x38;
	[tilespmem:$0x1E800] =	vst v63  }
0x9d: {  	_ =	swait.ge [sflag:s28], $0x50  }
0x9e: {  	[sflag:s28] =	ssyncset.done $0x0  }
0x9f: {  	[sflag:s28] =	ssyncadd.s32 $0xFFFFFFB0  }
0xa0: {  	_ =	swait.ge [sflag:s28], $0x50  }
0xa1: {  	[sflag:s28] =	ssyncset.done $0x0  }
0xa2: {  	s29 =	simm.s32 $0x6;
	[sflag:s28] =	ssyncadd.s32 $0xFFFFFFB0  }
0xa3: {  	[tilespmem:s16], [sflag:$0x1] =	stream.indirect.gather [hbm4b:s31+s9], $0x80, s22, s9, $0xb8;
	[tilespmem:$0x1E800] =	vst v63  }
0xa4: {  	_ =	swait.ge [sflag:s29], $0x50  }
0xa5: {  	[sflag:s29] =	ssyncset.done $0x0  }
0xa6: {  	[sflag:s29] =	ssyncadd.s32 $0xFFFFFFB0  }
0xa7: {  	_ =	swait.ge [sflag:s29], $0x50  }
0xa8: {  	[sflag:s29] =	ssyncset.done $0x0  }
0xa9: {  	s30 =	simm.s32 $0x7;
	[sflag:s29] =	ssyncadd.s32 $0xFFFFFFB0  }
0xaa: {  	[tilespmem:s11], [sflag:$0x2] =	stream.indirect.gather [hbm4b:s31+s9], $0x80, s2, s9, $0xb8;
	[tilespmem:$0x1E800] =	vst v63  }
0xab: {  	_ =	swait.ge [sflag:s30], $0x50  }
0xac: {  	[sflag:s30] =	ssyncset.done $0x0  }
0xad: {  	[sflag:s30] =	ssyncadd.s32 $0xFFFFFFB0  }
0xae: {  	_ =	swait.ge [sflag:s30], $0x50  }
0xaf: {  	[sflag:s30] =	ssyncset.done $0x0  }
0xb0: {  	[sflag:s30] =	ssyncadd.s32 $0xFFFFFFB0  }
0xb1: {  	[tilespmem:s12], [sflag:$0x3] =	stream.indirect.gather [hbm4b:s31+s9], $0x80, s3, s9, $0xb8;
	[tilespmem:$0x1E800] =	vst v63  }
0xb2: {  	_ =	swait.ge [sflag:s13], $0x50  }
0xb3: {  	[sflag:s13] =	ssyncset.done $0x0  }
0xb4: {  	[sflag:s13] =	ssyncadd.s32 $0xFFFFFFB0  }
0xb5: {  	_ =	swait.ge [sflag:s13], $0x50  }
0xb6: {  	[sflag:s13] =	ssyncset.done $0x0  }
0xb7: {  	[sflag:s13] =	ssyncadd.s32 $0xFFFFFFB0  }
0xb8: {  	[tilespmem:s8], [sflag:$0x4] =	stream.indirect.gather [hbm4b:s31+s9], $0x80, s23, s9, $0xb8;
	[tilespmem:$0x1E800] =	vst v63  }
.LBB2_4:
0xb9: {  	_ =	swait.ge [sflag:s14], $0x2800  }
0xba: {  	[sflag:s14] =	ssyncset.done $0x0  }
0xbb: {  	s0 =	simm.s32 $0x400;
	[sflag:s14] =	ssyncadd.s32 $0xFFFFD800  }
0xbc: {  	[spmem:s4] =	stream.indirect.scatter.add.f32 [tilespmem:s16], [sflag:$0xD], $0x80, s0, s9, $0xb8;
	[tilespmem:$0x1E800] =	vst v63  }
0xbd: {  	_ =	swait.ge [sflag:s17], $0x2800  }
0xbe: {  	[sflag:s17] =	ssyncset.done $0x0  }
0xbf: {  	[sflag:s17] =	ssyncadd.s32 $0xFFFFD800  }
0xc0: {  	_ =	swait.ge [sflag:s15], $0x50  }
0xc1: {  	[sflag:s15] =	ssyncset.done $0x0  }
0xc2: {  	[sflag:s15] =	ssyncadd.s32 $0xFFFFFFB0  }
0xc3: {  	_ =	swait.ge [sflag:s15], $0x50  }
0xc4: {  	s23 =	simm.s32 $0x200;
	[sflag:s15] =	ssyncset.done $0x0  }
0xc5: {  	p0 =	seq.s32 s22, $0x4B0;
	s0 =	sld [smem:$0x7F3];
	[sflag:s15] =	ssyncadd.s32 $0xFFFFFFB0  }
0xc6: {  	[tilespmem:s16], [sflag:$0x1] =	stream.indirect.gather [hbm4b:s31+s9], $0x80, s23, s9, $0xb8;
	[tilespmem:$0x1E800] =	vst v63  }
0xc7: {  	s24 =	sadd.s32 @!p0 s22, s5;
	s23 =	simm.s32 @!p0 $0x0  }
0xc8: {  	[tilespmem:s23], [sflag:$0x5] =	stream.linear.gather @!p0 [hbm4b:s24+s23], $0x50, $0x38;
	[tilespmem:$0x1E800] =	vst v63  }
0xc9: {  	s25 =	simm.s32 @!p0 $0x400;
	s24 =	sadd.s32 @!p0 s22, s0  }
0xca: {  	[tilespmem:s25], [sflag:$0x5] =	stream.linear.gather @!p0 [hbm4b:s24+s23], $0x50, $0x38;
	[tilespmem:$0x1E800] =	vst v63  }
0xcb: {  	_ =	swait.ge [sflag:s10], $0x2800  }
0xcc: {  	[sflag:s10] =	ssyncset.done $0x0  }
0xcd: {  	s24 =	simm.s32 $0x480;
	[sflag:s10] =	ssyncadd.s32 $0xFFFFD800  }
0xce: {  	[spmem:s4] =	stream.indirect.scatter.add.f32 [tilespmem:s11], [sflag:$0xD], $0x80, s24, s9, $0xb8;
	[tilespmem:$0x1E800] =	vst v63  }
0xcf: {  	_ =	swait.ge [sflag:s17], $0x2800  }
0xd0: {  	[sflag:s17] =	ssyncset.done $0x0  }
0xd1: {  	[sflag:s17] =	ssyncadd.s32 $0xFFFFD800  }
0xd2: {  	_ =	swait.ge [sflag:s1], $0x50  }
0xd3: {  	[sflag:s1] =	ssyncset.done $0x0  }
0xd4: {  	[sflag:s1] =	ssyncadd.s32 $0xFFFFFFB0  }
0xd5: {  	_ =	swait.ge [sflag:s1], $0x50  }
0xd6: {  	[sflag:s1] =	ssyncset.done $0x0;
	s0 =	sld [smem:$0x7F2]  }
0xd7: {  	s25 =	simm.s32 $0x280;
	[sflag:s1] =	ssyncadd.s32 $0xFFFFFFB0  }
0xd8: {  	[tilespmem:s11], [sflag:$0x2] =	stream.indirect.gather [hbm4b:s31+s9], $0x80, s25, s9, $0xb8;
	[tilespmem:$0x1E800] =	vst v63  }
0xd9: {  	s24 =	sadd.s32 @!p0 s22, s0;
	s0 =	sld [smem:$0x7F1]  }
0xda: {  	s25 =	simm.s32 @!p0 $0x80  }
0xdb: {  	[tilespmem:s25], [sflag:$0x6] =	stream.linear.gather @!p0 [hbm4b:s24+s23], $0x50, $0x38;
	[tilespmem:$0x1E800] =	vst v63  }
0xdc: {  	s26 =	simm.s32 @!p0 $0x480;
	s24 =	sadd.s32 @!p0 s22, s0  }
0xdd: {  	[tilespmem:s26], [sflag:$0x6] =	stream.linear.gather @!p0 [hbm4b:s24+s23], $0x50, $0x38;
	[tilespmem:$0x1E800] =	vst v63  }
0xde: {  	_ =	swait.ge [sflag:s18], $0x2800  }
0xdf: {  	[sflag:s18] =	ssyncset.done $0x0  }
0xe0: {  	s26 =	simm.s32 $0x500;
	[sflag:s18] =	ssyncadd.s32 $0xFFFFD800  }
0xe1: {  	[spmem:s4] =	stream.indirect.scatter.add.f32 [tilespmem:s12], [sflag:$0xD], $0x80, s26, s9, $0xb8;
	[tilespmem:$0x1E800] =	vst v63  }
0xe2: {  	_ =	swait.ge [sflag:s17], $0x2800  }
0xe3: {  	[sflag:s17] =	ssyncset.done $0x0  }
0xe4: {  	[sflag:s17] =	ssyncadd.s32 $0xFFFFD800  }
0xe5: {  	_ =	swait.ge [sflag:s19], $0x50  }
0xe6: {  	[sflag:s19] =	ssyncset.done $0x0  }
0xe7: {  	[sflag:s19] =	ssyncadd.s32 $0xFFFFFFB0  }
0xe8: {  	_ =	swait.ge [sflag:s19], $0x50  }
0xe9: {  	[sflag:s19] =	ssyncset.done $0x0  }
0xea: {  	s28 =	simm.s32 $0x300;
	s0 =	rddreg [dreg:$0x1f];
	[sflag:s19] =	ssyncadd.s32 $0xFFFFFFB0  }
0xeb: {  	[tilespmem:s12], [sflag:$0x3] =	stream.indirect.gather [hbm4b:s31+s9], $0x80, s28, s9, $0xb8;
	[tilespmem:$0x1E800] =	vst v63  }
0xec: {  	s24 =	simm.s32 @!p0 $0x100;
	s26 =	sadd.s32 @!p0 s22, s0;
	s0 =	rddreg [dreg:$0x1e]  }
0xed: {  	[tilespmem:s24], [sflag:$0x7] =	stream.linear.gather @!p0 [hbm4b:s26+s23], $0x50, $0x38;
	[tilespmem:$0x1E800] =	vst v63  }
0xee: {  	s28 =	simm.s32 @!p0 $0x500;
	s26 =	sadd.s32 @!p0 s22, s0  }
0xef: {  	[tilespmem:s28], [sflag:$0x7] =	stream.linear.gather @!p0 [hbm4b:s26+s23], $0x50, $0x38;
	[tilespmem:$0x1E800] =	vst v63  }
0xf0: {  	_ =	swait.ge [sflag:s20], $0x2800  }
0xf1: {  	[sflag:s20] =	ssyncset.done $0x0  }
0xf2: {  	s29 =	simm.s32 $0x580;
	[sflag:s20] =	ssyncadd.s32 $0xFFFFD800  }
0xf3: {  	[spmem:s4] =	stream.indirect.scatter.add.f32 [tilespmem:s8], [sflag:$0xD], $0x80, s29, s9, $0xb8;
	[tilespmem:$0x1E800] =	vst v63  }
0xf4: {  	_ =	swait.ge [sflag:s17], $0x2800  }
0xf5: {  	[sflag:s17] =	ssyncset.done $0x0  }
0xf6: {  	[sflag:s17] =	ssyncadd.s32 $0xFFFFD800  }
0xf7: {  	_ =	swait.ge [sflag:s21], $0x50  }
0xf8: {  	[sflag:s21] =	ssyncset.done $0x0  }
0xf9: {  	[sflag:s21] =	ssyncadd.s32 $0xFFFFFFB0  }
0xfa: {  	_ =	swait.ge [sflag:s21], $0x50  }
0xfb: {  	[sflag:s21] =	ssyncset.done $0x0  }
0xfc: {  	s26 =	simm.s32 @p0 $0x1;
	[sflag:s21] =	ssyncadd.s32 $0xFFFFFFB0  }
0xfd: {  	[tilespmem:s8], [sflag:$0x4] =	stream.indirect.gather [hbm4b:s31+s9], $0x80, s7, s9, $0xb8;
	[tilespmem:$0x1E800] =	vst v63  }
0xfe: {  	_ =	swait.ge @p0 [sflag:s26], $0x2800  }
0xff: {  	s28 =	simm.s32 @p0 $0x50;
	[sflag:s26] =	ssyncset.done @p0 $0x0  }
0x100: {  	s29 =	simm.s32 @p0 $0x800;
	[sflag:s26] =	ssyncadd.s32 @p0 $0xFFFFD800;
	s26 =	simm.s32 @p0 $0x600  }
0x101: {  	[spmem:s4] =	stream.indirect.scatter.add.f32 @p0 [tilespmem:s29], [sflag:$0xD], $0x80, s26, s28, $0xb8;
	[tilespmem:$0x1E800] =	vst v63  }
0x102: {  	s29 =	simm.s32 @p0 $0xD  }
0x103: {  	_ =	swait.ge @p0 [sflag:s29], $0x2800  }
0x104: {  	s30 =	simm.s32 @!p0 $0x180;
	[sflag:s29] =	ssyncset.done @p0 $0x0;
	s0 =	rddreg [dreg:$0x1d]  }
0x105: {  	[sflag:s29] =	ssyncadd.s32 @p0 $0xFFFFD800;
	s26 =	sadd.s32 @!p0 s22, s0;
	s0 =	rddreg [dreg:$0x1c]  }
0x106: {  	[tilespmem:s30], [sflag:$0x8] =	stream.linear.gather @!p0 [hbm4b:s26+s23], $0x50, $0x38;
	[tilespmem:$0x1E800] =	vst v63  }
0x107: {  	s26 =	sadd.s32 @!p0 s22, s0;
	s30 =	simm.s32 @!p0 $0x580  }
0x108: {  	[tilespmem:s30], [sflag:$0x8] =	stream.linear.gather @!p0 [hbm4b:s26+s23], $0x50, $0x38;
	[tilespmem:$0x1E800] =	vst v63  }
0x109: {  	s26 =	simm.s32 @!p0 $0x1  }
0x10a: {  	_ =	swait.ge @!p0 [sflag:s26], $0x2800  }
0x10b: {  	s2 =	simm.s32 @!p0 $0xD;
	s0 =	simm.s32 @!p0 $0x800;
	[sflag:s26] =	ssyncset.done @!p0 $0x0  }
0x10c: {  	s30 =	simm.s32 @!p0 $0x600;
	[sflag:s26] =	ssyncadd.s32 @!p0 $0xFFFFD800;
	s26 =	simm.s32 @!p0 $0x50  }
0x10d: {  	[spmem:s4] =	stream.indirect.scatter.add.f32 @!p0 [tilespmem:s0], [sflag:$0xD], $0x80, s30, s26, $0xb8;
	[tilespmem:$0x1E800] =	vst v63  }
0x10e: {  	_ =	swait.ge @!p0 [sflag:s2], $0x2800  }
0x10f: {  	[sflag:s2] =	ssyncset.done @!p0 $0x0  }
0x110: {  	s3 =	simm.s32 @!p0 $0x5;
	[sflag:s2] =	ssyncadd.s32 @!p0 $0xFFFFD800  }
0x111: {  	_ =	swait.ge @!p0 [sflag:s3], $0x50  }
0x112: {  	[sflag:s3] =	ssyncset.done @!p0 $0x0  }
0x113: {  	[sflag:s3] =	ssyncadd.s32 @!p0 $0xFFFFFFB0  }
0x114: {  	_ =	swait.ge @!p0 [sflag:s3], $0x50  }
0x115: {  	[sflag:s3] =	ssyncset.done @!p0 $0x0  }
0x116: {  	[sflag:s3] =	ssyncadd.s32 @!p0 $0xFFFFFFB0  }
0x117: {  	[tilespmem:s0], [sflag:$0x1] =	stream.indirect.gather @!p0 [hbm4b:s31+s26], $0x80, s23, s26, $0xb8;
	[tilespmem:$0x1E800] =	vst v63  }
0x118: {  	s0 =	rddreg [dreg:$0x1b]  }
0x119: {  	s3 =	simm.s32 @!p0 $0x200;
	s0 =	sadd.s32 @!p0 s22, s0  }
0x11a: {  	[tilespmem:s3], [sflag:$0x9] =	stream.linear.gather @!p0 [hbm4b:s0+s23], $0x50, $0x38;
	[tilespmem:$0x1E800] =	vst v63  }
0x11b: {  	s0 =	rddreg [dreg:$0x1a]  }
0x11c: {  	s0 =	sadd.s32 @!p0 s22, s0  }
0x11d: {  	[tilespmem:s30], [sflag:$0x9] =	stream.linear.gather @!p0 [hbm4b:s0+s23], $0x50, $0x38;
	[tilespmem:$0x1E800] =	vst v63  }
0x11e: {  	_ =	swait.ge [sflag:s10], $0x2800  }
0x11f: {  	[sflag:s10] =	ssyncset.done $0x0  }
0x120: {  	s30 =	simm.s32 $0x680;
	[sflag:s10] =	ssyncadd.s32 $0xFFFFD800  }
0x121: {  	[spmem:s4] =	stream.indirect.scatter.add.f32 [tilespmem:s11], [sflag:$0xD], $0x80, s30, s9, $0xb8;
	[tilespmem:$0x1E800] =	vst v63  }
0x122: {  	_ =	swait.ge [sflag:s17], $0x2800  }
0x123: {  	[sflag:s17] =	ssyncset.done $0x0  }
0x124: {  	s0 =	simm.s32 @p0 $0x3;
	[sflag:s17] =	ssyncadd.s32 $0xFFFFD800  }
0x125: {  	_ =	swait.ge @p0 [sflag:s0], $0x2800  }
0x126: {  	[sflag:s0] =	ssyncset.done @p0 $0x0  }
0x127: {  	s3 =	simm.s32 @p0 $0x5800;
	[sflag:s0] =	ssyncadd.s32 @p0 $0xFFFFD800;
	s0 =	simm.s32 @p0 $0x700  }
0x128: {  	[spmem:s4] =	stream.indirect.scatter.add.f32 @p0 [tilespmem:s3], [sflag:$0xD], $0x80, s0, s28, $0xb8;
	[tilespmem:$0x1E800] =	vst v63  }
0x129: {  	_ =	swait.ge @p0 [sflag:s29], $0x2800  }
0x12a: {  	[sflag:s29] =	ssyncset.done @p0 $0x0  }
0x12b: {  	s0 =	simm.s32 @!p0 $0x6;
	[sflag:s29] =	ssyncadd.s32 @p0 $0xFFFFD800  }
0x12c: {  	_ =	swait.ge @!p0 [sflag:s0], $0x50  }
0x12d: {  	[sflag:s0] =	ssyncset.done @!p0 $0x0  }
0x12e: {  	[sflag:s0] =	ssyncadd.s32 @!p0 $0xFFFFFFB0  }
0x12f: {  	_ =	swait.ge @!p0 [sflag:s0], $0x50  }
0x130: {  	[sflag:s0] =	ssyncset.done @!p0 $0x0  }
0x131: {  	[sflag:s0] =	ssyncadd.s32 @!p0 $0xFFFFFFB0;
	s0 =	simm.s32 @!p0 $0x3000  }
0x132: {  	[tilespmem:s0], [sflag:$0x2] =	stream.indirect.gather @!p0 [hbm4b:s31+s26], $0x80, s25, s26, $0xb8;
	[tilespmem:$0x1E800] =	vst v63  }
0x133: {  	s0 =	rddreg [dreg:$0x19]  }
0x134: {  	s3 =	simm.s32 @!p0 $0x280;
	s0 =	sadd.s32 @!p0 s22, s0  }
0x135: {  	[tilespmem:s3], [sflag:$0xA] =	stream.linear.gather @!p0 [hbm4b:s0+s23], $0x50, $0x38;
	[tilespmem:$0x1E800] =	vst v63  }
0x136: {  	s0 =	rddreg [dreg:$0x18]  }
0x137: {  	s3 =	simm.s32 @!p0 $0x680;
	s0 =	sadd.s32 @!p0 s22, s0  }
0x138: {  	[tilespmem:s3], [sflag:$0xA] =	stream.linear.gather @!p0 [hbm4b:s0+s23], $0x50, $0x38;
	[tilespmem:$0x1E800] =	vst v63  }
0x139: {  	s0 =	simm.s32 @!p0 $0x3  }
0x13a: {  	_ =	swait.ge @!p0 [sflag:s0], $0x2800  }
0x13b: {  	[sflag:s0] =	ssyncset.done @!p0 $0x0  }
0x13c: {  	s3 =	simm.s32 @!p0 $0x5800;
	[sflag:s0] =	ssyncadd.s32 @!p0 $0xFFFFD800;
	s0 =	simm.s32 @!p0 $0x700  }
0x13d: {  	[spmem:s4] =	stream.indirect.scatter.add.f32 @!p0 [tilespmem:s3], [sflag:$0xD], $0x80, s0, s26, $0xb8;
	[tilespmem:$0x1E800] =	vst v63  }
0x13e: {  	_ =	swait.ge @!p0 [sflag:s2], $0x2800  }
0x13f: {  	[sflag:s2] =	ssyncset.done @!p0 $0x0  }
0x140: {  	[sflag:s2] =	ssyncadd.s32 @!p0 $0xFFFFD800;
	s2 =	simm.s32 @!p0 $0x7  }
0x141: {  	_ =	swait.ge @!p0 [sflag:s2], $0x50  }
0x142: {  	[sflag:s2] =	ssyncset.done @!p0 $0x0  }
0x143: {  	[sflag:s2] =	ssyncadd.s32 @!p0 $0xFFFFFFB0  }
0x144: {  	_ =	swait.ge @!p0 [sflag:s2], $0x50  }
0x145: {  	[sflag:s2] =	ssyncset.done @!p0 $0x0  }
0x146: {  	[sflag:s2] =	ssyncadd.s32 @!p0 $0xFFFFFFB0;
	s2 =	rddreg [dreg:$0x17]  }
0x147: {  	[tilespmem:s3], [sflag:$0x3] =	stream.indirect.gather @!p0 [hbm4b:s31+s26], $0x80, s24, s26, $0xb8;
	[tilespmem:$0x1E800] =	vst v63  }
0x148: {  	s2 =	sadd.s32 @!p0 s22, s2;
	s3 =	simm.s32 @!p0 $0x300  }
0x149: {  	[tilespmem:s3], [sflag:$0xB] =	stream.linear.gather @!p0 [hbm4b:s2+s23], $0x50, $0x38;
	[tilespmem:$0x1E800] =	vst v63  }
0x14a: {  	s2 =	rddreg [dreg:$0x16]  }
0x14b: {  	s2 =	sadd.s32 @!p0 s22, s2  }
0x14c: {  	[tilespmem:s0], [sflag:$0xB] =	stream.linear.gather @!p0 [hbm4b:s2+s23], $0x50, $0x38;
	[tilespmem:$0x1E800] =	vst v63  }
0x14d: {  	_ =	swait.ge [sflag:s20], $0x2800  }
0x14e: {  	[sflag:s20] =	ssyncset.done $0x0  }
.Ltmp3:
0x14f: {  	[sflag:s20] =	ssyncadd.s32 $0xFFFFD800;
	(pc) =	sbr.rel @p0 .LBB2_6-.Ltmp3, $4  }
0x150: {  	[spmem:s4] =	stream.indirect.scatter.add.f32 [tilespmem:s8], [sflag:$0xD], $0x80, s6, s9, $0xb8;
	[tilespmem:$0x1E800] =	vst v63  }
0x151: {  	_ =	swait.ge [sflag:s17], $0x2800  }
0x152: {  	[sflag:s17] =	ssyncset.done $0x0  }
0x153: {  	[sflag:s17] =	ssyncadd.s32 $0xFFFFD800  }
0x154: {  	_ =	swait.ge [sflag:s13], $0x50  }
0x155: {  	[sflag:s13] =	ssyncset.done $0x0  }
0x156: {  	[sflag:s13] =	ssyncadd.s32 $0xFFFFFFB0  }
0x157: {  	_ =	swait.ge [sflag:s13], $0x50  }
0x158: {  	[sflag:s13] =	ssyncset.done $0x0  }
0x159: {  	s0 =	simm.s32 $0x180;
	[sflag:s13] =	ssyncadd.s32 $0xFFFFFFB0  }
0x15a: {  	[tilespmem:s8], [sflag:$0x4] =	stream.indirect.gather [hbm4b:s31+s9], $0x80, s0, s9, $0xb8;
	[tilespmem:$0x1E800] =	vst v63  }
.Ltmp4:
0x15b: {  	s29 =	rddreg [dreg:$0x15];
	(pc) =	sbr.rel .LBB2_4-.Ltmp4, $4  }
0x15c: {  	s2 =	simm.s32 $0x0;
	s30 =	rddreg [dreg:$0x14];
	s0 =	sadd.s32 s22, s29  }
0x15d: {  	[tilespmem:s7], [sflag:$0xC] =	stream.linear.gather [hbm4b:s0+s2], $0x50, $0x38;
	[tilespmem:$0x1E800] =	vst v63  }
0x15e: {  	s0 =	sadd.s32 s22, s30;
	s22 =	sadd.s32 $0x50, s22  }
0x15f: {  	[tilespmem:s6], [sflag:$0xC] =	stream.linear.gather [hbm4b:s0+s2], $0x50, $0x38;
	[tilespmem:$0x1E800] =	vst v63  }
.LBB2_7:
0x160: {  	_ =	sfence.sel $0x180000  }
0x161: {  	[bflag:$0x0] =	sbarrier.arrive $0xFFFF  }
0x162: {  	_ =	strace $0x9000004A  }
0x163: {  	s0 =	stileid.u32;
	[bflag:$0x2] =	sbarrier.arrive $0xFFFF  }
0x164: {  	p0 =	sne.s32 s0, $0x0;
	s0 =	rddreg [dreg:$0x3]  }
0x165: {  	s0 =	sadd.s32 @!p0 $0x100000, s0  }
0x166: {  	[sflag:s0] =	ssyncadd.tile.s32 @!p0 $0x1;
	_ =	shalt  }
.Lfunc_end2:
_tile_overlayer_lowered:
.L_overlay_start_2:
0x167: {  	(tag) =	ssettag $0x2  }
0x168: {  	s0 =	rddreg [dreg:$0x0];
	s2 =	stileid.u32  }
0x169: {  	s1 =	rddreg [dreg:$0x1];
	p0 =	sne.s32 s2, $0x0  }
0x16a: {  	s3 =	rddreg [dreg:$0x2];
	[bflag:$0x3] =	sbarrier.arrive $0xFFFF;
	s2 =	simm.s32 @!p0 $0x1C0D  }
0x16b: {  	[timem:s3], [sflag:s2] =	dma.local @!p0 [hbm:s0], s1  }
0x16c: {  	s0 =	simm.s32 @!p0 $0xD  }
0x16d: {  	_ =	swait.ge @!p0 [sflag:s0], s1  }
0x16e: {  	s1 =	ssub.s32 @!p0 $0x0, s1;
	[sflag:s0] =	ssyncset.done @!p0 $0x0  }
0x16f: {  	[sflag:s0] =	ssyncadd.s32 @!p0 s1  }
0x170: {  	[bflag:$0x3] =	sbarrier.arrive $0xFFFF  }
0x171: {  	_ =	shalt  }

// kernel: kernel.14.cloned.1.call-start
scs
__scs_entry_jumppad:
0x0: {  	(pc) =	sbr.rel $0x88, $3  }
0x1: {  	(tag) =	ssettag $0x0;
	lr =	simm.s32 $0x1  }
0x2: {  	[smem:$0x3F9B] =	sst lr;
	_ =	strace $0xD0000000  }
0x3: {  	_ = 	snop  }
0x4: {  	_ = 	snop  }
0x5: {  	_ = 	snop  }
0x6: {  	_ = 	snop  }
0x7: {  	_ = 	snop  }
__scs_overlays_trampoline_lowered:
0x8: {  	[smem:$0x3FAA] =	sst s0  }
0x9: {  	[smem:$0x3FAB] =	sst s1  }
0xa: {  	[smem:$0x3FAC] =	sst s2  }
0xb: {  	[smem:$0x3FAD] =	sst s3  }
0xc: {  	[smem:$0x3FAE] =	sst s4  }
0xd: {  	[smem:$0x3FAF] =	sst s5  }
0xe: {  	[smem:$0x3FB0] =	sst s6  }
0xf: {  	[smem:$0x3FB1] =	sst s7  }
0x10: {  	[smem:$0x3FB2] =	sst s8  }
0x11: {  	[smem:$0x3FB3] =	sst s9;
	s0 =	simm.s32 @!p0 $0x0  }
0x12: {  	s1 =	sld [smem:$0x3F99];
	s0 =	simm.s32 @p0 $0x1  }
0x13: {  	[smem:$0x3FB4] =	sst s0;
	s0 =	simm.s32 @!p1 $0x0  }
0x14: {  	s2 =	sld [smem:$0x3F98];
	s0 =	simm.s32 @p1 $0x1  }
0x15: {  	[smem:$0x3FB5] =	sst s0;
	s0 =	simm.s32 @!p2 $0x0  }
0x16: {  	s3 =	sld [smem:$0x3FDB];
	s0 =	simm.s32 @p2 $0x1  }
0x17: {  	s4 =	simm.s32 $0x1BF5;
	[smem:$0x3FB7] =	sst s0  }
0x18: {  	s0 =	sld [smem:$0x3F9A];
	_ =	swait.ge [sflag:s4], $0x0  }
0x19: {  	s7 =	sld [smem:$0x3F9B]  }
0x1a: {  	s8 =	sadd.s32 $0xFFFFE003, lr  }
0x1b: {  	s9 =	sadd.s32 $0xFFFFFEF7, lr;
	s5 =	simm.s32 $0xFFFFFFFF;
	p2 =	slt.u32 s8, $0xFFFFF086  }
0x1c: {  	p1 =	slt.u32 s9, $0xF7A;
	s5 =	simm.s32 @!p2 $0x0  }
0x1d: {  	s5 =	simm.s32 @p1 $0x1;
	p0 =	seq.s32 s7, s2  }
0x1e: {  	s7 =	smul.u32 @!p0 $0xF7A, s2;
	p2 =	seq.s32 @!p0 s5, $0x0  }
0x1f: {  	s9 =	smul.u32 $0xF7A, s1;
	s8 =	simm.s32 @!p0 $0x1BF5;
	p2 =	por !p2, p0  }
0x20: {  	[sflag:s8] =	ssyncset.s32 @!p0 $0xFFFFF086;
	s6 =	sadd.s32 @!p0 s3, s7;
	s7 =	simm.s32 @!p0 $0x108  }
0x21: {  	s3 =	sadd.s32 s3, s9;
	s6 =	sadd.s32 @!p0 $0x88, s6;
	s7 =	simm.s32 @p2 $0x1082  }
0x22: {  	[simem:s7], [sflag:s8] =	dma.local @!p0 [hbm:s6], $0xF7A  }
0x23: {  	s9 =	sor.u32 $0xD0000000, s2;
	s6 =	simm.s32 $0x108;
	_ =	swait.ge @!p0 [sflag:s8], $0x0  }
0x24: {  	s3 =	sadd.s32 $0x88, s3;
	s6 =	simm.s32 @!p1 $0x1082;
	[sflag:s4] =	ssyncset.s32 $0xFFFFF086  }
0x25: {  	[simem:s6], [sflag:s4] =	dma.local [hbm:s3], $0xF7A  }
0x26: {  	[smem:$0x3F9B] =	sst s1;
	(tag) =	ssettag s2;
	_ =	strace s9  }
0x27: {  	s1 =	sld [smem:$0x3FAB]  }
0x28: {  	s2 =	sld [smem:$0x3FAC]  }
0x29: {  	s4 =	sld [smem:$0x3FAE]  }
0x2a: {  	p0 =	seq.s32 s5, $0x0;
	s5 =	sld [smem:$0x3FAF]  }
0x2b: {  	s6 =	sld [smem:$0x3FB0]  }
0x2c: {  	s7 =	sld [smem:$0x3FB1]  }
0x2d: {  	s3 =	simm.s32 $0x108;
	s8 =	sld [smem:$0x3FB2]  }
0x2e: {  	s3 =	simm.s32 @!p0 $0x1082;
	s9 =	sld [smem:$0x3FB3]  }
0x2f: {  	lr =	sadd.s32 s0, s3;
	s0 =	sld [smem:$0x3FAA]  }
0x30: {  	s3 =	sld [smem:$0x3FAD]  }
0x31: {  	[smem:$0x3FB6] =	sst s10  }
0x32: {  	s10 =	sld [smem:$0x3FB4];
	_ =	sdelay $0x3  }
0x33: {  	p0 =	seq.s32 s10, $0x1;
	s10 =	sld [smem:$0x3FB6];
	_ =	sdelay $0x3  }
0x34: {  	[smem:$0x3FB6] =	sst s10  }
0x35: {  	s10 =	sld [smem:$0x3FB5];
	_ =	sdelay $0x3  }
0x36: {  	p1 =	seq.s32 s10, $0x1;
	s10 =	sld [smem:$0x3FB6];
	_ =	sdelay $0x3  }
0x37: {  	[smem:$0x3FB6] =	sst s10  }
0x38: {  	s10 =	sld [smem:$0x3FB7]  }
0x39: {  	_ = 	snop;
	(pc) =	sbr.ind lr, $3  }
0x3a: {  	_ = 	snop  }
0x3b: {  	_ = 	snop  }
0x3c: {  	p2 =	seq.s32 s10, $0x1;
	s10 =	sld [smem:$0x3FB6]  }
0x3d: {  	_ =	shalt  }
0x3e: {  	_ =	shalt  }
0x3f: {  	_ =	shalt  }
0x40: {  	_ =	shalt  }
0x41: {  	_ =	shalt  }
0x42: {  	_ =	shalt  }
0x43: {  	_ =	shalt  }
0x44: {  	_ =	shalt  }
0x45: {  	_ =	shalt  }
0x46: {  	_ =	shalt  }
0x47: {  	_ =	shalt  }
0x48: {  	_ =	shalt  }
0x49: {  	_ =	shalt  }
0x4a: {  	_ =	shalt  }
0x4b: {  	_ =	shalt  }
0x4c: {  	_ =	shalt  }
0x4d: {  	_ =	shalt  }
0x4e: {  	_ =	shalt  }
0x4f: {  	_ =	shalt  }
0x50: {  	_ =	shalt  }
0x51: {  	_ =	shalt  }
0x52: {  	_ =	shalt  }
0x53: {  	_ =	shalt  }
0x54: {  	_ =	shalt  }
0x55: {  	_ =	shalt  }
0x56: {  	_ =	shalt  }
0x57: {  	_ =	shalt  }
0x58: {  	_ =	shalt  }
0x59: {  	_ =	shalt  }
0x5a: {  	_ =	shalt  }
0x5b: {  	_ =	shalt  }
0x5c: {  	_ =	shalt  }
0x5d: {  	_ =	shalt  }
0x5e: {  	_ =	shalt  }
0x5f: {  	_ =	shalt  }
0x60: {  	_ =	shalt  }
0x61: {  	_ =	shalt  }
0x62: {  	_ =	shalt  }
0x63: {  	_ =	shalt  }
0x64: {  	_ =	shalt  }
0x65: {  	_ =	shalt  }
0x66: {  	_ =	shalt  }
0x67: {  	_ =	shalt  }
0x68: {  	_ =	shalt  }
0x69: {  	_ =	shalt  }
0x6a: {  	_ =	shalt  }
0x6b: {  	_ =	shalt  }
0x6c: {  	_ =	shalt  }
0x6d: {  	_ =	shalt  }
0x6e: {  	_ =	shalt  }
0x6f: {  	_ =	shalt  }
0x70: {  	_ =	shalt  }
0x71: {  	_ =	shalt  }
0x72: {  	_ =	shalt  }
0x73: {  	_ =	shalt  }
0x74: {  	_ =	shalt  }
0x75: {  	_ =	shalt  }
0x76: {  	_ =	shalt  }
0x77: {  	_ =	shalt  }
0x78: {  	_ =	shalt  }
0x79: {  	_ =	shalt  }
0x7a: {  	_ =	shalt  }
0x7b: {  	_ =	shalt  }
0x7c: {  	_ =	shalt  }
0x7d: {  	_ =	shalt  }
0x7e: {  	_ =	shalt  }
0x7f: {  	_ =	shalt  }
0x80: {  	_ =	shalt  }
0x81: {  	_ =	shalt  }
0x82: {  	_ =	shalt  }
0x83: {  	_ =	shalt  }
0x84: {  	_ =	shalt  }
0x85: {  	_ =	shalt  }
0x86: {  	_ =	shalt  }
0x87: {  	_ =	shalt  }
.Lfunc_end0:
.L_simem_size_0:
called_computation.2_lowered:
.L_overlay_start_0:
0x88: {  	s2 =	sld [smem:$0x3FD9]  }
0x89: {  	s3 =	sld [smem:$0x3FFE];
	_ =	sdelay $0x1  }
0x8a: {  	s1 =	srdreg.scid  }
0x8b: {  	s0 =	sand.u32 $0x1, s1  }
0x8c: {  	s17 =	sshll.u32 s0, $0xA;
	s2 =	sadd.s32 s3, s2  }
0x8d: {  	s2 =	sadd.s32 s2, s17  }
0x8e: {  	[smem:$0x3FC2] =	sst s2  }
0x8f: {  	_ = 	snop  }
0x90: {  	s2 =	sld [smem:$0x3FD0];
	(tm) =	ssettm $0x1  }
0x91: {  	s18 =	sld [smem:$0x3FFB];
	_ =	sdelay $0x3  }
0x92: {  	_ =	strace s18  }
0x93: {  	s3 =	sld [smem:$0x3FFC];
	_ =	sdelay $0x3  }
0x94: {  	_ =	strace s3  }
0x95: {  	s3 =	sld [smem:$0x3FFD];
	_ =	sdelay $0x3  }
0x96: {  	_ =	strace s3  }
0x97: {  	_ =	strace $0x8FFFFFFF  }
0x98: {  	s19 =	sld [smem:$0x3FDB];
	_ =	sdelay $0x1  }
0x99: {  	s4 =	simm.s32 $_scs_section_size  }
0x9a: {  	s5 =	simm.s32 $_size__tile_overlayer_lowered;
	s6 =	simm.s32 $_tile_overlayer_lowered  }
0x9b: {  	s22 =	simm.s32 $0x1BFF;
	s21 =	sshll.u32 s6, $0x1;
	s3 =	sadd.s32 s4, s19  }
0x9c: {  	s7 =	simm.s32 $0x0;
	s20 =	sshll.u32 s5, $0x1;
	s5 =	sadd.s32 s21, s3  }
0x9d: {  	[timem:s7], [sflag:s22] =	dma.local [hbm:s5], s20  }
0x9e: {  	_ =	swait.ge [sflag:s22], s20  }
0x9f: {  	s4 =	ssub.s32 $0x0, s20;
	[sflag:s22] =	ssyncset.done $0x0  }
0xa0: {  	[sflag:s22] =	ssyncadd.s32 s4;
	_ =	sdelay $0x1  }
0xa1: {  	s23 =	simm.s32 $0x1B8B  }
0xa2: {  	_ =	swait.ge [sflag:s23], $0x1  }
0xa3: {  	[sflag:s23] =	ssyncset.done $0x0  }
0xa4: {  	s25 =	simm.s32 $0x1B8E;
	s24 =	sld [smem:$0x3FFE];
	[sflag:s23] =	ssyncadd.s32 $0xFFFFFFFF  }
0xa5: {  	s26 =	simm.s32 $execute0_lowered;
	[smem:$0x3FD2] =	sst s25  }
0xa6: {  	s5 =	sshll.u32 s26, $0x1;
	_ =	strace $0x8000004C;
	[dreg:$0x1] =	wrdreg $0xFFFFFFFF  }
0xa7: {  	s28 =	simm.s32 $_size_execute0_lowered;
	s3 =	sadd.s32 s3, s5;
	[dreg:$0x0] =	wrdreg $0x0  }
0xa8: {  	s5 =	sshll.u32 s28, $0x1;
	[dreg:$0x2] =	wrdreg s3  }
0xa9: {  	[dreg:$0x3] =	wrdreg s5  }
0xaa: {  	[dreg:$0x4] =	wrdreg $0xC0  }
0xab: {  	_ =	task [dreg:s7], $0x5FFFF  }
0xac: {  	[dreg:$0x1] =	wrdreg $0xFFFFFFFF  }
0xad: {  	[dreg:$0x0] =	wrdreg $0x60  }
0xae: {  	[dreg:$0x2] =	wrdreg s2  }
0xaf: {  	[dreg:$0x3] =	wrdreg s24  }
0xb0: {  	[dreg:$0x4] =	wrdreg $0xA8000  }
0xb1: {  	[dreg:$0x5] =	wrdreg $0x9  }
0xb2: {  	_ =	task.clear_ibuf [dreg:s7], $0x6FFFF;
	_ =	strace $0x9000004C  }
0xb3: {  	s29 =	simm.s32 $0x9;
	_ =	strace $0x8000004E  }
0xb4: {  	_ =	swait.ge [sflag:s29], $0x1  }
0xb5: {  	[sflag:s29] =	ssyncadd.s32 $0xFFFFFFFF  }
0xb6: {  	_ =	strace $0x9000004E  }
0xb7: {  	_ =	sfence  }
0xb8: {  	s30 =	sld [smem:$0x0];
	_ =	sdelay $0x2  }
0xb9: {  	s31 =	sshll.u32 s1, $0xD;
	s1 =	sshrl.u32 s1, $0x2  }
0xba: {  	s3 =	sand.u32 $0x4000, s31;
	s1 =	sadd.s32 s1, s30  }
0xbb: {  	s0 =	sor.u32 s3, s0;
	s1 =	sshll.u32 s1, $0x11  }
0xbc: {  	s0 =	sor.u32 s1, s0  }
0xbd: {  	s0 =	sadd.s32 $0x8F2B, s0  }
0xbe: {  	[sflag:s0] =	ssyncadd.remote.s32 $0x1  }
0xbf: {  	_ =	sfence.sel $0xFFFF  }
0xc0: {  	[dreg:$0x0] =	wrdreg $0xFFFFFFFF;
	(pc) =	sbr.abs _section_cstart, $3  }
0xc1: {  	[dreg:$0x1] =	wrdreg $0xFFFFFFFF  }
0xc2: {  	_ =	task.clear_ibuf [dreg:s7], $0x2FFFF;
	_ =	strace $0x9FFFFFFF  }
0xc3: {  	(tm) =	ssettm $0x7FFFFFFF  }
tec
execute0_lowered:
.L_overlay_start_1:
0x0: {  	(tag) =	ssettag $0x1  }
0x1: {  	s0 =	srdreg.scid  }
0x2: {  	s2 =	rddreg [dreg:$0x1];
	s9 =	stileid.u32  }
0x3: {  	s1 =	simm.s32 $0x0;
	s31 =	rddreg [dreg:$0x0];
	s4 =	smul.u32 $0x14000, s9  }
0x4: {  	s0 =	sand.u32 $0x1, s0;
	s5 =	sshll.u32 s9, $0x1;
	s30 =	smul.u32 $0x5000, s9  }
0x5: {  	[smem:$0x7FF] =	sst s1;
	s1 =	sadd.s32 $0xC800, s2;
	s3 =	smul.u32 $0x140000, s0  }
0x6: {  	s5 =	sor.u32 s0, s5;
	s6 =	ssub.s32 $0x2, s0;
	s0 =	smul.u32 $0x2800, s0  }
0x7: {  	s5 =	smul.u32 $0x2800, s5;
	s8 =	sshrl.u32 s6, $0x1;
	s4 =	sadd.s32 s4, s3  }
0x8: {  	s3 =	sadd.s32 $0x2800, s2;
	s6 =	ssub.s32 s6, s8;
	s0 =	sadd.s32 s0, s30  }
0x9: {  	s4 =	sshrl.u32 s4, $0x3;
	s20 =	sshrl.u32 s5, $0x3;
	s17 =	sor.u32 $0x4B0, s0  }
0xa: {  	s30 =	sor.u32 $0x320, s0;
	s7 =	sadd.s32 s4, s2;
	s21 =	sadd.s32 s1, s20  }
0xb: {  	s22 =	sadd.s32 s3, s20;
	s23 =	sor.u32 $0xA, s20;
	[dreg:$0x4] =	wrdreg s21  }
0xc: {  	s25 =	sor.u32 $0x14, s20;
	[dreg:$0x5] =	wrdreg s22;
	s24 =	sadd.s32 s1, s23  }
0xd: {  	s28 =	sor.u32 $0x1E, s20;
	s4 =	sadd.s32 s3, s23;
	[dreg:$0x6] =	wrdreg s24  }
0xe: {  	s11 =	sor.u32 $0x28, s20;
	s26 =	sadd.s32 s1, s25;
	[dreg:$0x7] =	wrdreg s4  }
0xf: {  	s12 =	sor.u32 $0x32, s20;
	s29 =	sadd.s32 s1, s28;
	[dreg:$0x8] =	wrdreg s26  }
0x10: {  	s15 =	sor.u32 $0x3C, s20;
	s10 =	sadd.s32 s1, s11;
	[dreg:$0xa] =	wrdreg s29  }
0x11: {  	s2 =	sor.u32 $0x46, s20;
	s5 =	sadd.s32 s3, s11;
	[dreg:$0xc] =	wrdreg s10  }
0x12: {  	s20 =	sor.u32 $0x460, s0;
	s13 =	sadd.s32 s1, s12;
	[dreg:$0xd] =	wrdreg s5  }
0x13: {  	s14 =	sadd.s32 s3, s12;
	s16 =	sadd.s32 s1, s15;
	[dreg:$0xe] =	wrdreg s13  }
0x14: {  	s18 =	sadd.s32 s1, s2;
	s2 =	sadd.s32 s3, s2;
	[dreg:$0xf] =	wrdreg s14  }
0x15: {  	s21 =	sor.u32 $0x410, s0;
	s23 =	sor.u32 $0x3C0, s0;
	[dreg:$0x10] =	wrdreg s16  }
0x16: {  	s11 =	sor.u32 $0x2D0, s0;
	s4 =	sadd.s32 s3, s25;
	[dreg:$0x12] =	wrdreg s18  }
0x17: {  	s5 =	sadd.s32 s3, s15;
	[dreg:$0x13] =	wrdreg s2;
	s2 =	sshrl.u32 s20, $0x3  }
0x18: {  	s24 =	sshrl.u32 s23, $0x3;
	s10 =	sshrl.u32 s30, $0x3;
	[dreg:$0x9] =	wrdreg s4  }
0x19: {  	s13 =	sshrl.u32 s11, $0x3;
	s4 =	sadd.s32 s3, s28;
	[dreg:$0x11] =	wrdreg s5  }
0x1a: {  	s15 =	smul.u32 $0x50000, s9;
	s22 =	sadd.s32 s2, s3;
	[dreg:$0xb] =	wrdreg s4  }
0x1b: {  	s20 =	sadd.s32 $0x16800, s7;
	s2 =	sadd.s32 s2, s1;
	[dreg:$0x16] =	wrdreg s22  }
0x1c: {  	s7 =	simm.s32 $0x380;
	s26 =	sadd.s32 s24, s3;
	[dreg:$0x17] =	wrdreg s2  }
0x1d: {  	s9 =	simm.s32 $0x50;
	s12 =	sadd.s32 s10, s3;
	[dreg:$0x1a] =	wrdreg s26  }
0x1e: {  	s11 =	simm.s32 $0x3000;
	s16 =	sadd.s32 s13, s3;
	[dreg:$0x1e] =	wrdreg s12  }
0x1f: {  	s28 =	sor.u32 $0x370, s0;
	s2 =	sadd.s32 s24, s1;
	[smem:$0x7F1] =	sst s16  }
0x20: {  	s4 =	sshrl.u32 s17, $0x3;
	s17 =	sadd.s32 s13, s1;
	[dreg:$0x1b] =	wrdreg s2  }
0x21: {  	s0 =	sor.u32 $0x280, s0;
	s19 =	sadd.s32 s4, s3;
	[smem:$0x7F2] =	sst s17  }
0x22: {  	s29 =	sshrl.u32 s28, $0x3;
	s4 =	sadd.s32 s4, s1;
	[dreg:$0x14] =	wrdreg s19  }
0x23: {  	s14 =	sshrl.u32 s0, $0x3;
	s8 =	sadd.s32 s29, s3;
	[dreg:$0x15] =	wrdreg s4  }
0x24: {  	s16 =	simm.s32 $0x800;
	s2 =	sadd.s32 s29, s1;
	[dreg:$0x1c] =	wrdreg s8  }
0x25: {  	s12 =	simm.s32 $0x5800;
	s18 =	sadd.s32 s14, s3;
	[dreg:$0x1d] =	wrdreg s2  }
0x26: {  	s4 =	sshrl.u32 s21, $0x3;
	s2 =	sadd.s32 s10, s1;
	[smem:$0x7F3] =	sst s18  }
0x27: {  	s13 =	simm.s32 $0x8;
	s25 =	sadd.s32 s4, s3;
	[dreg:$0x1f] =	wrdreg s2  }
0x28: {  	s5 =	sadd.s32 s14, s1;
	s4 =	sadd.s32 s4, s1;
	[dreg:$0x18] =	wrdreg s25  }
0x29: {  	s17 =	simm.s32 $0xD;
	s14 =	simm.s32 $0x1;
	[dreg:$0x19] =	wrdreg s4  }
0x2a: {  	s19 =	sshrl.u32 s15, $0x2;
	s21 =	smax.u32 s6, $0x1;
	s4 =	rddreg [dreg:$0x2]  }
0x2b: {  	s6 =	simm.s32 $0x780;
	_ =	strace $0x8000004D;
	[smem:$0x7F4] =	sst s20  }
0x2c: {  	s8 =	simm.s32 $0x8000;
	s24 =	sadd.s32 s19, s4;
	[smem:$0x7F5] =	sst s21  }
0x2d: {  	s15 =	simm.s32 $0x9;
	s22 =	sadd.s32 $0x2800, s24;
	[smem:$0x7FD] =	sst s24  }
0x2e: {  	s10 =	simm.s32 $0x2;
	s23 =	sadd.s32 $0x5000, s24;
	[smem:$0x7F6] =	sst s22  }
0x2f: {  	s18 =	simm.s32 $0x3;
	s25 =	sadd.s32 $0x7800, s24;
	[smem:$0x7F7] =	sst s23  }
.Ltmp0:
0x30: {  	s26 =	sadd.s32 $0xA000, s24;
	[smem:$0x7F8] =	sst s25;
	(pc) =	sbr.rel .LBB2_1-.Ltmp0, $4  }
0x31: {  	s1 =	simm.s32 $0xA;
	s28 =	sadd.s32 $0xC800, s24;
	[smem:$0x7F9] =	sst s26  }
0x32: {  	s2 =	simm.s32 $0x0;
	s29 =	sadd.s32 $0xF000, s24;
	[smem:$0x7FA] =	sst s28  }
0x33: {  	s19 =	simm.s32 $0xB;
	s30 =	sadd.s32 $0x11800, s24;
	[smem:$0x7FB] =	sst s29  }
0x34: {  	v0 =	vimm.f32 $0.0e+00;
	s20 =	simm.s32 $0x4;
	s21 =	simm.s32 $0xC;
	[smem:$0x7FC] =	sst s30  }
.LBB2_6:
0x35: {  	[bflag:$0x0] =	sbarrier.arrive $0xFFFF  }
0x36: {  	s24 =	sld [smem:$0x7FD]  }
0x37: {  	s0 =	stileid.u32;
	s3 =	sld [smem:$0x7F4]  }
0x38: {  	s0 =	sshll.u32 s0, $0x6  }
0x39: {  	s0 =	sor.u32 $0x1C0D, s0;
	s2 =	sshrl.u32 s24, $0x3  }
0x3a: {  	[hbm:s3], [sflag:s0] =	dma.local [spmem:s2], $0x2800  }
0x3b: {  	_ =	swait.ge [sflag:s17], $0x2800  }
0x3c: {  	s29 =	sld [smem:$0x7F0]  }
0x3d: {  	s30 =	sld [smem:$0x7F5];
	_ =	sdelay $0x1  }
0x3e: {  	s2 =	sadd.s32 $0x1, s29  }
0x3f: {  	p0 =	sne.s32 s2, s30  }
.Ltmp1:
0x40: {  	_ = 	snop;
	(pc) =	sbr.rel @!p0 .LBB2_7-.Ltmp1, $3  }
0x41: {  	_ =	sdelay $0x1  }
0x42: {  	[sflag:s17] =	ssyncset.done $0x0  }
0x43: {  	[sflag:s17] =	ssyncadd.s32 $0xFFFFD800  }
.LBB2_1:
0x44: {  	[smem:$0x7F0] =	sst s2;
	s22 =	simm.s32 $0x70;
	s23 =	simm.s32 $0x3C0  }
.LBB2_2:
0x45: {  	p0 =	sne.s32 s23, $0x9FC0;
	[tilespmem:s22+$0x800] =	vst v0  }
0x46: {  	[tilespmem:s22+$0x790] =	vst v0  }
0x47: {  	[tilespmem:s22+$0x7A0] =	vst v0  }
.Ltmp2:
0x48: {  	[tilespmem:s22+$0x7B0] =	vst v0;
	(pc) =	sbr.rel @p0 .LBB2_2-.Ltmp2, $4  }
0x49: {  	[tilespmem:s22+$0x7C0] =	vst v0  }
0x4a: {  	[tilespmem:s22+$0x7D0] =	vst v0  }
0x4b: {  	[tilespmem:s22+$0x7E0] =	vst v0  }
0x4c: {  	[tilespmem:s22+$0x7F0] =	vst v0;
	s22 =	sshra.s32 s23, $0x2;
	s23 =	sadd.s32 $0x200, s23  }
0x4d: {  	[tilespmem:s22+$0x800] =	vst v0  }
0x4e: {  	[tilespmem:s22+$0x790] =	vst v0  }
0x4f: {  	[tilespmem:s22+$0x7A0] =	vst v0  }
0x50: {  	[tilespmem:s22+$0x7B0] =	vst v0  }
0x51: {  	[tilespmem:s22+$0x7C0] =	vst v0  }
0x52: {  	[tilespmem:s22+$0x7D0] =	vst v0  }
0x53: {  	[tilespmem:s22+$0x7E0] =	vst v0  }
0x54: {  	[tilespmem:s22+$0x7F0] =	vst v0  }
0x55: {  	[spmem:s24] =	stream.linear.scatter [tilespmem:s16], [sflag:$0xD], $0x2800, $0x38;
	[tilespmem:$0x1E800] =	vst v63  }
0x56: {  	_ =	swait.ge [sflag:s17], $0x2800  }
0x57: {  	s0 =	sld [smem:$0x7F6]  }
0x58: {  	[sflag:s17] =	ssyncset.done $0x0  }
0x59: {  	[sflag:s17] =	ssyncadd.s32 $0xFFFFD800  }
0x5a: {  	[spmem:s0] =	stream.linear.scatter [tilespmem:s16], [sflag:$0xD], $0x2800, $0x38;
	[tilespmem:$0x1E800] =	vst v63  }
0x5b: {  	_ =	swait.ge [sflag:s17], $0x2800  }
0x5c: {  	s24 =	sld [smem:$0x7F7]  }
0x5d: {  	[sflag:s17] =	ssyncset.done $0x0  }
0x5e: {  	[sflag:s17] =	ssyncadd.s32 $0xFFFFD800  }
0x5f: {  	[spmem:s24] =	stream.linear.scatter [tilespmem:s16], [sflag:$0xD], $0x2800, $0x38;
	[tilespmem:$0x1E800] =	vst v63  }
0x60: {  	_ =	swait.ge [sflag:s17], $0x2800  }
0x61: {  	s25 =	sld [smem:$0x7F8]  }
0x62: {  	[sflag:s17] =	ssyncset.done $0x0  }
0x63: {  	[sflag:s17] =	ssyncadd.s32 $0xFFFFD800  }
0x64: {  	[spmem:s25] =	stream.linear.scatter [tilespmem:s16], [sflag:$0xD], $0x2800, $0x38;
	[tilespmem:$0x1E800] =	vst v63  }
0x65: {  	_ =	swait.ge [sflag:s17], $0x2800  }
0x66: {  	s26 =	sld [smem:$0x7F9]  }
0x67: {  	[sflag:s17] =	ssyncset.done $0x0  }
0x68: {  	[sflag:s17] =	ssyncadd.s32 $0xFFFFD800  }
0x69: {  	[spmem:s26] =	stream.linear.scatter [tilespmem:s16], [sflag:$0xD], $0x2800, $0x38;
	[tilespmem:$0x1E800] =	vst v63  }
0x6a: {  	_ =	swait.ge [sflag:s17], $0x2800  }
0x6b: {  	s28 =	sld [smem:$0x7FA]  }
0x6c: {  	[sflag:s17] =	ssyncset.done $0x0  }
0x6d: {  	[sflag:s17] =	ssyncadd.s32 $0xFFFFD800  }
0x6e: {  	[spmem:s28] =	stream.linear.scatter [tilespmem:s16], [sflag:$0xD], $0x2800, $0x38;
	[tilespmem:$0x1E800] =	vst v63  }
0x6f: {  	_ =	swait.ge [sflag:s17], $0x2800  }
0x70: {  	s29 =	sld [smem:$0x7FB]  }
0x71: {  	[sflag:s17] =	ssyncset.done $0x0  }
0x72: {  	[sflag:s17] =	ssyncadd.s32 $0xFFFFD800  }
0x73: {  	[spmem:s29] =	stream.linear.scatter [tilespmem:s16], [sflag:$0xD], $0x2800, $0x38;
	[tilespmem:$0x1E800] =	vst v63  }
0x74: {  	_ =	swait.ge [sflag:s17], $0x2800  }
0x75: {  	s30 =	sld [smem:$0x7FC]  }
0x76: {  	[sflag:s17] =	ssyncset.done $0x0  }
0x77: {  	[sflag:s17] =	ssyncadd.s32 $0xFFFFD800  }
0x78: {  	[spmem:s30] =	stream.linear.scatter [tilespmem:s16], [sflag:$0xD], $0x2800, $0x38;
	[tilespmem:$0x1E800] =	vst v63  }
0x79: {  	_ =	swait.ge [sflag:s17], $0x2800  }
0x7a: {  	[sflag:s17] =	ssyncset.done $0x0  }
0x7b: {  	[sflag:s17] =	ssyncadd.s32 $0xFFFFD800  }
0x7c: {  	[bflag:$0x0] =	sbarrier.arrive $0xFFFF  }
0x7d: {  	s22 =	simm.s32 $0x0;
	s2 =	rddreg [dreg:$0x4]  }
0x7e: {  	[tilespmem:s22], [sflag:$0x5] =	stream.linear.gather [hbm4b:s2+s22], $0x50, $0x38;
	[tilespmem:$0x1E800] =	vst v63  }
0x7f: {  	s3 =	rddreg [dreg:$0x5];
	s2 =	simm.s32 $0x400  }
0x80: {  	[tilespmem:s2], [sflag:$0x5] =	stream.linear.gather [hbm4b:s3+s22], $0x50, $0x38;
	[tilespmem:$0x1E800] =	vst v63  }
0x81: {  	s23 =	rddreg [dreg:$0x6];
	s2 =	simm.s32 $0x80  }
0x82: {  	[tilespmem:s2], [sflag:$0x6] =	stream.linear.gather [hbm4b:s23+s22], $0x50, $0x38;
	[tilespmem:$0x1E800] =	vst v63  }
0x83: {  	s24 =	rddreg [dreg:$0x7];
	s3 =	simm.s32 $0x480  }
0x84: {  	[tilespmem:s3], [sflag:$0x6] =	stream.linear.gather [hbm4b:s24+s22], $0x50, $0x38;
	[tilespmem:$0x1E800] =	vst v63  }
0x85: {  	s25 =	rddreg [dreg:$0x8];
	s3 =	simm.s32 $0x100  }
0x86: {  	[tilespmem:s3], [sflag:$0x7] =	stream.linear.gather [hbm4b:s25+s22], $0x50, $0x38;
	[tilespmem:$0x1E800] =	vst v63  }
0x87: {  	s26 =	rddreg [dreg:$0x9];
	s23 =	simm.s32 $0x500  }
0x88: {  	[tilespmem:s23], [sflag:$0x7] =	stream.linear.gather [hbm4b:s26+s22], $0x50, $0x38;
	[tilespmem:$0x1E800] =	vst v63  }
0x89: {  	s28 =	rddreg [dreg:$0xa];
	s23 =	simm.s32 $0x180  }
0x8a: {  	[tilespmem:s23], [sflag:$0x8] =	stream.linear.gather [hbm4b:s28+s22], $0x50, $0x38;
	[tilespmem:$0x1E800] =	vst v63  }
0x8b: {  	s30 =	simm.s32 $0x580;
	s29 =	rddreg [dreg:$0xb]  }
0x8c: {  	[tilespmem:s30], [sflag:$0x8] =	stream.linear.gather [hbm4b:s29+s22], $0x50, $0x38;
	[tilespmem:$0x1E800] =	vst v63  }
0x8d: {  	s24 =	rddreg [dreg:$0xc];
	s25 =	simm.s32 $0x200  }
0x8e: {  	[tilespmem:s25], [sflag:$0x9] =	stream.linear.gather [hbm4b:s24+s22], $0x50, $0x38;
	[tilespmem:$0x1E800] =	vst v63  }
0x8f: {  	s26 =	rddreg [dreg:$0xd];
	s28 =	simm.s32 $0x600  }
0x90: {  	[tilespmem:s28], [sflag:$0x9] =	stream.linear.gather [hbm4b:s26+s22], $0x50, $0x38;
	[tilespmem:$0x1E800] =	vst v63  }
0x91: {  	s29 =	rddreg [dreg:$0xe];
	s30 =	simm.s32 $0x280  }
0x92: {  	[tilespmem:s30], [sflag:$0xA] =	stream.linear.gather [hbm4b:s29+s22], $0x50, $0x38;
	[tilespmem:$0x1E800] =	vst v63  }
0x93: {  	s24 =	rddreg [dreg:$0xf];
	s25 =	simm.s32 $0x680  }
0x94: {  	[tilespmem:s25], [sflag:$0xA] =	stream.linear.gather [hbm4b:s24+s22], $0x50, $0x38;
	[tilespmem:$0x1E800] =	vst v63  }
0x95: {  	s26 =	rddreg [dreg:$0x10];
	s28 =	simm.s32 $0x300  }
0x96: {  	[tilespmem:s28], [sflag:$0xB] =	stream.linear.gather [hbm4b:s26+s22], $0x50, $0x38;
	[tilespmem:$0x1E800] =	vst v63  }
0x97: {  	s29 =	rddreg [dreg:$0x11];
	s30 =	simm.s32 $0x700  }
0x98: {  	[tilespmem:s30], [sflag:$0xB] =	stream.linear.gather [hbm4b:s29+s22], $0x50, $0x38;
	[tilespmem:$0x1E800] =	vst v63  }
0x99: {  	s25 =	rddreg [dreg:$0x12]  }
0x9a: {  	[tilespmem:s7], [sflag:$0xC] =	stream.linear.gather [hbm4b:s25+s22], $0x50, $0x38;
	[tilespmem:$0x1E800] =	vst v63  }
0x9b: {  	s26 =	rddreg [dreg:$0x13];
	s28 =	simm.s32 $0x5  }
0x9c: {  	[tilespmem:s6], [sflag:$0xC] =	stream.linear.gather [hbm4b:s26+s22], $0x50, $0x38;
	[tilespmem:$0x1E800] =	vst v63  }
0x9d: {  	_ =	swait.ge [sflag:s28], $0x50  }
0x9e: {  	[sflag:s28] =	ssyncset.done $0x0  }
0x9f: {  	[sflag:s28] =	ssyncadd.s32 $0xFFFFFFB0  }
0xa0: {  	_ =	swait.ge [sflag:s28], $0x50  }
0xa1: {  	[sflag:s28] =	ssyncset.done $0x0  }
0xa2: {  	s29 =	simm.s32 $0x6;
	[sflag:s28] =	ssyncadd.s32 $0xFFFFFFB0  }
0xa3: {  	[tilespmem:s16], [sflag:$0x1] =	stream.indirect.gather [hbm4b:s31+s9], $0x80, s22, s9, $0xb8;
	[tilespmem:$0x1E800] =	vst v63  }
0xa4: {  	_ =	swait.ge [sflag:s29], $0x50  }
0xa5: {  	[sflag:s29] =	ssyncset.done $0x0  }
0xa6: {  	[sflag:s29] =	ssyncadd.s32 $0xFFFFFFB0  }
0xa7: {  	_ =	swait.ge [sflag:s29], $0x50  }
0xa8: {  	[sflag:s29] =	ssyncset.done $0x0  }
0xa9: {  	s30 =	simm.s32 $0x7;
	[sflag:s29] =	ssyncadd.s32 $0xFFFFFFB0  }
0xaa: {  	[tilespmem:s11], [sflag:$0x2] =	stream.indirect.gather [hbm4b:s31+s9], $0x80, s2, s9, $0xb8;
	[tilespmem:$0x1E800] =	vst v63  }
0xab: {  	_ =	swait.ge [sflag:s30], $0x50  }
0xac: {  	[sflag:s30] =	ssyncset.done $0x0  }
0xad: {  	[sflag:s30] =	ssyncadd.s32 $0xFFFFFFB0  }
0xae: {  	_ =	swait.ge [sflag:s30], $0x50  }
0xaf: {  	[sflag:s30] =	ssyncset.done $0x0  }
0xb0: {  	[sflag:s30] =	ssyncadd.s32 $0xFFFFFFB0  }
0xb1: {  	[tilespmem:s12], [sflag:$0x3] =	stream.indirect.gather [hbm4b:s31+s9], $0x80, s3, s9, $0xb8;
	[tilespmem:$0x1E800] =	vst v63  }
0xb2: {  	_ =	swait.ge [sflag:s13], $0x50  }
0xb3: {  	[sflag:s13] =	ssyncset.done $0x0  }
0xb4: {  	[sflag:s13] =	ssyncadd.s32 $0xFFFFFFB0  }
0xb5: {  	_ =	swait.ge [sflag:s13], $0x50  }
0xb6: {  	[sflag:s13] =	ssyncset.done $0x0  }
0xb7: {  	[sflag:s13] =	ssyncadd.s32 $0xFFFFFFB0  }
0xb8: {  	[tilespmem:s8], [sflag:$0x4] =	stream.indirect.gather [hbm4b:s31+s9], $0x80, s23, s9, $0xb8;
	[tilespmem:$0x1E800] =	vst v63  }
.LBB2_4:
0xb9: {  	_ =	swait.ge [sflag:s14], $0x2800  }
0xba: {  	[sflag:s14] =	ssyncset.done $0x0  }
0xbb: {  	s0 =	simm.s32 $0x400;
	[sflag:s14] =	ssyncadd.s32 $0xFFFFD800  }
0xbc: {  	[spmem:s4] =	stream.indirect.scatter.add.f32 [tilespmem:s16], [sflag:$0xD], $0x80, s0, s9, $0xb8;
	[tilespmem:$0x1E800] =	vst v63  }
0xbd: {  	_ =	swait.ge [sflag:s17], $0x2800  }
0xbe: {  	[sflag:s17] =	ssyncset.done $0x0  }
0xbf: {  	[sflag:s17] =	ssyncadd.s32 $0xFFFFD800  }
0xc0: {  	_ =	swait.ge [sflag:s15], $0x50  }
0xc1: {  	[sflag:s15] =	ssyncset.done $0x0  }
0xc2: {  	[sflag:s15] =	ssyncadd.s32 $0xFFFFFFB0  }
0xc3: {  	_ =	swait.ge [sflag:s15], $0x50  }
0xc4: {  	s23 =	simm.s32 $0x200;
	[sflag:s15] =	ssyncset.done $0x0  }
0xc5: {  	p0 =	seq.s32 s22, $0x4B0;
	s0 =	sld [smem:$0x7F3];
	[sflag:s15] =	ssyncadd.s32 $0xFFFFFFB0  }
0xc6: {  	[tilespmem:s16], [sflag:$0x1] =	stream.indirect.gather [hbm4b:s31+s9], $0x80, s23, s9, $0xb8;
	[tilespmem:$0x1E800] =	vst v63  }
0xc7: {  	s24 =	sadd.s32 @!p0 s22, s5;
	s23 =	simm.s32 @!p0 $0x0  }
0xc8: {  	[tilespmem:s23], [sflag:$0x5] =	stream.linear.gather @!p0 [hbm4b:s24+s23], $0x50, $0x38;
	[tilespmem:$0x1E800] =	vst v63  }
0xc9: {  	s25 =	simm.s32 @!p0 $0x400;
	s24 =	sadd.s32 @!p0 s22, s0  }
0xca: {  	[tilespmem:s25], [sflag:$0x5] =	stream.linear.gather @!p0 [hbm4b:s24+s23], $0x50, $0x38;
	[tilespmem:$0x1E800] =	vst v63  }
0xcb: {  	_ =	swait.ge [sflag:s10], $0x2800  }
0xcc: {  	[sflag:s10] =	ssyncset.done $0x0  }
0xcd: {  	s24 =	simm.s32 $0x480;
	[sflag:s10] =	ssyncadd.s32 $0xFFFFD800  }
0xce: {  	[spmem:s4] =	stream.indirect.scatter.add.f32 [tilespmem:s11], [sflag:$0xD], $0x80, s24, s9, $0xb8;
	[tilespmem:$0x1E800] =	vst v63  }
0xcf: {  	_ =	swait.ge [sflag:s17], $0x2800  }
0xd0: {  	[sflag:s17] =	ssyncset.done $0x0  }
0xd1: {  	[sflag:s17] =	ssyncadd.s32 $0xFFFFD800  }
0xd2: {  	_ =	swait.ge [sflag:s1], $0x50  }
0xd3: {  	[sflag:s1] =	ssyncset.done $0x0  }
0xd4: {  	[sflag:s1] =	ssyncadd.s32 $0xFFFFFFB0  }
0xd5: {  	_ =	swait.ge [sflag:s1], $0x50  }
0xd6: {  	[sflag:s1] =	ssyncset.done $0x0;
	s0 =	sld [smem:$0x7F2]  }
0xd7: {  	s25 =	simm.s32 $0x280;
	[sflag:s1] =	ssyncadd.s32 $0xFFFFFFB0  }
0xd8: {  	[tilespmem:s11], [sflag:$0x2] =	stream.indirect.gather [hbm4b:s31+s9], $0x80, s25, s9, $0xb8;
	[tilespmem:$0x1E800] =	vst v63  }
0xd9: {  	s24 =	sadd.s32 @!p0 s22, s0;
	s0 =	sld [smem:$0x7F1]  }
0xda: {  	s25 =	simm.s32 @!p0 $0x80  }
0xdb: {  	[tilespmem:s25], [sflag:$0x6] =	stream.linear.gather @!p0 [hbm4b:s24+s23], $0x50, $0x38;
	[tilespmem:$0x1E800] =	vst v63  }
0xdc: {  	s26 =	simm.s32 @!p0 $0x480;
	s24 =	sadd.s32 @!p0 s22, s0  }
0xdd: {  	[tilespmem:s26], [sflag:$0x6] =	stream.linear.gather @!p0 [hbm4b:s24+s23], $0x50, $0x38;
	[tilespmem:$0x1E800] =	vst v63  }
0xde: {  	_ =	swait.ge [sflag:s18], $0x2800  }
0xdf: {  	[sflag:s18] =	ssyncset.done $0x0  }
0xe0: {  	s26 =	simm.s32 $0x500;
	[sflag:s18] =	ssyncadd.s32 $0xFFFFD800  }
0xe1: {  	[spmem:s4] =	stream.indirect.scatter.add.f32 [tilespmem:s12], [sflag:$0xD], $0x80, s26, s9, $0xb8;
	[tilespmem:$0x1E800] =	vst v63  }
0xe2: {  	_ =	swait.ge [sflag:s17], $0x2800  }
0xe3: {  	[sflag:s17] =	ssyncset.done $0x0  }
0xe4: {  	[sflag:s17] =	ssyncadd.s32 $0xFFFFD800  }
0xe5: {  	_ =	swait.ge [sflag:s19], $0x50  }
0xe6: {  	[sflag:s19] =	ssyncset.done $0x0  }
0xe7: {  	[sflag:s19] =	ssyncadd.s32 $0xFFFFFFB0  }
0xe8: {  	_ =	swait.ge [sflag:s19], $0x50  }
0xe9: {  	[sflag:s19] =	ssyncset.done $0x0  }
0xea: {  	s28 =	simm.s32 $0x300;
	s0 =	rddreg [dreg:$0x1f];
	[sflag:s19] =	ssyncadd.s32 $0xFFFFFFB0  }
0xeb: {  	[tilespmem:s12], [sflag:$0x3] =	stream.indirect.gather [hbm4b:s31+s9], $0x80, s28, s9, $0xb8;
	[tilespmem:$0x1E800] =	vst v63  }
0xec: {  	s24 =	simm.s32 @!p0 $0x100;
	s26 =	sadd.s32 @!p0 s22, s0;
	s0 =	rddreg [dreg:$0x1e]  }
0xed: {  	[tilespmem:s24], [sflag:$0x7] =	stream.linear.gather @!p0 [hbm4b:s26+s23], $0x50, $0x38;
	[tilespmem:$0x1E800] =	vst v63  }
0xee: {  	s28 =	simm.s32 @!p0 $0x500;
	s26 =	sadd.s32 @!p0 s22, s0  }
0xef: {  	[tilespmem:s28], [sflag:$0x7] =	stream.linear.gather @!p0 [hbm4b:s26+s23], $0x50, $0x38;
	[tilespmem:$0x1E800] =	vst v63  }
0xf0: {  	_ =	swait.ge [sflag:s20], $0x2800  }
0xf1: {  	[sflag:s20] =	ssyncset.done $0x0  }
0xf2: {  	s29 =	simm.s32 $0x580;
	[sflag:s20] =	ssyncadd.s32 $0xFFFFD800  }
0xf3: {  	[spmem:s4] =	stream.indirect.scatter.add.f32 [tilespmem:s8], [sflag:$0xD], $0x80, s29, s9, $0xb8;
	[tilespmem:$0x1E800] =	vst v63  }
0xf4: {  	_ =	swait.ge [sflag:s17], $0x2800  }
0xf5: {  	[sflag:s17] =	ssyncset.done $0x0  }
0xf6: {  	[sflag:s17] =	ssyncadd.s32 $0xFFFFD800  }
0xf7: {  	_ =	swait.ge [sflag:s21], $0x50  }
0xf8: {  	[sflag:s21] =	ssyncset.done $0x0  }
0xf9: {  	[sflag:s21] =	ssyncadd.s32 $0xFFFFFFB0  }
0xfa: {  	_ =	swait.ge [sflag:s21], $0x50  }
0xfb: {  	[sflag:s21] =	ssyncset.done $0x0  }
0xfc: {  	s26 =	simm.s32 @p0 $0x1;
	[sflag:s21] =	ssyncadd.s32 $0xFFFFFFB0  }
0xfd: {  	[tilespmem:s8], [sflag:$0x4] =	stream.indirect.gather [hbm4b:s31+s9], $0x80, s7, s9, $0xb8;
	[tilespmem:$0x1E800] =	vst v63  }
0xfe: {  	_ =	swait.ge @p0 [sflag:s26], $0x2800  }
0xff: {  	s28 =	simm.s32 @p0 $0x50;
	[sflag:s26] =	ssyncset.done @p0 $0x0  }
0x100: {  	s29 =	simm.s32 @p0 $0x800;
	[sflag:s26] =	ssyncadd.s32 @p0 $0xFFFFD800;
	s26 =	simm.s32 @p0 $0x600  }
0x101: {  	[spmem:s4] =	stream.indirect.scatter.add.f32 @p0 [tilespmem:s29], [sflag:$0xD], $0x80, s26, s28, $0xb8;
	[tilespmem:$0x1E800] =	vst v63  }
0x102: {  	s29 =	simm.s32 @p0 $0xD  }
0x103: {  	_ =	swait.ge @p0 [sflag:s29], $0x2800  }
0x104: {  	s30 =	simm.s32 @!p0 $0x180;
	[sflag:s29] =	ssyncset.done @p0 $0x0;
	s0 =	rddreg [dreg:$0x1d]  }
0x105: {  	[sflag:s29] =	ssyncadd.s32 @p0 $0xFFFFD800;
	s26 =	sadd.s32 @!p0 s22, s0;
	s0 =	rddreg [dreg:$0x1c]  }
0x106: {  	[tilespmem:s30], [sflag:$0x8] =	stream.linear.gather @!p0 [hbm4b:s26+s23], $0x50, $0x38;
	[tilespmem:$0x1E800] =	vst v63  }
0x107: {  	s26 =	sadd.s32 @!p0 s22, s0;
	s30 =	simm.s32 @!p0 $0x580  }
0x108: {  	[tilespmem:s30], [sflag:$0x8] =	stream.linear.gather @!p0 [hbm4b:s26+s23], $0x50, $0x38;
	[tilespmem:$0x1E800] =	vst v63  }
0x109: {  	s26 =	simm.s32 @!p0 $0x1  }
0x10a: {  	_ =	swait.ge @!p0 [sflag:s26], $0x2800  }
0x10b: {  	s2 =	simm.s32 @!p0 $0xD;
	s0 =	simm.s32 @!p0 $0x800;
	[sflag:s26] =	ssyncset.done @!p0 $0x0  }
0x10c: {  	s30 =	simm.s32 @!p0 $0x600;
	[sflag:s26] =	ssyncadd.s32 @!p0 $0xFFFFD800;
	s26 =	simm.s32 @!p0 $0x50  }
0x10d: {  	[spmem:s4] =	stream.indirect.scatter.add.f32 @!p0 [tilespmem:s0], [sflag:$0xD], $0x80, s30, s26, $0xb8;
	[tilespmem:$0x1E800] =	vst v63  }
0x10e: {  	_ =	swait.ge @!p0 [sflag:s2], $0x2800  }
0x10f: {  	[sflag:s2] =	ssyncset.done @!p0 $0x0  }
0x110: {  	s3 =	simm.s32 @!p0 $0x5;
	[sflag:s2] =	ssyncadd.s32 @!p0 $0xFFFFD800  }
0x111: {  	_ =	swait.ge @!p0 [sflag:s3], $0x50  }
0x112: {  	[sflag:s3] =	ssyncset.done @!p0 $0x0  }
0x113: {  	[sflag:s3] =	ssyncadd.s32 @!p0 $0xFFFFFFB0  }
0x114: {  	_ =	swait.ge @!p0 [sflag:s3], $0x50  }
0x115: {  	[sflag:s3] =	ssyncset.done @!p0 $0x0  }
0x116: {  	[sflag:s3] =	ssyncadd.s32 @!p0 $0xFFFFFFB0  }
0x117: {  	[tilespmem:s0], [sflag:$0x1] =	stream.indirect.gather @!p0 [hbm4b:s31+s26], $0x80, s23, s26, $0xb8;
	[tilespmem:$0x1E800] =	vst v63  }
0x118: {  	s0 =	rddreg [dreg:$0x1b]  }
0x119: {  	s3 =	simm.s32 @!p0 $0x200;
	s0 =	sadd.s32 @!p0 s22, s0  }
0x11a: {  	[tilespmem:s3], [sflag:$0x9] =	stream.linear.gather @!p0 [hbm4b:s0+s23], $0x50, $0x38;
	[tilespmem:$0x1E800] =	vst v63  }
0x11b: {  	s0 =	rddreg [dreg:$0x1a]  }
0x11c: {  	s0 =	sadd.s32 @!p0 s22, s0  }
0x11d: {  	[tilespmem:s30], [sflag:$0x9] =	stream.linear.gather @!p0 [hbm4b:s0+s23], $0x50, $0x38;
	[tilespmem:$0x1E800] =	vst v63  }
0x11e: {  	_ =	swait.ge [sflag:s10], $0x2800  }
0x11f: {  	[sflag:s10] =	ssyncset.done $0x0  }
0x120: {  	s30 =	simm.s32 $0x680;
	[sflag:s10] =	ssyncadd.s32 $0xFFFFD800  }
0x121: {  	[spmem:s4] =	stream.indirect.scatter.add.f32 [tilespmem:s11], [sflag:$0xD], $0x80, s30, s9, $0xb8;
	[tilespmem:$0x1E800] =	vst v63  }
0x122: {  	_ =	swait.ge [sflag:s17], $0x2800  }
0x123: {  	[sflag:s17] =	ssyncset.done $0x0  }
0x124: {  	s0 =	simm.s32 @p0 $0x3;
	[sflag:s17] =	ssyncadd.s32 $0xFFFFD800  }
0x125: {  	_ =	swait.ge @p0 [sflag:s0], $0x2800  }
0x126: {  	[sflag:s0] =	ssyncset.done @p0 $0x0  }
0x127: {  	s3 =	simm.s32 @p0 $0x5800;
	[sflag:s0] =	ssyncadd.s32 @p0 $0xFFFFD800;
	s0 =	simm.s32 @p0 $0x700  }
0x128: {  	[spmem:s4] =	stream.indirect.scatter.add.f32 @p0 [tilespmem:s3], [sflag:$0xD], $0x80, s0, s28, $0xb8;
	[tilespmem:$0x1E800] =	vst v63  }
0x129: {  	_ =	swait.ge @p0 [sflag:s29], $0x2800  }
0x12a: {  	[sflag:s29] =	ssyncset.done @p0 $0x0  }
0x12b: {  	s0 =	simm.s32 @!p0 $0x6;
	[sflag:s29] =	ssyncadd.s32 @p0 $0xFFFFD800  }
0x12c: {  	_ =	swait.ge @!p0 [sflag:s0], $0x50  }
0x12d: {  	[sflag:s0] =	ssyncset.done @!p0 $0x0  }
0x12e: {  	[sflag:s0] =	ssyncadd.s32 @!p0 $0xFFFFFFB0  }
0x12f: {  	_ =	swait.ge @!p0 [sflag:s0], $0x50  }
0x130: {  	[sflag:s0] =	ssyncset.done @!p0 $0x0  }
0x131: {  	[sflag:s0] =	ssyncadd.s32 @!p0 $0xFFFFFFB0;
	s0 =	simm.s32 @!p0 $0x3000  }
0x132: {  	[tilespmem:s0], [sflag:$0x2] =	stream.indirect.gather @!p0 [hbm4b:s31+s26], $0x80, s25, s26, $0xb8;
	[tilespmem:$0x1E800] =	vst v63  }
0x133: {  	s0 =	rddreg [dreg:$0x19]  }
0x134: {  	s3 =	simm.s32 @!p0 $0x280;
	s0 =	sadd.s32 @!p0 s22, s0  }
0x135: {  	[tilespmem:s3], [sflag:$0xA] =	stream.linear.gather @!p0 [hbm4b:s0+s23], $0x50, $0x38;
	[tilespmem:$0x1E800] =	vst v63  }
0x136: {  	s0 =	rddreg [dreg:$0x18]  }
0x137: {  	s3 =	simm.s32 @!p0 $0x680;
	s0 =	sadd.s32 @!p0 s22, s0  }
0x138: {  	[tilespmem:s3], [sflag:$0xA] =	stream.linear.gather @!p0 [hbm4b:s0+s23], $0x50, $0x38;
	[tilespmem:$0x1E800] =	vst v63  }
0x139: {  	s0 =	simm.s32 @!p0 $0x3  }
0x13a: {  	_ =	swait.ge @!p0 [sflag:s0], $0x2800  }
0x13b: {  	[sflag:s0] =	ssyncset.done @!p0 $0x0  }
0x13c: {  	s3 =	simm.s32 @!p0 $0x5800;
	[sflag:s0] =	ssyncadd.s32 @!p0 $0xFFFFD800;
	s0 =	simm.s32 @!p0 $0x700  }
0x13d: {  	[spmem:s4] =	stream.indirect.scatter.add.f32 @!p0 [tilespmem:s3], [sflag:$0xD], $0x80, s0, s26, $0xb8;
	[tilespmem:$0x1E800] =	vst v63  }
0x13e: {  	_ =	swait.ge @!p0 [sflag:s2], $0x2800  }
0x13f: {  	[sflag:s2] =	ssyncset.done @!p0 $0x0  }
0x140: {  	[sflag:s2] =	ssyncadd.s32 @!p0 $0xFFFFD800;
	s2 =	simm.s32 @!p0 $0x7  }
0x141: {  	_ =	swait.ge @!p0 [sflag:s2], $0x50  }
0x142: {  	[sflag:s2] =	ssyncset.done @!p0 $0x0  }
0x143: {  	[sflag:s2] =	ssyncadd.s32 @!p0 $0xFFFFFFB0  }
0x144: {  	_ =	swait.ge @!p0 [sflag:s2], $0x50  }
0x145: {  	[sflag:s2] =	ssyncset.done @!p0 $0x0  }
0x146: {  	[sflag:s2] =	ssyncadd.s32 @!p0 $0xFFFFFFB0;
	s2 =	rddreg [dreg:$0x17]  }
0x147: {  	[tilespmem:s3], [sflag:$0x3] =	stream.indirect.gather @!p0 [hbm4b:s31+s26], $0x80, s24, s26, $0xb8;
	[tilespmem:$0x1E800] =	vst v63  }
0x148: {  	s2 =	sadd.s32 @!p0 s22, s2;
	s3 =	simm.s32 @!p0 $0x300  }
0x149: {  	[tilespmem:s3], [sflag:$0xB] =	stream.linear.gather @!p0 [hbm4b:s2+s23], $0x50, $0x38;
	[tilespmem:$0x1E800] =	vst v63  }
0x14a: {  	s2 =	rddreg [dreg:$0x16]  }
0x14b: {  	s2 =	sadd.s32 @!p0 s22, s2  }
0x14c: {  	[tilespmem:s0], [sflag:$0xB] =	stream.linear.gather @!p0 [hbm4b:s2+s23], $0x50, $0x38;
	[tilespmem:$0x1E800] =	vst v63  }
0x14d: {  	_ =	swait.ge [sflag:s20], $0x2800  }
0x14e: {  	[sflag:s20] =	ssyncset.done $0x0  }
.Ltmp3:
0x14f: {  	[sflag:s20] =	ssyncadd.s32 $0xFFFFD800;
	(pc) =	sbr.rel @p0 .LBB2_6-.Ltmp3, $4  }
0x150: {  	[spmem:s4] =	stream.indirect.scatter.add.f32 [tilespmem:s8], [sflag:$0xD], $0x80, s6, s9, $0xb8;
	[tilespmem:$0x1E800] =	vst v63  }
0x151: {  	_ =	swait.ge [sflag:s17], $0x2800  }
0x152: {  	[sflag:s17] =	ssyncset.done $0x0  }
0x153: {  	[sflag:s17] =	ssyncadd.s32 $0xFFFFD800  }
0x154: {  	_ =	swait.ge [sflag:s13], $0x50  }
0x155: {  	[sflag:s13] =	ssyncset.done $0x0  }
0x156: {  	[sflag:s13] =	ssyncadd.s32 $0xFFFFFFB0  }
0x157: {  	_ =	swait.ge [sflag:s13], $0x50  }
0x158: {  	[sflag:s13] =	ssyncset.done $0x0  }
0x159: {  	s0 =	simm.s32 $0x180;
	[sflag:s13] =	ssyncadd.s32 $0xFFFFFFB0  }
0x15a: {  	[tilespmem:s8], [sflag:$0x4] =	stream.indirect.gather [hbm4b:s31+s9], $0x80, s0, s9, $0xb8;
	[tilespmem:$0x1E800] =	vst v63  }
.Ltmp4:
0x15b: {  	s29 =	rddreg [dreg:$0x15];
	(pc) =	sbr.rel .LBB2_4-.Ltmp4, $4  }
0x15c: {  	s2 =	simm.s32 $0x0;
	s30 =	rddreg [dreg:$0x14];
	s0 =	sadd.s32 s22, s29  }
0x15d: {  	[tilespmem:s7], [sflag:$0xC] =	stream.linear.gather [hbm4b:s0+s2], $0x50, $0x38;
	[tilespmem:$0x1E800] =	vst v63  }
0x15e: {  	s0 =	sadd.s32 s22, s30;
	s22 =	sadd.s32 $0x50, s22  }
0x15f: {  	[tilespmem:s6], [sflag:$0xC] =	stream.linear.gather [hbm4b:s0+s2], $0x50, $0x38;
	[tilespmem:$0x1E800] =	vst v63  }
.LBB2_7:
0x160: {  	_ =	sfence.sel $0x180000  }
0x161: {  	[bflag:$0x0] =	sbarrier.arrive $0xFFFF  }
0x162: {  	_ =	strace $0x9000004D  }
0x163: {  	s0 =	stileid.u32;
	[bflag:$0x2] =	sbarrier.arrive $0xFFFF  }
0x164: {  	p0 =	sne.s32 s0, $0x0;
	s0 =	rddreg [dreg:$0x3]  }
0x165: {  	s0 =	sadd.s32 @!p0 $0x100000, s0  }
0x166: {  	[sflag:s0] =	ssyncadd.tile.s32 @!p0 $0x1;
	_ =	shalt  }
.Lfunc_end2:
_tile_overlayer_lowered:
.L_overlay_start_2:
0x167: {  	(tag) =	ssettag $0x2  }
0x168: {  	s0 =	rddreg [dreg:$0x0];
	s2 =	stileid.u32  }
0x169: {  	s1 =	rddreg [dreg:$0x1];
	p0 =	sne.s32 s2, $0x0  }
0x16a: {  	s3 =	rddreg [dreg:$0x2];
	[bflag:$0x3] =	sbarrier.arrive $0xFFFF;
	s2 =	simm.s32 @!p0 $0x1C0D  }
0x16b: {  	[timem:s3], [sflag:s2] =	dma.local @!p0 [hbm:s0], s1  }
0x16c: {  	s0 =	simm.s32 @!p0 $0xD  }
0x16d: {  	_ =	swait.ge @!p0 [sflag:s0], s1  }
0x16e: {  	s1 =	ssub.s32 @!p0 $0x0, s1;
	[sflag:s0] =	ssyncset.done @!p0 $0x0  }
0x16f: {  	[sflag:s0] =	ssyncadd.s32 @!p0 s1  }
0x170: {  	[bflag:$0x3] =	sbarrier.arrive $0xFFFF  }
0x171: {  	_ =	shalt  }

// kernel: kernel.8.cloned.1.call-start
scs
__scs_entry_jumppad:
0x0: {  	(pc) =	sbr.rel $0x88, $3  }
0x1: {  	(tag) =	ssettag $0x0;
	lr =	simm.s32 $0x1  }
0x2: {  	[smem:$0x3F9B] =	sst lr;
	_ =	strace $0xD0000000  }
0x3: {  	_ = 	snop  }
0x4: {  	_ = 	snop  }
0x5: {  	_ = 	snop  }
0x6: {  	_ = 	snop  }
0x7: {  	_ = 	snop  }
__scs_overlays_trampoline_lowered:
0x8: {  	[smem:$0x3FAA] =	sst s0  }
0x9: {  	[smem:$0x3FAB] =	sst s1  }
0xa: {  	[smem:$0x3FAC] =	sst s2  }
0xb: {  	[smem:$0x3FAD] =	sst s3  }
0xc: {  	[smem:$0x3FAE] =	sst s4  }
0xd: {  	[smem:$0x3FAF] =	sst s5  }
0xe: {  	[smem:$0x3FB0] =	sst s6  }
0xf: {  	[smem:$0x3FB1] =	sst s7  }
0x10: {  	[smem:$0x3FB2] =	sst s8  }
0x11: {  	[smem:$0x3FB3] =	sst s9;
	s0 =	simm.s32 @!p0 $0x0  }
0x12: {  	s1 =	sld [smem:$0x3F99];
	s0 =	simm.s32 @p0 $0x1  }
0x13: {  	[smem:$0x3FB4] =	sst s0;
	s0 =	simm.s32 @!p1 $0x0  }
0x14: {  	s2 =	sld [smem:$0x3F98];
	s0 =	simm.s32 @p1 $0x1  }
0x15: {  	[smem:$0x3FB5] =	sst s0;
	s0 =	simm.s32 @!p2 $0x0  }
0x16: {  	s3 =	sld [smem:$0x3FDB];
	s0 =	simm.s32 @p2 $0x1  }
0x17: {  	s4 =	simm.s32 $0x1BF5;
	[smem:$0x3FB7] =	sst s0  }
0x18: {  	s0 =	sld [smem:$0x3F9A];
	_ =	swait.ge [sflag:s4], $0x0  }
0x19: {  	s7 =	sld [smem:$0x3F9B]  }
0x1a: {  	s8 =	sadd.s32 $0xFFFFE003, lr  }
0x1b: {  	s9 =	sadd.s32 $0xFFFFFEF7, lr;
	s5 =	simm.s32 $0xFFFFFFFF;
	p2 =	slt.u32 s8, $0xFFFFF086  }
0x1c: {  	p1 =	slt.u32 s9, $0xF7A;
	s5 =	simm.s32 @!p2 $0x0  }
0x1d: {  	s5 =	simm.s32 @p1 $0x1;
	p0 =	seq.s32 s7, s2  }
0x1e: {  	s7 =	smul.u32 @!p0 $0xF7A, s2;
	p2 =	seq.s32 @!p0 s5, $0x0  }
0x1f: {  	s9 =	smul.u32 $0xF7A, s1;
	s8 =	simm.s32 @!p0 $0x1BF5;
	p2 =	por !p2, p0  }
0x20: {  	[sflag:s8] =	ssyncset.s32 @!p0 $0xFFFFF086;
	s6 =	sadd.s32 @!p0 s3, s7;
	s7 =	simm.s32 @!p0 $0x108  }
0x21: {  	s3 =	sadd.s32 s3, s9;
	s6 =	sadd.s32 @!p0 $0x88, s6;
	s7 =	simm.s32 @p2 $0x1082  }
0x22: {  	[simem:s7], [sflag:s8] =	dma.local @!p0 [hbm:s6], $0xF7A  }
0x23: {  	s9 =	sor.u32 $0xD0000000, s2;
	s6 =	simm.s32 $0x108;
	_ =	swait.ge @!p0 [sflag:s8], $0x0  }
0x24: {  	s3 =	sadd.s32 $0x88, s3;
	s6 =	simm.s32 @!p1 $0x1082;
	[sflag:s4] =	ssyncset.s32 $0xFFFFF086  }
0x25: {  	[simem:s6], [sflag:s4] =	dma.local [hbm:s3], $0xF7A  }
0x26: {  	[smem:$0x3F9B] =	sst s1;
	(tag) =	ssettag s2;
	_ =	strace s9  }
0x27: {  	s1 =	sld [smem:$0x3FAB]  }
0x28: {  	s2 =	sld [smem:$0x3FAC]  }
0x29: {  	s4 =	sld [smem:$0x3FAE]  }
0x2a: {  	p0 =	seq.s32 s5, $0x0;
	s5 =	sld [smem:$0x3FAF]  }
0x2b: {  	s6 =	sld [smem:$0x3FB0]  }
0x2c: {  	s7 =	sld [smem:$0x3FB1]  }
0x2d: {  	s3 =	simm.s32 $0x108;
	s8 =	sld [smem:$0x3FB2]  }
0x2e: {  	s3 =	simm.s32 @!p0 $0x1082;
	s9 =	sld [smem:$0x3FB3]  }
0x2f: {  	lr =	sadd.s32 s0, s3;
	s0 =	sld [smem:$0x3FAA]  }
0x30: {  	s3 =	sld [smem:$0x3FAD]  }
0x31: {  	[smem:$0x3FB6] =	sst s10  }
0x32: {  	s10 =	sld [smem:$0x3FB4];
	_ =	sdelay $0x3  }
0x33: {  	p0 =	seq.s32 s10, $0x1;
	s10 =	sld [smem:$0x3FB6];
	_ =	sdelay $0x3  }
0x34: {  	[smem:$0x3FB6] =	sst s10  }
0x35: {  	s10 =	sld [smem:$0x3FB5];
	_ =	sdelay $0x3  }
0x36: {  	p1 =	seq.s32 s10, $0x1;
	s10 =	sld [smem:$0x3FB6];
	_ =	sdelay $0x3  }
0x37: {  	[smem:$0x3FB6] =	sst s10  }
0x38: {  	s10 =	sld [smem:$0x3FB7]  }
0x39: {  	_ = 	snop;
	(pc) =	sbr.ind lr, $3  }
0x3a: {  	_ = 	snop  }
0x3b: {  	_ = 	snop  }
0x3c: {  	p2 =	seq.s32 s10, $0x1;
	s10 =	sld [smem:$0x3FB6]  }
0x3d: {  	_ =	shalt  }
0x3e: {  	_ =	shalt  }
0x3f: {  	_ =	shalt  }
0x40: {  	_ =	shalt  }
0x41: {  	_ =	shalt  }
0x42: {  	_ =	shalt  }
0x43: {  	_ =	shalt  }
0x44: {  	_ =	shalt  }
0x45: {  	_ =	shalt  }
0x46: {  	_ =	shalt  }
0x47: {  	_ =	shalt  }
0x48: {  	_ =	shalt  }
0x49: {  	_ =	shalt  }
0x4a: {  	_ =	shalt  }
0x4b: {  	_ =	shalt  }
0x4c: {  	_ =	shalt  }
0x4d: {  	_ =	shalt  }
0x4e: {  	_ =	shalt  }
0x4f: {  	_ =	shalt  }
0x50: {  	_ =	shalt  }
0x51: {  	_ =	shalt  }
0x52: {  	_ =	shalt  }
0x53: {  	_ =	shalt  }
0x54: {  	_ =	shalt  }
0x55: {  	_ =	shalt  }
0x56: {  	_ =	shalt  }
0x57: {  	_ =	shalt  }
0x58: {  	_ =	shalt  }
0x59: {  	_ =	shalt  }
0x5a: {  	_ =	shalt  }
0x5b: {  	_ =	shalt  }
0x5c: {  	_ =	shalt  }
0x5d: {  	_ =	shalt  }
0x5e: {  	_ =	shalt  }
0x5f: {  	_ =	shalt  }
0x60: {  	_ =	shalt  }
0x61: {  	_ =	shalt  }
0x62: {  	_ =	shalt  }
0x63: {  	_ =	shalt  }
0x64: {  	_ =	shalt  }
0x65: {  	_ =	shalt  }
0x66: {  	_ =	shalt  }
0x67: {  	_ =	shalt  }
0x68: {  	_ =	shalt  }
0x69: {  	_ =	shalt  }
0x6a: {  	_ =	shalt  }
0x6b: {  	_ =	shalt  }
0x6c: {  	_ =	shalt  }
0x6d: {  	_ =	shalt  }
0x6e: {  	_ =	shalt  }
0x6f: {  	_ =	shalt  }
0x70: {  	_ =	shalt  }
0x71: {  	_ =	shalt  }
0x72: {  	_ =	shalt  }
0x73: {  	_ =	shalt  }
0x74: {  	_ =	shalt  }
0x75: {  	_ =	shalt  }
0x76: {  	_ =	shalt  }
0x77: {  	_ =	shalt  }
0x78: {  	_ =	shalt  }
0x79: {  	_ =	shalt  }
0x7a: {  	_ =	shalt  }
0x7b: {  	_ =	shalt  }
0x7c: {  	_ =	shalt  }
0x7d: {  	_ =	shalt  }
0x7e: {  	_ =	shalt  }
0x7f: {  	_ =	shalt  }
0x80: {  	_ =	shalt  }
0x81: {  	_ =	shalt  }
0x82: {  	_ =	shalt  }
0x83: {  	_ =	shalt  }
0x84: {  	_ =	shalt  }
0x85: {  	_ =	shalt  }
0x86: {  	_ =	shalt  }
0x87: {  	_ =	shalt  }
.Lfunc_end0:
.L_simem_size_0:
called_computation_lowered:
.L_overlay_start_0:
0x88: {  	s2 =	sld [smem:$0x3FD9]  }
0x89: {  	s3 =	sld [smem:$0x3FFE];
	_ =	sdelay $0x1  }
0x8a: {  	s1 =	srdreg.scid  }
0x8b: {  	s0 =	sand.u32 $0x1, s1  }
0x8c: {  	s17 =	sshll.u32 s0, $0xA;
	s2 =	sadd.s32 s3, s2  }
0x8d: {  	s2 =	sadd.s32 s2, s17  }
0x8e: {  	[smem:$0x3FC2] =	sst s2  }
0x8f: {  	_ = 	snop  }
0x90: {  	s2 =	sld [smem:$0x3FD0];
	(tm) =	ssettm $0x1  }
0x91: {  	s18 =	sld [smem:$0x3FFB];
	_ =	sdelay $0x3  }
0x92: {  	_ =	strace s18  }
0x93: {  	s3 =	sld [smem:$0x3FFC];
	_ =	sdelay $0x3  }
0x94: {  	_ =	strace s3  }
0x95: {  	s3 =	sld [smem:$0x3FFD];
	_ =	sdelay $0x3  }
0x96: {  	_ =	strace s3  }
0x97: {  	_ =	strace $0x8FFFFFFF  }
0x98: {  	s19 =	sld [smem:$0x3FDB];
	_ =	sdelay $0x1  }
0x99: {  	s4 =	simm.s32 $_scs_section_size  }
0x9a: {  	s5 =	simm.s32 $_size__tile_overlayer_lowered;
	s6 =	simm.s32 $_tile_overlayer_lowered  }
0x9b: {  	s22 =	simm.s32 $0x1BFF;
	s21 =	sshll.u32 s6, $0x1;
	s3 =	sadd.s32 s4, s19  }
0x9c: {  	s7 =	simm.s32 $0x0;
	s20 =	sshll.u32 s5, $0x1;
	s5 =	sadd.s32 s21, s3  }
0x9d: {  	[timem:s7], [sflag:s22] =	dma.local [hbm:s5], s20  }
0x9e: {  	_ =	swait.ge [sflag:s22], s20  }
0x9f: {  	s4 =	ssub.s32 $0x0, s20;
	[sflag:s22] =	ssyncset.done $0x0  }
0xa0: {  	[sflag:s22] =	ssyncadd.s32 s4;
	_ =	sdelay $0x1  }
0xa1: {  	s23 =	simm.s32 $0x1B8B  }
0xa2: {  	_ =	swait.ge [sflag:s23], $0x1  }
0xa3: {  	[sflag:s23] =	ssyncset.done $0x0  }
0xa4: {  	s25 =	simm.s32 $0x1B8E;
	s24 =	sld [smem:$0x3FFE];
	[sflag:s23] =	ssyncadd.s32 $0xFFFFFFFF  }
0xa5: {  	s26 =	simm.s32 $execute0_lowered;
	[smem:$0x3FD2] =	sst s25  }
0xa6: {  	s5 =	sshll.u32 s26, $0x1;
	_ =	strace $0x80000046;
	[dreg:$0x1] =	wrdreg $0xFFFFFFFF  }
0xa7: {  	s28 =	simm.s32 $_size_execute0_lowered;
	s3 =	sadd.s32 s3, s5;
	[dreg:$0x0] =	wrdreg $0x0  }
0xa8: {  	s5 =	sshll.u32 s28, $0x1;
	[dreg:$0x2] =	wrdreg s3  }
0xa9: {  	[dreg:$0x3] =	wrdreg s5  }
0xaa: {  	[dreg:$0x4] =	wrdreg $0xC0  }
0xab: {  	_ =	task [dreg:s7], $0x5FFFF  }
0xac: {  	[dreg:$0x1] =	wrdreg $0xFFFFFFFF  }
0xad: {  	[dreg:$0x0] =	wrdreg $0x60  }
0xae: {  	[dreg:$0x2] =	wrdreg s24  }
0xaf: {  	[dreg:$0x3] =	wrdreg s2  }
0xb0: {  	[dreg:$0x4] =	wrdreg $0x9  }
0xb1: {  	_ =	task.clear_ibuf [dreg:s7], $0x5FFFF;
	_ =	strace $0x90000046  }
0xb2: {  	s29 =	simm.s32 $0x9;
	_ =	strace $0x80000048  }
0xb3: {  	_ =	swait.ge [sflag:s29], $0x1  }
0xb4: {  	[sflag:s29] =	ssyncadd.s32 $0xFFFFFFFF  }
0xb5: {  	_ =	strace $0x90000048  }
0xb6: {  	_ =	sfence  }
0xb7: {  	s30 =	sld [smem:$0x0];
	_ =	sdelay $0x2  }
0xb8: {  	s31 =	sshll.u32 s1, $0xD;
	s1 =	sshrl.u32 s1, $0x2  }
0xb9: {  	s3 =	sand.u32 $0x4000, s31;
	s1 =	sadd.s32 s1, s30  }
0xba: {  	s0 =	sor.u32 s3, s0;
	s1 =	sshll.u32 s1, $0x11  }
0xbb: {  	s0 =	sor.u32 s1, s0  }
0xbc: {  	s0 =	sadd.s32 $0x8F2B, s0  }
0xbd: {  	[sflag:s0] =	ssyncadd.remote.s32 $0x1  }
0xbe: {  	_ =	sfence.sel $0xFFFF  }
0xbf: {  	[dreg:$0x0] =	wrdreg $0xFFFFFFFF;
	(pc) =	sbr.abs _section_cstart, $3  }
0xc0: {  	[dreg:$0x1] =	wrdreg $0xFFFFFFFF  }
0xc1: {  	_ =	task.clear_ibuf [dreg:s7], $0x2FFFF;
	_ =	strace $0x9FFFFFFF  }
0xc2: {  	(tm) =	ssettm $0x7FFFFFFF  }
0xc3: {  	_ =	shalt  }
tec
execute0_lowered:
.L_overlay_start_1:
0x0: {  	(tag) =	ssettag $0x1  }
0x1: {  	s3 =	rddreg [dreg:$0x0];
	s1 =	srdreg.scid  }
0x2: {  	s0 =	stileid.u32;
	s4 =	rddreg [dreg:$0x1]  }
0x3: {  	s8 =	simm.s32 $0x0;
	s5 =	sand.u32 $0x1, s1;
	s2 =	sshll.u32 s0, $0x1  }
0x4: {  	s6 =	sor.u32 s5, s2;
	s2 =	simm.s32 $0x0;
	s5 =	ssub.s32 $0x2, s5  }
0x5: {  	s6 =	smul.u32 $0x500, s6;
	[smem:$0x7FF] =	sst s2;
	s7 =	sshrl.u32 s5, $0x1  }
0x6: {  	s1 =	rddreg [dreg:$0x2];
	_ =	strace $0x80000047;
	s5 =	ssub.s32 s5, s7  }
0x7: {  	s7 =	simm.s32 $0x2800;
	s3 =	sadd.s32 s6, s3;
	s4 =	sadd.s32 s4, s6  }
0x8: {  	v0 =	vimm.f32 $0.0e+00;
	v1 =	vimm.f32 $1.000000000e+00;
	s5 =	smax.u32 s5, $0x1;
	s6 =	simm.s32 $0x1;
	s3 =	sadd.s32 $0x2800, s3  }
.LBB2_1:
0x9: {  	s9 =	simm.s32 $0x40;
	s10 =	simm.s32 $0x0  }
.LBB2_2:
0xa: {  	p0 =	sne.s32 s9, $0x9FC0;
	[tilespmem:s10+$0x2800] =	vst v0;
	s10 =	smov.u32 s9;
	s9 =	sadd.s32 $0x40, s9  }
.Ltmp0:
0xb: {  	(pc) =	sbr.rel @p0 .LBB2_2-.Ltmp0, $2  }
0xc: {  	_ =	sdelay $0x2  }
0xd: {  	s10 =	sshra.s32 s10, $0x2  }
0xe: {  	[tilespmem:s10+$0x2800] =	vst v0;
	s9 =	simm.s32 $0x0  }
0xf: {  	[tilespmem:s9], [sflag:$0x1] =	stream.linear.gather [hbm4b:s3+s9], $0x2800, $0x38;
	[tilespmem:$0x5000] =	vst v63  }
0x10: {  	_ =	swait.ge [sflag:s6], $0x2800  }
0x11: {  	[sflag:s6] =	ssyncset.done $0x0  }
0x12: {  	s10 =	simm.s32 $0x0;
	s9 =	simm.s32 $0x40;
	[sflag:s6] =	ssyncadd.s32 $0xFFFFD800  }
.LBB2_4:
0x13: {  	p0 =	sne.s32 s9, $0x9FC0;
	v2 =	vld [tilespmem:s10+$0x0];
	_ =	sdelay $0x3  }
.Ltmp1:
0x14: {  	(pc) =	sbr.rel @p0 .LBB2_4-.Ltmp1, $2  }
0x15: {  	_ =	sdelay $0x2  }
0x16: {  	s10 =	sshra.s32 s9, $0x2;
	s9 =	sadd.s32 $0x40, s9;
	[tilespmem:v2+s7+$0x0] =	vst.idx.add.f32.msk $0xffff, v1  }
0x17: {  	v2 =	vld [tilespmem:s10+$0x0];
	_ =	sdelay $0x5  }
0x18: {  	s8 =	sadd.s32 $0x1, s8  }
0x19: {  	p0 =	sne.s32 s8, s5  }
.Ltmp2:
0x1a: {  	[tilespmem:v2+s7+$0x0] =	vst.idx.add.f32.msk $0xffff, v1;
	(pc) =	sbr.rel @p0 .LBB2_1-.Ltmp2, $4  }
0x1b: {  	[hbm4b:s4+s2] =	stream.linear.scatter [tilespmem:s7], [sflag:$0x1], $0x2800, $0x38;
	[tilespmem:$0x5000] =	vst v63  }
0x1c: {  	_ =	swait.ge [sflag:s6], $0x2800  }
0x1d: {  	[sflag:s6] =	ssyncset.done $0x0  }
0x1e: {  	[sflag:s6] =	ssyncadd.s32 $0xFFFFD800  }
0x1f: {  	_ =	sfence.sel $0x180000  }
0x20: {  	[bflag:$0x0] =	sbarrier.arrive $0xFFFF  }
0x21: {  	p0 =	sne.s32 s0, $0x0;
	_ =	strace $0x90000047  }
0x22: {  	s0 =	sadd.s32 @!p0 $0x100000, s1;
	[bflag:$0x2] =	sbarrier.arrive $0xFFFF  }
0x23: {  	[sflag:s0] =	ssyncadd.tile.s32 @!p0 $0x1;
	_ =	shalt  }
.Lfunc_end2:
_tile_overlayer_lowered:
.L_overlay_start_2:
0x24: {  	(tag) =	ssettag $0x2  }
0x25: {  	s0 =	rddreg [dreg:$0x0];
	s2 =	stileid.u32  }
0x26: {  	s1 =	rddreg [dreg:$0x1];
	p0 =	sne.s32 s2, $0x0  }
0x27: {  	s3 =	rddreg [dreg:$0x2];
	[bflag:$0x3] =	sbarrier.arrive $0xFFFF;
	s2 =	simm.s32 @!p0 $0x1C01  }
0x28: {  	[timem:s3], [sflag:s2] =	dma.local @!p0 [hbm:s0], s1  }
0x29: {  	s0 =	simm.s32 @!p0 $0x1  }
0x2a: {  	_ =	swait.ge @!p0 [sflag:s0], s1  }
0x2b: {  	s1 =	ssub.s32 @!p0 $0x0, s1;
	[sflag:s0] =	ssyncset.done @!p0 $0x0  }
0x2c: {  	[sflag:s0] =	ssyncadd.s32 @!p0 s1  }
0x2d: {  	[bflag:$0x3] =	sbarrier.arrive $0xFFFF  }
0x2e: {  	_ =	shalt  }

</sc_bundles>
